<compile_context>
chip_gen: v7x
topology: tpu7x:2x2x1
jax: 0.10.2.dev20260603
libtpu: 0.0.44.dev20260713+nightly
codegen_flags: <defaults>
</compile_context>

<pallas_src>
import functools

import jax
import jax.numpy as jnp
from jax import lax
from jax.experimental import pallas as pl
from jax.experimental.pallas import tpu as pltpu
from jax.experimental.pallas import tpu_sc as plsc

NUM_CORES = 2
NUM_SUBCORES = 16
NUM_WORKERS = NUM_CORES * NUM_SUBCORES
LANES = 16

CHUNK = 8
NGBUF = 8
NBUF = 6


def kernel(pos_idxs, pos_emb):
    B, S = pos_idxs.shape
    V, D = pos_emb.shape
    n_idx = B * S
    per_worker = n_idx // NUM_WORKERS
    n_chunks = per_worker // CHUNK

    idx_flat = pos_idxs.reshape(n_idx).astype(jnp.int32)

    mesh = plsc.VectorSubcoreMesh(core_axis_name="c", subcore_axis_name="s")

    @functools.partial(
        pl.kernel,
        mesh=mesh,
        out_type=jax.ShapeDtypeStruct((n_idx, D), jnp.float32),
        scratch_types=(
            [pltpu.VMEM((per_worker,), jnp.int32)]
            + [pltpu.VMEM_SHARED((NUM_SUBCORES, NBUF, CHUNK, D), jnp.float32)]
            + [pltpu.VMEM((CHUNK, D), jnp.float32) for _ in range(NGBUF)]
            + [pltpu.SemaphoreType.DMA for _ in range(2 * NGBUF + NBUF)]
        ),
    )
    def gather_kernel(table_hbm, idx_hbm, out_hbm, idx_v, spmem, *rest):
        bufs = rest[:NGBUF]
        sg = rest[NGBUF : 2 * NGBUF]
        ss = rest[2 * NGBUF : 3 * NGBUF]
        swr = rest[3 * NGBUF :]

        sid = lax.axis_index("s")
        wid = sid * NUM_CORES + lax.axis_index("c")
        base = wid * per_worker
        pltpu.sync_copy(idx_hbm.at[pl.ds(base, per_worker)], idx_v)

        @pl.loop(0, per_worker, step=LANES)
        def _(o):
            v = idx_v[pl.ds(o, LANES)]
            idx_v[pl.ds(o, LANES)] = jnp.minimum(jnp.maximum(v, 0), V - 1)

        def start_g(c, k):
            pltpu.async_copy(
                table_hbm.at[idx_v.at[pl.ds(c * CHUNK, CHUNK)]], bufs[k], sg[k]
            )

        def wait_g(k):
            pltpu.make_async_copy(out_hbm.at[pl.ds(base, CHUNK)], bufs[k], sg[k]).wait()

        def start_s(b, t):
            pltpu.async_copy(bufs[b], spmem.at[sid, t], ss[b])

        def wait_s(b, t):
            pltpu.make_async_copy(bufs[b], spmem.at[sid, t], ss[b]).wait()

        def start_w(c, t):
            pltpu.async_copy(
                spmem.at[sid, t], out_hbm.at[pl.ds(base + c * CHUNK, CHUNK)], swr[t]
            )

        def wait_w(t):
            pltpu.make_async_copy(
                spmem.at[sid, t], out_hbm.at[pl.ds(base, CHUNK)], swr[t]
            ).wait()

        for k in range(NGBUF):
            start_g(k, k)
        for j in range(NGBUF):
            t = j % NBUF
            wait_g(j)
            if j >= NBUF:
                wait_w(t)
            start_s(j, t)
            wait_s(j, t)
            start_w(j, t)
            start_g(j + NGBUF, j)

        @pl.loop(NGBUF, n_chunks - NGBUF, step=NGBUF)
        def _(c):
            for k in range(NGBUF):
                t = k % NBUF
                wait_g(k)
                wait_w(t)
                start_s(k, t)
                wait_s(k, t)
                start_w(c + k, t)
                start_g(c + k + NGBUF, k)

        for k in range(NGBUF):
            t = k % NBUF
            wait_g(k)
            wait_w(t)
            start_s(k, t)
            wait_s(k, t)
            start_w(n_chunks - NGBUF + k, t)
        for t in range(NBUF):
            wait_w(t)

    out = gather_kernel(pos_emb, idx_flat)
    return out.reshape(B, S, D)

# --- scband reference (transcript-rebuilt; emitter-appended) ---
"""Pipeline reference for scband-learnable-pos-emb-49392123904745 (READ-ONLY COPY).

The authoritative reference and input builder live on the scoring server;
editing this copy changes nothing except your own understanding.
"""

import jax, jax.numpy as jnp
import numpy as np

MAX_LEN = 8192
D_MODEL = 1024
BATCH = 4
SEQ = 8192

def setup_inputs(seed: int = 0) -> dict:
    key = jax.random.key(seed)
    k_idx, k_emb = jax.random.split(key)
    pos_idxs = jax.random.randint(k_idx, (BATCH, SEQ), 0, MAX_LEN, dtype=jnp.int64 if jax.config.jax_enable_x64 else jnp.int32)
    pos_emb = jax.random.normal(k_emb, (MAX_LEN, D_MODEL), dtype=jnp.float32)
    return {"pos_idxs": pos_idxs, "pos_emb": pos_emb}

def reference(pos_idxs, pos_emb):
    # clamp_min(0).clamp_max(max_len-1)
    idx = jnp.clip(pos_idxs, 0, MAX_LEN - 1)
    # nn.Embedding lookup -> gather rows
    return jnp.take(pos_emb, idx, axis=0)

if __name__ == "__main__":
    import jax
    _d = setup_inputs()
    print(jax.jit(kernel)(*tuple(_d.values())))

</pallas_src>

<mosaic_0001>
#map = affine_map<(d0, d1) -> (0, 0)>
#map1 = affine_map<(d0, d1) -> (0)>
module attributes {stable_mosaic.version = 14 : i64} {
  func.func @gather_kernel(%arg0: i32, %arg1: i32, %arg2: memref<8192x1024xf32, #tpu.memory_space<hbm>>, %arg3: memref<32768xi32, #tpu.memory_space<hbm>>, %arg4: memref<32768x1024xf32, #tpu.memory_space<hbm>>, %arg5: memref<1024xi32, #tpu.memory_space<vmem>>, %arg6: memref<16x6x8x1024xf32, #tpu.memory_space<vmem_shared>>, %arg7: memref<8x1024xf32, #tpu.memory_space<vmem>>, %arg8: memref<8x1024xf32, #tpu.memory_space<vmem>>, %arg9: memref<8x1024xf32, #tpu.memory_space<vmem>>, %arg10: memref<8x1024xf32, #tpu.memory_space<vmem>>, %arg11: memref<8x1024xf32, #tpu.memory_space<vmem>>, %arg12: memref<8x1024xf32, #tpu.memory_space<vmem>>, %arg13: memref<8x1024xf32, #tpu.memory_space<vmem>>, %arg14: memref<8x1024xf32, #tpu.memory_space<vmem>>, %arg15: memref<!tpu.dma_semaphore, #tpu.memory_space<semaphore_mem>>, %arg16: memref<!tpu.dma_semaphore, #tpu.memory_space<semaphore_mem>>, %arg17: memref<!tpu.dma_semaphore, #tpu.memory_space<semaphore_mem>>, %arg18: memref<!tpu.dma_semaphore, #tpu.memory_space<semaphore_mem>>, %arg19: memref<!tpu.dma_semaphore, #tpu.memory_space<semaphore_mem>>, %arg20: memref<!tpu.dma_semaphore, #tpu.memory_space<semaphore_mem>>, %arg21: memref<!tpu.dma_semaphore, #tpu.memory_space<semaphore_mem>>, %arg22: memref<!tpu.dma_semaphore, #tpu.memory_space<semaphore_mem>>, %arg23: memref<!tpu.dma_semaphore, #tpu.memory_space<semaphore_mem>>, %arg24: memref<!tpu.dma_semaphore, #tpu.memory_space<semaphore_mem>>, %arg25: memref<!tpu.dma_semaphore, #tpu.memory_space<semaphore_mem>>, %arg26: memref<!tpu.dma_semaphore, #tpu.memory_space<semaphore_mem>>, %arg27: memref<!tpu.dma_semaphore, #tpu.memory_space<semaphore_mem>>, %arg28: memref<!tpu.dma_semaphore, #tpu.memory_space<semaphore_mem>>, %arg29: memref<!tpu.dma_semaphore, #tpu.memory_space<semaphore_mem>>, %arg30: memref<!tpu.dma_semaphore, #tpu.memory_space<semaphore_mem>>, %arg31: memref<!tpu.dma_semaphore, #tpu.memory_space<semaphore_mem>>, %arg32: memref<!tpu.dma_semaphore, #tpu.memory_space<semaphore_mem>>, %arg33: memref<!tpu.dma_semaphore, #tpu.memory_space<semaphore_mem>>, %arg34: memref<!tpu.dma_semaphore, #tpu.memory_space<semaphore_mem>>, %arg35: memref<!tpu.dma_semaphore, #tpu.memory_space<semaphore_mem>>, %arg36: memref<!tpu.dma_semaphore, #tpu.memory_space<semaphore_mem>>) attributes {dimension_semantics = [#tpu.dimension_semantics<core_parallel>, #tpu.dimension_semantics<subcore_parallel>], iteration_bounds = array<i64: 2, 16>, scalar_prefetch = 0 : i64, scratch_operands = 32 : i64, tpu.core_type = #tpu.core_type<sc_vector_subcore>, window_params = [{transform_indices = #map}, {transform_indices = #map1}, {transform_indices = #map}]} {
    %mul3A = arith.constant 2 : i32
    %mul3A_0 = arith.muli %arg1, %mul3A : i32
    %add3A = arith.addi %mul3A_0, %arg0 : i32
    %mul3A_1 = arith.constant 1024 : i32
    %mul3A_2 = arith.muli %add3A, %mul3A_1 : i32
    "tpu.region"() ({
      %run_scoped3A = tpu.sem_alloc : memref<!tpu.dma_semaphore, #tpu.memory_space<semaphore_mem>>
      %dma_start3A_698 = tpu.memref_slice %arg3[%mul3A_2] : memref<32768xi32, #tpu.memory_space<hbm>> -> memref<1024xi32, #tpu.memory_space<hbm>>
      %dma_start3A_699 = tpu.memref_slice %arg3[%mul3A_2] : memref<32768xi32, #tpu.memory_space<hbm>> -> memref<1024xi32, #tpu.memory_space<hbm>>
      tpu.enqueue_dma source(%dma_start3A_699 : memref<1024xi32, #tpu.memory_space<hbm>>) target(%arg5 : memref<1024xi32, #tpu.memory_space<vmem>>) target_semaphore(%run_scoped3A : memref<!tpu.dma_semaphore, #tpu.memory_space<semaphore_mem>>)
      %dma_wait3A_700 = tpu.memref_slice %arg3[%mul3A_2] : memref<32768xi32, #tpu.memory_space<hbm>> -> memref<1024xi32, #tpu.memory_space<hbm>>
      %dma_wait3A_701 = tpu.memref_slice %arg3[%mul3A_2] : memref<32768xi32, #tpu.memory_space<hbm>> -> memref<1024xi32, #tpu.memory_space<hbm>>
      tpu.wait_dma2 semaphore(%run_scoped3A : memref<!tpu.dma_semaphore, #tpu.memory_space<semaphore_mem>>) src(%dma_wait3A_701 : memref<1024xi32, #tpu.memory_space<hbm>>) dst(%arg5 : memref<1024xi32, #tpu.memory_space<vmem>>)
      tpu.yield
    }) : () -> ()
    %scan3A = arith.constant 0 : i32
    %scan3A_3 = arith.constant 64 : i32
    %scan3A_4 = arith.addi %scan3A, %scan3A_3 : i32
    %scan3A_5 = arith.constant 1 : i32
    scf.for %scan3A_698 = %scan3A to %scan3A_4 step %scan3A_5  : i32 {
      %mul3A_699 = arith.constant 16 : i32
      %mul3A_700 = arith.muli %scan3A_698, %mul3A_699 : i32
      %add3A_701 = arith.constant 0 : i32
      %add3A_702 = arith.addi %add3A_701, %mul3A_700 : i32
      %get3A = arith.index_cast %add3A_702 : i32 to index
      %get3A_703 = tpu.vector_load %arg5[%get3A] {strides = array<i32>} : memref<1024xi32, #tpu.memory_space<vmem>>, vector<16xi32>,
      %get3A_704 = vector.shape_cast %get3A_703 : vector<16xi32> to vector<16xi32>
      %max3A = arith.constant 0 : i32
      %max3A_705 = vector.broadcast %max3A : i32 to vector<16xi32>
      %max3A_706 = arith.maxsi %get3A_704, %max3A_705 : vector<16xi32>
      %min3A = arith.constant 8191 : i32
      %min3A_707 = vector.broadcast %min3A : i32 to vector<16xi32>
      %min3A_708 = arith.minsi %max3A_706, %min3A_707 : vector<16xi32>
      %swap3A = arith.index_cast %add3A_702 : i32 to index
      %swap3A_709 = tpu.vector_load %arg5[%swap3A] {strides = array<i32>} : memref<1024xi32, #tpu.memory_space<vmem>>, vector<16xi32>,
      %swap3A_710 = vector.shape_cast %swap3A_709 : vector<16xi32> to vector<16xi32>
      %swap3A_711 = vector.shape_cast %min3A_708 : vector<16xi32> to vector<16xi32>
      tpu.vector_store %arg5[%swap3A], %swap3A_711 {strides = array<i32>} : memref<1024xi32, #tpu.memory_space<vmem>>, vector<16xi32>,
    }
    %scan3A_6 = arith.constant 64 : i32
    %dma_start3A = arith.constant 0 : i32
    %dma_start3A_7 = tpu.memref_slice %arg5[%dma_start3A] : memref<1024xi32, #tpu.memory_space<vmem>> -> memref<8xi32, #tpu.memory_space<vmem>>
    %dma_start3A_8 = arith.constant 0 : i32
    %dma_start3A_9 = arith.constant 0 : i32
    %dma_start3A_10 = tpu.memref_slice %arg2[%dma_start3A_8, %dma_start3A_9] : memref<8192x1024xf32, #tpu.memory_space<hbm>> -> memref<8192x1024xf32, #tpu.memory_space<hbm>>
    tpu.enqueue_indirect_dma source(%dma_start3A_10 : memref<8192x1024xf32, #tpu.memory_space<hbm>>) target(%arg7 : memref<8x1024xf32, #tpu.memory_space<vmem>>) offsets(%dma_start3A_7 : memref<8xi32, #tpu.memory_space<vmem>>) semaphore(%arg15 : memref<!tpu.dma_semaphore, #tpu.memory_space<semaphore_mem>>)
    %dma_start3A_11 = arith.constant 8 : i32
    %dma_start3A_12 = tpu.memref_slice %arg5[%dma_start3A_11] : memref<1024xi32, #tpu.memory_space<vmem>> -> memref<8xi32, #tpu.memory_space<vmem>>
    %dma_start3A_13 = arith.constant 0 : i32
    %dma_start3A_14 = arith.constant 0 : i32
    %dma_start3A_15 = tpu.memref_slice %arg2[%dma_start3A_13, %dma_start3A_14] : memref<8192x1024xf32, #tpu.memory_space<hbm>> -> memref<8192x1024xf32, #tpu.memory_space<hbm>>
    tpu.enqueue_indirect_dma source(%dma_start3A_15 : memref<8192x1024xf32, #tpu.memory_space<hbm>>) target(%arg8 : memref<8x1024xf32, #tpu.memory_space<vmem>>) offsets(%dma_start3A_12 : memref<8xi32, #tpu.memory_space<vmem>>) semaphore(%arg16 : memref<!tpu.dma_semaphore, #tpu.memory_space<semaphore_mem>>)
    %dma_start3A_16 = arith.constant 16 : i32
    %dma_start3A_17 = tpu.memref_slice %arg5[%dma_start3A_16] : memref<1024xi32, #tpu.memory_space<vmem>> -> memref<8xi32, #tpu.memory_space<vmem>>
    %dma_start3A_18 = arith.constant 0 : i32
    %dma_start3A_19 = arith.constant 0 : i32
    %dma_start3A_20 = tpu.memref_slice %arg2[%dma_start3A_18, %dma_start3A_19] : memref<8192x1024xf32, #tpu.memory_space<hbm>> -> memref<8192x1024xf32, #tpu.memory_space<hbm>>
    tpu.enqueue_indirect_dma source(%dma_start3A_20 : memref<8192x1024xf32, #tpu.memory_space<hbm>>) target(%arg9 : memref<8x1024xf32, #tpu.memory_space<vmem>>) offsets(%dma_start3A_17 : memref<8xi32, #tpu.memory_space<vmem>>) semaphore(%arg17 : memref<!tpu.dma_semaphore, #tpu.memory_space<semaphore_mem>>)
    %dma_start3A_21 = arith.constant 24 : i32
    %dma_start3A_22 = tpu.memref_slice %arg5[%dma_start3A_21] : memref<1024xi32, #tpu.memory_space<vmem>> -> memref<8xi32, #tpu.memory_space<vmem>>
    %dma_start3A_23 = arith.constant 0 : i32
    %dma_start3A_24 = arith.constant 0 : i32
    %dma_start3A_25 = tpu.memref_slice %arg2[%dma_start3A_23, %dma_start3A_24] : memref<8192x1024xf32, #tpu.memory_space<hbm>> -> memref<8192x1024xf32, #tpu.memory_space<hbm>>
    tpu.enqueue_indirect_dma source(%dma_start3A_25 : memref<8192x1024xf32, #tpu.memory_space<hbm>>) target(%arg10 : memref<8x1024xf32, #tpu.memory_space<vmem>>) offsets(%dma_start3A_22 : memref<8xi32, #tpu.memory_space<vmem>>) semaphore(%arg18 : memref<!tpu.dma_semaphore, #tpu.memory_space<semaphore_mem>>)
    %dma_start3A_26 = arith.constant 32 : i32
    %dma_start3A_27 = tpu.memref_slice %arg5[%dma_start3A_26] : memref<1024xi32, #tpu.memory_space<vmem>> -> memref<8xi32, #tpu.memory_space<vmem>>
    %dma_start3A_28 = arith.constant 0 : i32
    %dma_start3A_29 = arith.constant 0 : i32
    %dma_start3A_30 = tpu.memref_slice %arg2[%dma_start3A_28, %dma_start3A_29] : memref<8192x1024xf32, #tpu.memory_space<hbm>> -> memref<8192x1024xf32, #tpu.memory_space<hbm>>
    tpu.enqueue_indirect_dma source(%dma_start3A_30 : memref<8192x1024xf32, #tpu.memory_space<hbm>>) target(%arg11 : memref<8x1024xf32, #tpu.memory_space<vmem>>) offsets(%dma_start3A_27 : memref<8xi32, #tpu.memory_space<vmem>>) semaphore(%arg19 : memref<!tpu.dma_semaphore, #tpu.memory_space<semaphore_mem>>)
    %dma_start3A_31 = arith.constant 40 : i32
    %dma_start3A_32 = tpu.memref_slice %arg5[%dma_start3A_31] : memref<1024xi32, #tpu.memory_space<vmem>> -> memref<8xi32, #tpu.memory_space<vmem>>
    %dma_start3A_33 = arith.constant 0 : i32
    %dma_start3A_34 = arith.constant 0 : i32
    %dma_start3A_35 = tpu.memref_slice %arg2[%dma_start3A_33, %dma_start3A_34] : memref<8192x1024xf32, #tpu.memory_space<hbm>> -> memref<8192x1024xf32, #tpu.memory_space<hbm>>
    tpu.enqueue_indirect_dma source(%dma_start3A_35 : memref<8192x1024xf32, #tpu.memory_space<hbm>>) target(%arg12 : memref<8x1024xf32, #tpu.memory_space<vmem>>) offsets(%dma_start3A_32 : memref<8xi32, #tpu.memory_space<vmem>>) semaphore(%arg20 : memref<!tpu.dma_semaphore, #tpu.memory_space<semaphore_mem>>)
    %dma_start3A_36 = arith.constant 48 : i32
    %dma_start3A_37 = tpu.memref_slice %arg5[%dma_start3A_36] : memref<1024xi32, #tpu.memory_space<vmem>> -> memref<8xi32, #tpu.memory_space<vmem>>
    %dma_start3A_38 = arith.constant 0 : i32
    %dma_start3A_39 = arith.constant 0 : i32
    %dma_start3A_40 = tpu.memref_slice %arg2[%dma_start3A_38, %dma_start3A_39] : memref<8192x1024xf32, #tpu.memory_space<hbm>> -> memref<8192x1024xf32, #tpu.memory_space<hbm>>
    tpu.enqueue_indirect_dma source(%dma_start3A_40 : memref<8192x1024xf32, #tpu.memory_space<hbm>>) target(%arg13 : memref<8x1024xf32, #tpu.memory_space<vmem>>) offsets(%dma_start3A_37 : memref<8xi32, #tpu.memory_space<vmem>>) semaphore(%arg21 : memref<!tpu.dma_semaphore, #tpu.memory_space<semaphore_mem>>)
    %dma_start3A_41 = arith.constant 56 : i32
    %dma_start3A_42 = tpu.memref_slice %arg5[%dma_start3A_41] : memref<1024xi32, #tpu.memory_space<vmem>> -> memref<8xi32, #tpu.memory_space<vmem>>
    %dma_start3A_43 = arith.constant 0 : i32
    %dma_start3A_44 = arith.constant 0 : i32
    %dma_start3A_45 = tpu.memref_slice %arg2[%dma_start3A_43, %dma_start3A_44] : memref<8192x1024xf32, #tpu.memory_space<hbm>> -> memref<8192x1024xf32, #tpu.memory_space<hbm>>
    tpu.enqueue_indirect_dma source(%dma_start3A_45 : memref<8192x1024xf32, #tpu.memory_space<hbm>>) target(%arg14 : memref<8x1024xf32, #tpu.memory_space<vmem>>) offsets(%dma_start3A_42 : memref<8xi32, #tpu.memory_space<vmem>>) semaphore(%arg22 : memref<!tpu.dma_semaphore, #tpu.memory_space<semaphore_mem>>)
    %dma_wait3A = arith.constant 0 : i32
    %dma_wait3A_46 = tpu.memref_slice %arg4[%mul3A_2, %dma_wait3A] : memref<32768x1024xf32, #tpu.memory_space<hbm>> -> memref<8x1024xf32, #tpu.memory_space<hbm>>
    %dma_wait3A_47 = arith.constant 0 : i32
    %dma_wait3A_48 = tpu.memref_slice %arg4[%mul3A_2, %dma_wait3A_47] : memref<32768x1024xf32, #tpu.memory_space<hbm>> -> memref<8x1024xf32, #tpu.memory_space<hbm>>
    tpu.wait_dma2 semaphore(%arg15 : memref<!tpu.dma_semaphore, #tpu.memory_space<semaphore_mem>>) src(%dma_wait3A_48 : memref<8x1024xf32, #tpu.memory_space<hbm>>) dst(%arg7 : memref<8x1024xf32, #tpu.memory_space<vmem>>)
    %dma_start3A_49 = arith.constant 0 : i32
    %dma_start3A_50 = arith.constant 0 : i32
    %dma_start3A_51 = arith.constant 0 : i32
    %dma_start3A_52 = tpu.memref_slice %arg6[%arg1, %dma_start3A_49, %dma_start3A_50, %dma_start3A_51] : memref<16x6x8x1024xf32, #tpu.memory_space<vmem_shared>> -> memref<1x1x8x1024xf32, #tpu.memory_space<vmem_shared>>
    %dma_start3A_53 = tpu.memref_squeeze %dma_start3A_52 : memref<1x1x8x1024xf32, #tpu.memory_space<vmem_shared>> -> memref<8x1024xf32, #tpu.memory_space<vmem_shared>>
    %dma_start3A_54 = arith.constant 0 : i32
    %dma_start3A_55 = arith.constant 0 : i32
    %dma_start3A_56 = tpu.memref_slice %arg6[%arg1, %dma_start3A_49, %dma_start3A_54, %dma_start3A_55] : memref<16x6x8x1024xf32, #tpu.memory_space<vmem_shared>> -> memref<1x1x8x1024xf32, #tpu.memory_space<vmem_shared>>
    %dma_start3A_57 = tpu.memref_squeeze %dma_start3A_56 : memref<1x1x8x1024xf32, #tpu.memory_space<vmem_shared>> -> memref<8x1024xf32, #tpu.memory_space<vmem_shared>>
    tpu.enqueue_dma source(%arg7 : memref<8x1024xf32, #tpu.memory_space<vmem>>) target(%dma_start3A_57 : memref<8x1024xf32, #tpu.memory_space<vmem_shared>>) target_semaphore(%arg23 : memref<!tpu.dma_semaphore, #tpu.memory_space<semaphore_mem>>)
    %dma_wait3A_58 = arith.constant 0 : i32
    %dma_wait3A_59 = arith.constant 0 : i32
    %dma_wait3A_60 = arith.constant 0 : i32
    %dma_wait3A_61 = tpu.memref_slice %arg6[%arg1, %dma_wait3A_58, %dma_wait3A_59, %dma_wait3A_60] : memref<16x6x8x1024xf32, #tpu.memory_space<vmem_shared>> -> memref<1x1x8x1024xf32, #tpu.memory_space<vmem_shared>>
    %dma_wait3A_62 = tpu.memref_squeeze %dma_wait3A_61 : memref<1x1x8x1024xf32, #tpu.memory_space<vmem_shared>> -> memref<8x1024xf32, #tpu.memory_space<vmem_shared>>
    %dma_wait3A_63 = arith.constant 0 : i32
    %dma_wait3A_64 = arith.constant 0 : i32
    %dma_wait3A_65 = tpu.memref_slice %arg6[%arg1, %dma_wait3A_58, %dma_wait3A_63, %dma_wait3A_64] : memref<16x6x8x1024xf32, #tpu.memory_space<vmem_shared>> -> memref<1x1x8x1024xf32, #tpu.memory_space<vmem_shared>>
    %dma_wait3A_66 = tpu.memref_squeeze %dma_wait3A_65 : memref<1x1x8x1024xf32, #tpu.memory_space<vmem_shared>> -> memref<8x1024xf32, #tpu.memory_space<vmem_shared>>
    tpu.wait_dma2 semaphore(%arg23 : memref<!tpu.dma_semaphore, #tpu.memory_space<semaphore_mem>>) src(%arg7 : memref<8x1024xf32, #tpu.memory_space<vmem>>) dst(%dma_wait3A_66 : memref<8x1024xf32, #tpu.memory_space<vmem_shared>>)
    %add3A_67 = arith.constant 0 : i32
    %add3A_68 = arith.addi %mul3A_2, %add3A_67 : i32
    %dma_start3A_69 = arith.constant 0 : i32
    %dma_start3A_70 = arith.constant 0 : i32
    %dma_start3A_71 = tpu.memref_slice %arg4[%add3A_68, %dma_start3A_70] : memref<32768x1024xf32, #tpu.memory_space<hbm>> -> memref<8x1024xf32, #tpu.memory_space<hbm>>
    %dma_start3A_72 = arith.constant 0 : i32
    %dma_start3A_73 = arith.constant 0 : i32
    %dma_start3A_74 = tpu.memref_slice %arg6[%arg1, %dma_start3A_69, %dma_start3A_72, %dma_start3A_73] : memref<16x6x8x1024xf32, #tpu.memory_space<vmem_shared>> -> memref<1x1x8x1024xf32, #tpu.memory_space<vmem_shared>>
    %dma_start3A_75 = tpu.memref_squeeze %dma_start3A_74 : memref<1x1x8x1024xf32, #tpu.memory_space<vmem_shared>> -> memref<8x1024xf32, #tpu.memory_space<vmem_shared>>
    tpu.enqueue_dma source(%dma_start3A_75 : memref<8x1024xf32, #tpu.memory_space<vmem_shared>>) target(%dma_start3A_71 : memref<8x1024xf32, #tpu.memory_space<hbm>>) target_semaphore(%arg31 : memref<!tpu.dma_semaphore, #tpu.memory_space<semaphore_mem>>)
    %dma_start3A_76 = arith.constant 64 : i32
    %dma_start3A_77 = tpu.memref_slice %arg5[%dma_start3A_76] : memref<1024xi32, #tpu.memory_space<vmem>> -> memref<8xi32, #tpu.memory_space<vmem>>
    %dma_start3A_78 = arith.constant 0 : i32
    %dma_start3A_79 = arith.constant 0 : i32
    %dma_start3A_80 = tpu.memref_slice %arg2[%dma_start3A_78, %dma_start3A_79] : memref<8192x1024xf32, #tpu.memory_space<hbm>> -> memref<8192x1024xf32, #tpu.memory_space<hbm>>
    tpu.enqueue_indirect_dma source(%dma_start3A_80 : memref<8192x1024xf32, #tpu.memory_space<hbm>>) target(%arg7 : memref<8x1024xf32, #tpu.memory_space<vmem>>) offsets(%dma_start3A_77 : memref<8xi32, #tpu.memory_space<vmem>>) semaphore(%arg15 : memref<!tpu.dma_semaphore, #tpu.memory_space<semaphore_mem>>)
    %dma_wait3A_81 = arith.constant 0 : i32
    %dma_wait3A_82 = tpu.memref_slice %arg4[%mul3A_2, %dma_wait3A_81] : memref<32768x1024xf32, #tpu.memory_space<hbm>> -> memref<8x1024xf32, #tpu.memory_space<hbm>>
    %dma_wait3A_83 = arith.constant 0 : i32
    %dma_wait3A_84 = tpu.memref_slice %arg4[%mul3A_2, %dma_wait3A_83] : memref<32768x1024xf32, #tpu.memory_space<hbm>> -> memref<8x1024xf32, #tpu.memory_space<hbm>>
    tpu.wait_dma2 semaphore(%arg16 : memref<!tpu.dma_semaphore, #tpu.memory_space<semaphore_mem>>) src(%dma_wait3A_84 : memref<8x1024xf32, #tpu.memory_space<hbm>>) dst(%arg8 : memref<8x1024xf32, #tpu.memory_space<vmem>>)
    %dma_start3A_85 = arith.constant 1 : i32
    %dma_start3A_86 = arith.constant 0 : i32
    %dma_start3A_87 = arith.constant 0 : i32
    %dma_start3A_88 = tpu.memref_slice %arg6[%arg1, %dma_start3A_85, %dma_start3A_86, %dma_start3A_87] : memref<16x6x8x1024xf32, #tpu.memory_space<vmem_shared>> -> memref<1x1x8x1024xf32, #tpu.memory_space<vmem_shared>>
    %dma_start3A_89 = tpu.memref_squeeze %dma_start3A_88 : memref<1x1x8x1024xf32, #tpu.memory_space<vmem_shared>> -> memref<8x1024xf32, #tpu.memory_space<vmem_shared>>
    %dma_start3A_90 = arith.constant 0 : i32
    %dma_start3A_91 = arith.constant 0 : i32
    %dma_start3A_92 = tpu.memref_slice %arg6[%arg1, %dma_start3A_85, %dma_start3A_90, %dma_start3A_91] : memref<16x6x8x1024xf32, #tpu.memory_space<vmem_shared>> -> memref<1x1x8x1024xf32, #tpu.memory_space<vmem_shared>>
    %dma_start3A_93 = tpu.memref_squeeze %dma_start3A_92 : memref<1x1x8x1024xf32, #tpu.memory_space<vmem_shared>> -> memref<8x1024xf32, #tpu.memory_space<vmem_shared>>
    tpu.enqueue_dma source(%arg8 : memref<8x1024xf32, #tpu.memory_space<vmem>>) target(%dma_start3A_93 : memref<8x1024xf32, #tpu.memory_space<vmem_shared>>) target_semaphore(%arg24 : memref<!tpu.dma_semaphore, #tpu.memory_space<semaphore_mem>>)
    %dma_wait3A_94 = arith.constant 1 : i32
    %dma_wait3A_95 = arith.constant 0 : i32
    %dma_wait3A_96 = arith.constant 0 : i32
    %dma_wait3A_97 = tpu.memref_slice %arg6[%arg1, %dma_wait3A_94, %dma_wait3A_95, %dma_wait3A_96] : memref<16x6x8x1024xf32, #tpu.memory_space<vmem_shared>> -> memref<1x1x8x1024xf32, #tpu.memory_space<vmem_shared>>
    %dma_wait3A_98 = tpu.memref_squeeze %dma_wait3A_97 : memref<1x1x8x1024xf32, #tpu.memory_space<vmem_shared>> -> memref<8x1024xf32, #tpu.memory_space<vmem_shared>>
    %dma_wait3A_99 = arith.constant 0 : i32
    %dma_wait3A_100 = arith.constant 0 : i32
    %dma_wait3A_101 = tpu.memref_slice %arg6[%arg1, %dma_wait3A_94, %dma_wait3A_99, %dma_wait3A_100] : memref<16x6x8x1024xf32, #tpu.memory_space<vmem_shared>> -> memref<1x1x8x1024xf32, #tpu.memory_space<vmem_shared>>
    %dma_wait3A_102 = tpu.memref_squeeze %dma_wait3A_101 : memref<1x1x8x1024xf32, #tpu.memory_space<vmem_shared>> -> memref<8x1024xf32, #tpu.memory_space<vmem_shared>>
    tpu.wait_dma2 semaphore(%arg24 : memref<!tpu.dma_semaphore, #tpu.memory_space<semaphore_mem>>) src(%arg8 : memref<8x1024xf32, #tpu.memory_space<vmem>>) dst(%dma_wait3A_102 : memref<8x1024xf32, #tpu.memory_space<vmem_shared>>)
    %add3A_103 = arith.constant 8 : i32
    %add3A_104 = arith.addi %mul3A_2, %add3A_103 : i32
    %dma_start3A_105 = arith.constant 1 : i32
    %dma_start3A_106 = arith.constant 0 : i32
    %dma_start3A_107 = tpu.memref_slice %arg4[%add3A_104, %dma_start3A_106] : memref<32768x1024xf32, #tpu.memory_space<hbm>> -> memref<8x1024xf32, #tpu.memory_space<hbm>>
    %dma_start3A_108 = arith.constant 0 : i32
    %dma_start3A_109 = arith.constant 0 : i32
    %dma_start3A_110 = tpu.memref_slice %arg6[%arg1, %dma_start3A_105, %dma_start3A_108, %dma_start3A_109] : memref<16x6x8x1024xf32, #tpu.memory_space<vmem_shared>> -> memref<1x1x8x1024xf32, #tpu.memory_space<vmem_shared>>
    %dma_start3A_111 = tpu.memref_squeeze %dma_start3A_110 : memref<1x1x8x1024xf32, #tpu.memory_space<vmem_shared>> -> memref<8x1024xf32, #tpu.memory_space<vmem_shared>>
    tpu.enqueue_dma source(%dma_start3A_111 : memref<8x1024xf32, #tpu.memory_space<vmem_shared>>) target(%dma_start3A_107 : memref<8x1024xf32, #tpu.memory_space<hbm>>) target_semaphore(%arg32 : memref<!tpu.dma_semaphore, #tpu.memory_space<semaphore_mem>>)
    %dma_start3A_112 = arith.constant 72 : i32
    %dma_start3A_113 = tpu.memref_slice %arg5[%dma_start3A_112] : memref<1024xi32, #tpu.memory_space<vmem>> -> memref<8xi32, #tpu.memory_space<vmem>>
    %dma_start3A_114 = arith.constant 0 : i32
    %dma_start3A_115 = arith.constant 0 : i32
    %dma_start3A_116 = tpu.memref_slice %arg2[%dma_start3A_114, %dma_start3A_115] : memref<8192x1024xf32, #tpu.memory_space<hbm>> -> memref<8192x1024xf32, #tpu.memory_space<hbm>>
    tpu.enqueue_indirect_dma source(%dma_start3A_116 : memref<8192x1024xf32, #tpu.memory_space<hbm>>) target(%arg8 : memref<8x1024xf32, #tpu.memory_space<vmem>>) offsets(%dma_start3A_113 : memref<8xi32, #tpu.memory_space<vmem>>) semaphore(%arg16 : memref<!tpu.dma_semaphore, #tpu.memory_space<semaphore_mem>>)
    %dma_wait3A_117 = arith.constant 0 : i32
    %dma_wait3A_118 = tpu.memref_slice %arg4[%mul3A_2, %dma_wait3A_117] : memref<32768x1024xf32, #tpu.memory_space<hbm>> -> memref<8x1024xf32, #tpu.memory_space<hbm>>
    %dma_wait3A_119 = arith.constant 0 : i32
    %dma_wait3A_120 = tpu.memref_slice %arg4[%mul3A_2, %dma_wait3A_119] : memref<32768x1024xf32, #tpu.memory_space<hbm>> -> memref<8x1024xf32, #tpu.memory_space<hbm>>
    tpu.wait_dma2 semaphore(%arg17 : memref<!tpu.dma_semaphore, #tpu.memory_space<semaphore_mem>>) src(%dma_wait3A_120 : memref<8x1024xf32, #tpu.memory_space<hbm>>) dst(%arg9 : memref<8x1024xf32, #tpu.memory_space<vmem>>)
    %dma_start3A_121 = arith.constant 2 : i32
    %dma_start3A_122 = arith.constant 0 : i32
    %dma_start3A_123 = arith.constant 0 : i32
    %dma_start3A_124 = tpu.memref_slice %arg6[%arg1, %dma_start3A_121, %dma_start3A_122, %dma_start3A_123] : memref<16x6x8x1024xf32, #tpu.memory_space<vmem_shared>> -> memref<1x1x8x1024xf32, #tpu.memory_space<vmem_shared>>
    %dma_start3A_125 = tpu.memref_squeeze %dma_start3A_124 : memref<1x1x8x1024xf32, #tpu.memory_space<vmem_shared>> -> memref<8x1024xf32, #tpu.memory_space<vmem_shared>>
    %dma_start3A_126 = arith.constant 0 : i32
    %dma_start3A_127 = arith.constant 0 : i32
    %dma_start3A_128 = tpu.memref_slice %arg6[%arg1, %dma_start3A_121, %dma_start3A_126, %dma_start3A_127] : memref<16x6x8x1024xf32, #tpu.memory_space<vmem_shared>> -> memref<1x1x8x1024xf32, #tpu.memory_space<vmem_shared>>
    %dma_start3A_129 = tpu.memref_squeeze %dma_start3A_128 : memref<1x1x8x1024xf32, #tpu.memory_space<vmem_shared>> -> memref<8x1024xf32, #tpu.memory_space<vmem_shared>>
    tpu.enqueue_dma source(%arg9 : memref<8x1024xf32, #tpu.memory_space<vmem>>) target(%dma_start3A_129 : memref<8x1024xf32, #tpu.memory_space<vmem_shared>>) target_semaphore(%arg25 : memref<!tpu.dma_semaphore, #tpu.memory_space<semaphore_mem>>)
    %dma_wait3A_130 = arith.constant 2 : i32
    %dma_wait3A_131 = arith.constant 0 : i32
    %dma_wait3A_132 = arith.constant 0 : i32
    %dma_wait3A_133 = tpu.memref_slice %arg6[%arg1, %dma_wait3A_130, %dma_wait3A_131, %dma_wait3A_132] : memref<16x6x8x1024xf32, #tpu.memory_space<vmem_shared>> -> memref<1x1x8x1024xf32, #tpu.memory_space<vmem_shared>>
    %dma_wait3A_134 = tpu.memref_squeeze %dma_wait3A_133 : memref<1x1x8x1024xf32, #tpu.memory_space<vmem_shared>> -> memref<8x1024xf32, #tpu.memory_space<vmem_shared>>
    %dma_wait3A_135 = arith.constant 0 : i32
    %dma_wait3A_136 = arith.constant 0 : i32
    %dma_wait3A_137 = tpu.memref_slice %arg6[%arg1, %dma_wait3A_130, %dma_wait3A_135, %dma_wait3A_136] : memref<16x6x8x1024xf32, #tpu.memory_space<vmem_shared>> -> memref<1x1x8x1024xf32, #tpu.memory_space<vmem_shared>>
    %dma_wait3A_138 = tpu.memref_squeeze %dma_wait3A_137 : memref<1x1x8x1024xf32, #tpu.memory_space<vmem_shared>> -> memref<8x1024xf32, #tpu.memory_space<vmem_shared>>
    tpu.wait_dma2 semaphore(%arg25 : memref<!tpu.dma_semaphore, #tpu.memory_space<semaphore_mem>>) src(%arg9 : memref<8x1024xf32, #tpu.memory_space<vmem>>) dst(%dma_wait3A_138 : memref<8x1024xf32, #tpu.memory_space<vmem_shared>>)
    %add3A_139 = arith.constant 16 : i32
    %add3A_140 = arith.addi %mul3A_2, %add3A_139 : i32
    %dma_start3A_141 = arith.constant 2 : i32
    %dma_start3A_142 = arith.constant 0 : i32
    %dma_start3A_143 = tpu.memref_slice %arg4[%add3A_140, %dma_start3A_142] : memref<32768x1024xf32, #tpu.memory_space<hbm>> -> memref<8x1024xf32, #tpu.memory_space<hbm>>
    %dma_start3A_144 = arith.constant 0 : i32
    %dma_start3A_145 = arith.constant 0 : i32
    %dma_start3A_146 = tpu.memref_slice %arg6[%arg1, %dma_start3A_141, %dma_start3A_144, %dma_start3A_145] : memref<16x6x8x1024xf32, #tpu.memory_space<vmem_shared>> -> memref<1x1x8x1024xf32, #tpu.memory_space<vmem_shared>>
    %dma_start3A_147 = tpu.memref_squeeze %dma_start3A_146 : memref<1x1x8x1024xf32, #tpu.memory_space<vmem_shared>> -> memref<8x1024xf32, #tpu.memory_space<vmem_shared>>
    tpu.enqueue_dma source(%dma_start3A_147 : memref<8x1024xf32, #tpu.memory_space<vmem_shared>>) target(%dma_start3A_143 : memref<8x1024xf32, #tpu.memory_space<hbm>>) target_semaphore(%arg33 : memref<!tpu.dma_semaphore, #tpu.memory_space<semaphore_mem>>)
    %dma_start3A_148 = arith.constant 80 : i32
    %dma_start3A_149 = tpu.memref_slice %arg5[%dma_start3A_148] : memref<1024xi32, #tpu.memory_space<vmem>> -> memref<8xi32, #tpu.memory_space<vmem>>
    %dma_start3A_150 = arith.constant 0 : i32
    %dma_start3A_151 = arith.constant 0 : i32
    %dma_start3A_152 = tpu.memref_slice %arg2[%dma_start3A_150, %dma_start3A_151] : memref<8192x1024xf32, #tpu.memory_space<hbm>> -> memref<8192x1024xf32, #tpu.memory_space<hbm>>
    tpu.enqueue_indirect_dma source(%dma_start3A_152 : memref<8192x1024xf32, #tpu.memory_space<hbm>>) target(%arg9 : memref<8x1024xf32, #tpu.memory_space<vmem>>) offsets(%dma_start3A_149 : memref<8xi32, #tpu.memory_space<vmem>>) semaphore(%arg17 : memref<!tpu.dma_semaphore, #tpu.memory_space<semaphore_mem>>)
    %dma_wait3A_153 = arith.constant 0 : i32
    %dma_wait3A_154 = tpu.memref_slice %arg4[%mul3A_2, %dma_wait3A_153] : memref<32768x1024xf32, #tpu.memory_space<hbm>> -> memref<8x1024xf32, #tpu.memory_space<hbm>>
    %dma_wait3A_155 = arith.constant 0 : i32
    %dma_wait3A_156 = tpu.memref_slice %arg4[%mul3A_2, %dma_wait3A_155] : memref<32768x1024xf32, #tpu.memory_space<hbm>> -> memref<8x1024xf32, #tpu.memory_space<hbm>>
    tpu.wait_dma2 semaphore(%arg18 : memref<!tpu.dma_semaphore, #tpu.memory_space<semaphore_mem>>) src(%dma_wait3A_156 : memref<8x1024xf32, #tpu.memory_space<hbm>>) dst(%arg10 : memref<8x1024xf32, #tpu.memory_space<vmem>>)
    %dma_start3A_157 = arith.constant 3 : i32
    %dma_start3A_158 = arith.constant 0 : i32
    %dma_start3A_159 = arith.constant 0 : i32
    %dma_start3A_160 = tpu.memref_slice %arg6[%arg1, %dma_start3A_157, %dma_start3A_158, %dma_start3A_159] : memref<16x6x8x1024xf32, #tpu.memory_space<vmem_shared>> -> memref<1x1x8x1024xf32, #tpu.memory_space<vmem_shared>>
    %dma_start3A_161 = tpu.memref_squeeze %dma_start3A_160 : memref<1x1x8x1024xf32, #tpu.memory_space<vmem_shared>> -> memref<8x1024xf32, #tpu.memory_space<vmem_shared>>
    %dma_start3A_162 = arith.constant 0 : i32
    %dma_start3A_163 = arith.constant 0 : i32
    %dma_start3A_164 = tpu.memref_slice %arg6[%arg1, %dma_start3A_157, %dma_start3A_162, %dma_start3A_163] : memref<16x6x8x1024xf32, #tpu.memory_space<vmem_shared>> -> memref<1x1x8x1024xf32, #tpu.memory_space<vmem_shared>>
    %dma_start3A_165 = tpu.memref_squeeze %dma_start3A_164 : memref<1x1x8x1024xf32, #tpu.memory_space<vmem_shared>> -> memref<8x1024xf32, #tpu.memory_space<vmem_shared>>
    tpu.enqueue_dma source(%arg10 : memref<8x1024xf32, #tpu.memory_space<vmem>>) target(%dma_start3A_165 : memref<8x1024xf32, #tpu.memory_space<vmem_shared>>) target_semaphore(%arg26 : memref<!tpu.dma_semaphore, #tpu.memory_space<semaphore_mem>>)
    %dma_wait3A_166 = arith.constant 3 : i32
    %dma_wait3A_167 = arith.constant 0 : i32
    %dma_wait3A_168 = arith.constant 0 : i32
    %dma_wait3A_169 = tpu.memref_slice %arg6[%arg1, %dma_wait3A_166, %dma_wait3A_167, %dma_wait3A_168] : memref<16x6x8x1024xf32, #tpu.memory_space<vmem_shared>> -> memref<1x1x8x1024xf32, #tpu.memory_space<vmem_shared>>
    %dma_wait3A_170 = tpu.memref_squeeze %dma_wait3A_169 : memref<1x1x8x1024xf32, #tpu.memory_space<vmem_shared>> -> memref<8x1024xf32, #tpu.memory_space<vmem_shared>>
    %dma_wait3A_171 = arith.constant 0 : i32
    %dma_wait3A_172 = arith.constant 0 : i32
    %dma_wait3A_173 = tpu.memref_slice %arg6[%arg1, %dma_wait3A_166, %dma_wait3A_171, %dma_wait3A_172] : memref<16x6x8x1024xf32, #tpu.memory_space<vmem_shared>> -> memref<1x1x8x1024xf32, #tpu.memory_space<vmem_shared>>
    %dma_wait3A_174 = tpu.memref_squeeze %dma_wait3A_173 : memref<1x1x8x1024xf32, #tpu.memory_space<vmem_shared>> -> memref<8x1024xf32, #tpu.memory_space<vmem_shared>>
    tpu.wait_dma2 semaphore(%arg26 : memref<!tpu.dma_semaphore, #tpu.memory_space<semaphore_mem>>) src(%arg10 : memref<8x1024xf32, #tpu.memory_space<vmem>>) dst(%dma_wait3A_174 : memref<8x1024xf32, #tpu.memory_space<vmem_shared>>)
    %add3A_175 = arith.constant 24 : i32
    %add3A_176 = arith.addi %mul3A_2, %add3A_175 : i32
    %dma_start3A_177 = arith.constant 3 : i32
    %dma_start3A_178 = arith.constant 0 : i32
    %dma_start3A_179 = tpu.memref_slice %arg4[%add3A_176, %dma_start3A_178] : memref<32768x1024xf32, #tpu.memory_space<hbm>> -> memref<8x1024xf32, #tpu.memory_space<hbm>>
    %dma_start3A_180 = arith.constant 0 : i32
    %dma_start3A_181 = arith.constant 0 : i32
    %dma_start3A_182 = tpu.memref_slice %arg6[%arg1, %dma_start3A_177, %dma_start3A_180, %dma_start3A_181] : memref<16x6x8x1024xf32, #tpu.memory_space<vmem_shared>> -> memref<1x1x8x1024xf32, #tpu.memory_space<vmem_shared>>
    %dma_start3A_183 = tpu.memref_squeeze %dma_start3A_182 : memref<1x1x8x1024xf32, #tpu.memory_space<vmem_shared>> -> memref<8x1024xf32, #tpu.memory_space<vmem_shared>>
    tpu.enqueue_dma source(%dma_start3A_183 : memref<8x1024xf32, #tpu.memory_space<vmem_shared>>) target(%dma_start3A_179 : memref<8x1024xf32, #tpu.memory_space<hbm>>) target_semaphore(%arg34 : memref<!tpu.dma_semaphore, #tpu.memory_space<semaphore_mem>>)
    %dma_start3A_184 = arith.constant 88 : i32
    %dma_start3A_185 = tpu.memref_slice %arg5[%dma_start3A_184] : memref<1024xi32, #tpu.memory_space<vmem>> -> memref<8xi32, #tpu.memory_space<vmem>>
    %dma_start3A_186 = arith.constant 0 : i32
    %dma_start3A_187 = arith.constant 0 : i32
    %dma_start3A_188 = tpu.memref_slice %arg2[%dma_start3A_186, %dma_start3A_187] : memref<8192x1024xf32, #tpu.memory_space<hbm>> -> memref<8192x1024xf32, #tpu.memory_space<hbm>>
    tpu.enqueue_indirect_dma source(%dma_start3A_188 : memref<8192x1024xf32, #tpu.memory_space<hbm>>) target(%arg10 : memref<8x1024xf32, #tpu.memory_space<vmem>>) offsets(%dma_start3A_185 : memref<8xi32, #tpu.memory_space<vmem>>) semaphore(%arg18 : memref<!tpu.dma_semaphore, #tpu.memory_space<semaphore_mem>>)
    %dma_wait3A_189 = arith.constant 0 : i32
    %dma_wait3A_190 = tpu.memref_slice %arg4[%mul3A_2, %dma_wait3A_189] : memref<32768x1024xf32, #tpu.memory_space<hbm>> -> memref<8x1024xf32, #tpu.memory_space<hbm>>
    %dma_wait3A_191 = arith.constant 0 : i32
    %dma_wait3A_192 = tpu.memref_slice %arg4[%mul3A_2, %dma_wait3A_191] : memref<32768x1024xf32, #tpu.memory_space<hbm>> -> memref<8x1024xf32, #tpu.memory_space<hbm>>
    tpu.wait_dma2 semaphore(%arg19 : memref<!tpu.dma_semaphore, #tpu.memory_space<semaphore_mem>>) src(%dma_wait3A_192 : memref<8x1024xf32, #tpu.memory_space<hbm>>) dst(%arg11 : memref<8x1024xf32, #tpu.memory_space<vmem>>)
    %dma_start3A_193 = arith.constant 4 : i32
    %dma_start3A_194 = arith.constant 0 : i32
    %dma_start3A_195 = arith.constant 0 : i32
    %dma_start3A_196 = tpu.memref_slice %arg6[%arg1, %dma_start3A_193, %dma_start3A_194, %dma_start3A_195] : memref<16x6x8x1024xf32, #tpu.memory_space<vmem_shared>> -> memref<1x1x8x1024xf32, #tpu.memory_space<vmem_shared>>
    %dma_start3A_197 = tpu.memref_squeeze %dma_start3A_196 : memref<1x1x8x1024xf32, #tpu.memory_space<vmem_shared>> -> memref<8x1024xf32, #tpu.memory_space<vmem_shared>>
    %dma_start3A_198 = arith.constant 0 : i32
    %dma_start3A_199 = arith.constant 0 : i32
    %dma_start3A_200 = tpu.memref_slice %arg6[%arg1, %dma_start3A_193, %dma_start3A_198, %dma_start3A_199] : memref<16x6x8x1024xf32, #tpu.memory_space<vmem_shared>> -> memref<1x1x8x1024xf32, #tpu.memory_space<vmem_shared>>
    %dma_start3A_201 = tpu.memref_squeeze %dma_start3A_200 : memref<1x1x8x1024xf32, #tpu.memory_space<vmem_shared>> -> memref<8x1024xf32, #tpu.memory_space<vmem_shared>>
    tpu.enqueue_dma source(%arg11 : memref<8x1024xf32, #tpu.memory_space<vmem>>) target(%dma_start3A_201 : memref<8x1024xf32, #tpu.memory_space<vmem_shared>>) target_semaphore(%arg27 : memref<!tpu.dma_semaphore, #tpu.memory_space<semaphore_mem>>)
    %dma_wait3A_202 = arith.constant 4 : i32
    %dma_wait3A_203 = arith.constant 0 : i32
    %dma_wait3A_204 = arith.constant 0 : i32
    %dma_wait3A_205 = tpu.memref_slice %arg6[%arg1, %dma_wait3A_202, %dma_wait3A_203, %dma_wait3A_204] : memref<16x6x8x1024xf32, #tpu.memory_space<vmem_shared>> -> memref<1x1x8x1024xf32, #tpu.memory_space<vmem_shared>>
    %dma_wait3A_206 = tpu.memref_squeeze %dma_wait3A_205 : memref<1x1x8x1024xf32, #tpu.memory_space<vmem_shared>> -> memref<8x1024xf32, #tpu.memory_space<vmem_shared>>
    %dma_wait3A_207 = arith.constant 0 : i32
    %dma_wait3A_208 = arith.constant 0 : i32
    %dma_wait3A_209 = tpu.memref_slice %arg6[%arg1, %dma_wait3A_202, %dma_wait3A_207, %dma_wait3A_208] : memref<16x6x8x1024xf32, #tpu.memory_space<vmem_shared>> -> memref<1x1x8x1024xf32, #tpu.memory_space<vmem_shared>>
    %dma_wait3A_210 = tpu.memref_squeeze %dma_wait3A_209 : memref<1x1x8x1024xf32, #tpu.memory_space<vmem_shared>> -> memref<8x1024xf32, #tpu.memory_space<vmem_shared>>
    tpu.wait_dma2 semaphore(%arg27 : memref<!tpu.dma_semaphore, #tpu.memory_space<semaphore_mem>>) src(%arg11 : memref<8x1024xf32, #tpu.memory_space<vmem>>) dst(%dma_wait3A_210 : memref<8x1024xf32, #tpu.memory_space<vmem_shared>>)
    %add3A_211 = arith.constant 32 : i32
    %add3A_212 = arith.addi %mul3A_2, %add3A_211 : i32
    %dma_start3A_213 = arith.constant 4 : i32
    %dma_start3A_214 = arith.constant 0 : i32
    %dma_start3A_215 = tpu.memref_slice %arg4[%add3A_212, %dma_start3A_214] : memref<32768x1024xf32, #tpu.memory_space<hbm>> -> memref<8x1024xf32, #tpu.memory_space<hbm>>
    %dma_start3A_216 = arith.constant 0 : i32
    %dma_start3A_217 = arith.constant 0 : i32
    %dma_start3A_218 = tpu.memref_slice %arg6[%arg1, %dma_start3A_213, %dma_start3A_216, %dma_start3A_217] : memref<16x6x8x1024xf32, #tpu.memory_space<vmem_shared>> -> memref<1x1x8x1024xf32, #tpu.memory_space<vmem_shared>>
    %dma_start3A_219 = tpu.memref_squeeze %dma_start3A_218 : memref<1x1x8x1024xf32, #tpu.memory_space<vmem_shared>> -> memref<8x1024xf32, #tpu.memory_space<vmem_shared>>
    tpu.enqueue_dma source(%dma_start3A_219 : memref<8x1024xf32, #tpu.memory_space<vmem_shared>>) target(%dma_start3A_215 : memref<8x1024xf32, #tpu.memory_space<hbm>>) target_semaphore(%arg35 : memref<!tpu.dma_semaphore, #tpu.memory_space<semaphore_mem>>)
    %dma_start3A_220 = arith.constant 96 : i32
    %dma_start3A_221 = tpu.memref_slice %arg5[%dma_start3A_220] : memref<1024xi32, #tpu.memory_space<vmem>> -> memref<8xi32, #tpu.memory_space<vmem>>
    %dma_start3A_222 = arith.constant 0 : i32
    %dma_start3A_223 = arith.constant 0 : i32
    %dma_start3A_224 = tpu.memref_slice %arg2[%dma_start3A_222, %dma_start3A_223] : memref<8192x1024xf32, #tpu.memory_space<hbm>> -> memref<8192x1024xf32, #tpu.memory_space<hbm>>
    tpu.enqueue_indirect_dma source(%dma_start3A_224 : memref<8192x1024xf32, #tpu.memory_space<hbm>>) target(%arg11 : memref<8x1024xf32, #tpu.memory_space<vmem>>) offsets(%dma_start3A_221 : memref<8xi32, #tpu.memory_space<vmem>>) semaphore(%arg19 : memref<!tpu.dma_semaphore, #tpu.memory_space<semaphore_mem>>)
    %dma_wait3A_225 = arith.constant 0 : i32
    %dma_wait3A_226 = tpu.memref_slice %arg4[%mul3A_2, %dma_wait3A_225] : memref<32768x1024xf32, #tpu.memory_space<hbm>> -> memref<8x1024xf32, #tpu.memory_space<hbm>>
    %dma_wait3A_227 = arith.constant 0 : i32
    %dma_wait3A_228 = tpu.memref_slice %arg4[%mul3A_2, %dma_wait3A_227] : memref<32768x1024xf32, #tpu.memory_space<hbm>> -> memref<8x1024xf32, #tpu.memory_space<hbm>>
    tpu.wait_dma2 semaphore(%arg20 : memref<!tpu.dma_semaphore, #tpu.memory_space<semaphore_mem>>) src(%dma_wait3A_228 : memref<8x1024xf32, #tpu.memory_space<hbm>>) dst(%arg12 : memref<8x1024xf32, #tpu.memory_space<vmem>>)
    %dma_start3A_229 = arith.constant 5 : i32
    %dma_start3A_230 = arith.constant 0 : i32
    %dma_start3A_231 = arith.constant 0 : i32
    %dma_start3A_232 = tpu.memref_slice %arg6[%arg1, %dma_start3A_229, %dma_start3A_230, %dma_start3A_231] : memref<16x6x8x1024xf32, #tpu.memory_space<vmem_shared>> -> memref<1x1x8x1024xf32, #tpu.memory_space<vmem_shared>>
    %dma_start3A_233 = tpu.memref_squeeze %dma_start3A_232 : memref<1x1x8x1024xf32, #tpu.memory_space<vmem_shared>> -> memref<8x1024xf32, #tpu.memory_space<vmem_shared>>
    %dma_start3A_234 = arith.constant 0 : i32
    %dma_start3A_235 = arith.constant 0 : i32
    %dma_start3A_236 = tpu.memref_slice %arg6[%arg1, %dma_start3A_229, %dma_start3A_234, %dma_start3A_235] : memref<16x6x8x1024xf32, #tpu.memory_space<vmem_shared>> -> memref<1x1x8x1024xf32, #tpu.memory_space<vmem_shared>>
    %dma_start3A_237 = tpu.memref_squeeze %dma_start3A_236 : memref<1x1x8x1024xf32, #tpu.memory_space<vmem_shared>> -> memref<8x1024xf32, #tpu.memory_space<vmem_shared>>
    tpu.enqueue_dma source(%arg12 : memref<8x1024xf32, #tpu.memory_space<vmem>>) target(%dma_start3A_237 : memref<8x1024xf32, #tpu.memory_space<vmem_shared>>) target_semaphore(%arg28 : memref<!tpu.dma_semaphore, #tpu.memory_space<semaphore_mem>>)
    %dma_wait3A_238 = arith.constant 5 : i32
    %dma_wait3A_239 = arith.constant 0 : i32
    %dma_wait3A_240 = arith.constant 0 : i32
    %dma_wait3A_241 = tpu.memref_slice %arg6[%arg1, %dma_wait3A_238, %dma_wait3A_239, %dma_wait3A_240] : memref<16x6x8x1024xf32, #tpu.memory_space<vmem_shared>> -> memref<1x1x8x1024xf32, #tpu.memory_space<vmem_shared>>
    %dma_wait3A_242 = tpu.memref_squeeze %dma_wait3A_241 : memref<1x1x8x1024xf32, #tpu.memory_space<vmem_shared>> -> memref<8x1024xf32, #tpu.memory_space<vmem_shared>>
    %dma_wait3A_243 = arith.constant 0 : i32
    %dma_wait3A_244 = arith.constant 0 : i32
    %dma_wait3A_245 = tpu.memref_slice %arg6[%arg1, %dma_wait3A_238, %dma_wait3A_243, %dma_wait3A_244] : memref<16x6x8x1024xf32, #tpu.memory_space<vmem_shared>> -> memref<1x1x8x1024xf32, #tpu.memory_space<vmem_shared>>
    %dma_wait3A_246 = tpu.memref_squeeze %dma_wait3A_245 : memref<1x1x8x1024xf32, #tpu.memory_space<vmem_shared>> -> memref<8x1024xf32, #tpu.memory_space<vmem_shared>>
    tpu.wait_dma2 semaphore(%arg28 : memref<!tpu.dma_semaphore, #tpu.memory_space<semaphore_mem>>) src(%arg12 : memref<8x1024xf32, #tpu.memory_space<vmem>>) dst(%dma_wait3A_246 : memref<8x1024xf32, #tpu.memory_space<vmem_shared>>)
    %add3A_247 = arith.constant 40 : i32
    %add3A_248 = arith.addi %mul3A_2, %add3A_247 : i32
    %dma_start3A_249 = arith.constant 5 : i32
    %dma_start3A_250 = arith.constant 0 : i32
    %dma_start3A_251 = tpu.memref_slice %arg4[%add3A_248, %dma_start3A_250] : memref<32768x1024xf32, #tpu.memory_space<hbm>> -> memref<8x1024xf32, #tpu.memory_space<hbm>>
    %dma_start3A_252 = arith.constant 0 : i32
    %dma_start3A_253 = arith.constant 0 : i32
    %dma_start3A_254 = tpu.memref_slice %arg6[%arg1, %dma_start3A_249, %dma_start3A_252, %dma_start3A_253] : memref<16x6x8x1024xf32, #tpu.memory_space<vmem_shared>> -> memref<1x1x8x1024xf32, #tpu.memory_space<vmem_shared>>
    %dma_start3A_255 = tpu.memref_squeeze %dma_start3A_254 : memref<1x1x8x1024xf32, #tpu.memory_space<vmem_shared>> -> memref<8x1024xf32, #tpu.memory_space<vmem_shared>>
    tpu.enqueue_dma source(%dma_start3A_255 : memref<8x1024xf32, #tpu.memory_space<vmem_shared>>) target(%dma_start3A_251 : memref<8x1024xf32, #tpu.memory_space<hbm>>) target_semaphore(%arg36 : memref<!tpu.dma_semaphore, #tpu.memory_space<semaphore_mem>>)
    %dma_start3A_256 = arith.constant 104 : i32
    %dma_start3A_257 = tpu.memref_slice %arg5[%dma_start3A_256] : memref<1024xi32, #tpu.memory_space<vmem>> -> memref<8xi32, #tpu.memory_space<vmem>>
    %dma_start3A_258 = arith.constant 0 : i32
    %dma_start3A_259 = arith.constant 0 : i32
    %dma_start3A_260 = tpu.memref_slice %arg2[%dma_start3A_258, %dma_start3A_259] : memref<8192x1024xf32, #tpu.memory_space<hbm>> -> memref<8192x1024xf32, #tpu.memory_space<hbm>>
    tpu.enqueue_indirect_dma source(%dma_start3A_260 : memref<8192x1024xf32, #tpu.memory_space<hbm>>) target(%arg12 : memref<8x1024xf32, #tpu.memory_space<vmem>>) offsets(%dma_start3A_257 : memref<8xi32, #tpu.memory_space<vmem>>) semaphore(%arg20 : memref<!tpu.dma_semaphore, #tpu.memory_space<semaphore_mem>>)
    %dma_wait3A_261 = arith.constant 0 : i32
    %dma_wait3A_262 = tpu.memref_slice %arg4[%mul3A_2, %dma_wait3A_261] : memref<32768x1024xf32, #tpu.memory_space<hbm>> -> memref<8x1024xf32, #tpu.memory_space<hbm>>
    %dma_wait3A_263 = arith.constant 0 : i32
    %dma_wait3A_264 = tpu.memref_slice %arg4[%mul3A_2, %dma_wait3A_263] : memref<32768x1024xf32, #tpu.memory_space<hbm>> -> memref<8x1024xf32, #tpu.memory_space<hbm>>
    tpu.wait_dma2 semaphore(%arg21 : memref<!tpu.dma_semaphore, #tpu.memory_space<semaphore_mem>>) src(%dma_wait3A_264 : memref<8x1024xf32, #tpu.memory_space<hbm>>) dst(%arg13 : memref<8x1024xf32, #tpu.memory_space<vmem>>)
    %dma_wait3A_265 = arith.constant 0 : i32
    %dma_wait3A_266 = arith.constant 0 : i32
    %dma_wait3A_267 = tpu.memref_slice %arg4[%mul3A_2, %dma_wait3A_266] : memref<32768x1024xf32, #tpu.memory_space<hbm>> -> memref<8x1024xf32, #tpu.memory_space<hbm>>
    %dma_wait3A_268 = arith.constant 0 : i32
    %dma_wait3A_269 = arith.constant 0 : i32
    %dma_wait3A_270 = tpu.memref_slice %arg6[%arg1, %dma_wait3A_265, %dma_wait3A_268, %dma_wait3A_269] : memref<16x6x8x1024xf32, #tpu.memory_space<vmem_shared>> -> memref<1x1x8x1024xf32, #tpu.memory_space<vmem_shared>>
    %dma_wait3A_271 = tpu.memref_squeeze %dma_wait3A_270 : memref<1x1x8x1024xf32, #tpu.memory_space<vmem_shared>> -> memref<8x1024xf32, #tpu.memory_space<vmem_shared>>
    tpu.wait_dma2 semaphore(%arg31 : memref<!tpu.dma_semaphore, #tpu.memory_space<semaphore_mem>>) src(%dma_wait3A_271 : memref<8x1024xf32, #tpu.memory_space<vmem_shared>>) dst(%dma_wait3A_267 : memref<8x1024xf32, #tpu.memory_space<hbm>>)
    %dma_start3A_272 = arith.constant 0 : i32
    %dma_start3A_273 = arith.constant 0 : i32
    %dma_start3A_274 = arith.constant 0 : i32
    %dma_start3A_275 = tpu.memref_slice %arg6[%arg1, %dma_start3A_272, %dma_start3A_273, %dma_start3A_274] : memref<16x6x8x1024xf32, #tpu.memory_space<vmem_shared>> -> memref<1x1x8x1024xf32, #tpu.memory_space<vmem_shared>>
    %dma_start3A_276 = tpu.memref_squeeze %dma_start3A_275 : memref<1x1x8x1024xf32, #tpu.memory_space<vmem_shared>> -> memref<8x1024xf32, #tpu.memory_space<vmem_shared>>
    %dma_start3A_277 = arith.constant 0 : i32
    %dma_start3A_278 = arith.constant 0 : i32
    %dma_start3A_279 = tpu.memref_slice %arg6[%arg1, %dma_start3A_272, %dma_start3A_277, %dma_start3A_278] : memref<16x6x8x1024xf32, #tpu.memory_space<vmem_shared>> -> memref<1x1x8x1024xf32, #tpu.memory_space<vmem_shared>>
    %dma_start3A_280 = tpu.memref_squeeze %dma_start3A_279 : memref<1x1x8x1024xf32, #tpu.memory_space<vmem_shared>> -> memref<8x1024xf32, #tpu.memory_space<vmem_shared>>
    tpu.enqueue_dma source(%arg13 : memref<8x1024xf32, #tpu.memory_space<vmem>>) target(%dma_start3A_280 : memref<8x1024xf32, #tpu.memory_space<vmem_shared>>) target_semaphore(%arg29 : memref<!tpu.dma_semaphore, #tpu.memory_space<semaphore_mem>>)
    %dma_wait3A_281 = arith.constant 0 : i32
    %dma_wait3A_282 = arith.constant 0 : i32
    %dma_wait3A_283 = arith.constant 0 : i32
    %dma_wait3A_284 = tpu.memref_slice %arg6[%arg1, %dma_wait3A_281, %dma_wait3A_282, %dma_wait3A_283] : memref<16x6x8x1024xf32, #tpu.memory_space<vmem_shared>> -> memref<1x1x8x1024xf32, #tpu.memory_space<vmem_shared>>
    %dma_wait3A_285 = tpu.memref_squeeze %dma_wait3A_284 : memref<1x1x8x1024xf32, #tpu.memory_space<vmem_shared>> -> memref<8x1024xf32, #tpu.memory_space<vmem_shared>>
    %dma_wait3A_286 = arith.constant 0 : i32
    %dma_wait3A_287 = arith.constant 0 : i32
    %dma_wait3A_288 = tpu.memref_slice %arg6[%arg1, %dma_wait3A_281, %dma_wait3A_286, %dma_wait3A_287] : memref<16x6x8x1024xf32, #tpu.memory_space<vmem_shared>> -> memref<1x1x8x1024xf32, #tpu.memory_space<vmem_shared>>
    %dma_wait3A_289 = tpu.memref_squeeze %dma_wait3A_288 : memref<1x1x8x1024xf32, #tpu.memory_space<vmem_shared>> -> memref<8x1024xf32, #tpu.memory_space<vmem_shared>>
    tpu.wait_dma2 semaphore(%arg29 : memref<!tpu.dma_semaphore, #tpu.memory_space<semaphore_mem>>) src(%arg13 : memref<8x1024xf32, #tpu.memory_space<vmem>>) dst(%dma_wait3A_289 : memref<8x1024xf32, #tpu.memory_space<vmem_shared>>)
    %add3A_290 = arith.constant 48 : i32
    %add3A_291 = arith.addi %mul3A_2, %add3A_290 : i32
    %dma_start3A_292 = arith.constant 0 : i32
    %dma_start3A_293 = arith.constant 0 : i32
    %dma_start3A_294 = tpu.memref_slice %arg4[%add3A_291, %dma_start3A_293] : memref<32768x1024xf32, #tpu.memory_space<hbm>> -> memref<8x1024xf32, #tpu.memory_space<hbm>>
    %dma_start3A_295 = arith.constant 0 : i32
    %dma_start3A_296 = arith.constant 0 : i32
    %dma_start3A_297 = tpu.memref_slice %arg6[%arg1, %dma_start3A_292, %dma_start3A_295, %dma_start3A_296] : memref<16x6x8x1024xf32, #tpu.memory_space<vmem_shared>> -> memref<1x1x8x1024xf32, #tpu.memory_space<vmem_shared>>
    %dma_start3A_298 = tpu.memref_squeeze %dma_start3A_297 : memref<1x1x8x1024xf32, #tpu.memory_space<vmem_shared>> -> memref<8x1024xf32, #tpu.memory_space<vmem_shared>>
    tpu.enqueue_dma source(%dma_start3A_298 : memref<8x1024xf32, #tpu.memory_space<vmem_shared>>) target(%dma_start3A_294 : memref<8x1024xf32, #tpu.memory_space<hbm>>) target_semaphore(%arg31 : memref<!tpu.dma_semaphore, #tpu.memory_space<semaphore_mem>>)
    %dma_start3A_299 = arith.constant 112 : i32
    %dma_start3A_300 = tpu.memref_slice %arg5[%dma_start3A_299] : memref<1024xi32, #tpu.memory_space<vmem>> -> memref<8xi32, #tpu.memory_space<vmem>>
    %dma_start3A_301 = arith.constant 0 : i32
    %dma_start3A_302 = arith.constant 0 : i32
    %dma_start3A_303 = tpu.memref_slice %arg2[%dma_start3A_301, %dma_start3A_302] : memref<8192x1024xf32, #tpu.memory_space<hbm>> -> memref<8192x1024xf32, #tpu.memory_space<hbm>>
    tpu.enqueue_indirect_dma source(%dma_start3A_303 : memref<8192x1024xf32, #tpu.memory_space<hbm>>) target(%arg13 : memref<8x1024xf32, #tpu.memory_space<vmem>>) offsets(%dma_start3A_300 : memref<8xi32, #tpu.memory_space<vmem>>) semaphore(%arg21 : memref<!tpu.dma_semaphore, #tpu.memory_space<semaphore_mem>>)
    %dma_wait3A_304 = arith.constant 0 : i32
    %dma_wait3A_305 = tpu.memref_slice %arg4[%mul3A_2, %dma_wait3A_304] : memref<32768x1024xf32, #tpu.memory_space<hbm>> -> memref<8x1024xf32, #tpu.memory_space<hbm>>
    %dma_wait3A_306 = arith.constant 0 : i32
    %dma_wait3A_307 = tpu.memref_slice %arg4[%mul3A_2, %dma_wait3A_306] : memref<32768x1024xf32, #tpu.memory_space<hbm>> -> memref<8x1024xf32, #tpu.memory_space<hbm>>
    tpu.wait_dma2 semaphore(%arg22 : memref<!tpu.dma_semaphore, #tpu.memory_space<semaphore_mem>>) src(%dma_wait3A_307 : memref<8x1024xf32, #tpu.memory_space<hbm>>) dst(%arg14 : memref<8x1024xf32, #tpu.memory_space<vmem>>)
    %dma_wait3A_308 = arith.constant 1 : i32
    %dma_wait3A_309 = arith.constant 0 : i32
    %dma_wait3A_310 = tpu.memref_slice %arg4[%mul3A_2, %dma_wait3A_309] : memref<32768x1024xf32, #tpu.memory_space<hbm>> -> memref<8x1024xf32, #tpu.memory_space<hbm>>
    %dma_wait3A_311 = arith.constant 0 : i32
    %dma_wait3A_312 = arith.constant 0 : i32
    %dma_wait3A_313 = tpu.memref_slice %arg6[%arg1, %dma_wait3A_308, %dma_wait3A_311, %dma_wait3A_312] : memref<16x6x8x1024xf32, #tpu.memory_space<vmem_shared>> -> memref<1x1x8x1024xf32, #tpu.memory_space<vmem_shared>>
    %dma_wait3A_314 = tpu.memref_squeeze %dma_wait3A_313 : memref<1x1x8x1024xf32, #tpu.memory_space<vmem_shared>> -> memref<8x1024xf32, #tpu.memory_space<vmem_shared>>
    tpu.wait_dma2 semaphore(%arg32 : memref<!tpu.dma_semaphore, #tpu.memory_space<semaphore_mem>>) src(%dma_wait3A_314 : memref<8x1024xf32, #tpu.memory_space<vmem_shared>>) dst(%dma_wait3A_310 : memref<8x1024xf32, #tpu.memory_space<hbm>>)
    %dma_start3A_315 = arith.constant 1 : i32
    %dma_start3A_316 = arith.constant 0 : i32
    %dma_start3A_317 = arith.constant 0 : i32
    %dma_start3A_318 = tpu.memref_slice %arg6[%arg1, %dma_start3A_315, %dma_start3A_316, %dma_start3A_317] : memref<16x6x8x1024xf32, #tpu.memory_space<vmem_shared>> -> memref<1x1x8x1024xf32, #tpu.memory_space<vmem_shared>>
    %dma_start3A_319 = tpu.memref_squeeze %dma_start3A_318 : memref<1x1x8x1024xf32, #tpu.memory_space<vmem_shared>> -> memref<8x1024xf32, #tpu.memory_space<vmem_shared>>
    %dma_start3A_320 = arith.constant 0 : i32
    %dma_start3A_321 = arith.constant 0 : i32
    %dma_start3A_322 = tpu.memref_slice %arg6[%arg1, %dma_start3A_315, %dma_start3A_320, %dma_start3A_321] : memref<16x6x8x1024xf32, #tpu.memory_space<vmem_shared>> -> memref<1x1x8x1024xf32, #tpu.memory_space<vmem_shared>>
    %dma_start3A_323 = tpu.memref_squeeze %dma_start3A_322 : memref<1x1x8x1024xf32, #tpu.memory_space<vmem_shared>> -> memref<8x1024xf32, #tpu.memory_space<vmem_shared>>
    tpu.enqueue_dma source(%arg14 : memref<8x1024xf32, #tpu.memory_space<vmem>>) target(%dma_start3A_323 : memref<8x1024xf32, #tpu.memory_space<vmem_shared>>) target_semaphore(%arg30 : memref<!tpu.dma_semaphore, #tpu.memory_space<semaphore_mem>>)
    %dma_wait3A_324 = arith.constant 1 : i32
    %dma_wait3A_325 = arith.constant 0 : i32
    %dma_wait3A_326 = arith.constant 0 : i32
    %dma_wait3A_327 = tpu.memref_slice %arg6[%arg1, %dma_wait3A_324, %dma_wait3A_325, %dma_wait3A_326] : memref<16x6x8x1024xf32, #tpu.memory_space<vmem_shared>> -> memref<1x1x8x1024xf32, #tpu.memory_space<vmem_shared>>
    %dma_wait3A_328 = tpu.memref_squeeze %dma_wait3A_327 : memref<1x1x8x1024xf32, #tpu.memory_space<vmem_shared>> -> memref<8x1024xf32, #tpu.memory_space<vmem_shared>>
    %dma_wait3A_329 = arith.constant 0 : i32
    %dma_wait3A_330 = arith.constant 0 : i32
    %dma_wait3A_331 = tpu.memref_slice %arg6[%arg1, %dma_wait3A_324, %dma_wait3A_329, %dma_wait3A_330] : memref<16x6x8x1024xf32, #tpu.memory_space<vmem_shared>> -> memref<1x1x8x1024xf32, #tpu.memory_space<vmem_shared>>
    %dma_wait3A_332 = tpu.memref_squeeze %dma_wait3A_331 : memref<1x1x8x1024xf32, #tpu.memory_space<vmem_shared>> -> memref<8x1024xf32, #tpu.memory_space<vmem_shared>>
    tpu.wait_dma2 semaphore(%arg30 : memref<!tpu.dma_semaphore, #tpu.memory_space<semaphore_mem>>) src(%arg14 : memref<8x1024xf32, #tpu.memory_space<vmem>>) dst(%dma_wait3A_332 : memref<8x1024xf32, #tpu.memory_space<vmem_shared>>)
    %add3A_333 = arith.constant 56 : i32
    %add3A_334 = arith.addi %mul3A_2, %add3A_333 : i32
    %dma_start3A_335 = arith.constant 1 : i32
    %dma_start3A_336 = arith.constant 0 : i32
    %dma_start3A_337 = tpu.memref_slice %arg4[%add3A_334, %dma_start3A_336] : memref<32768x1024xf32, #tpu.memory_space<hbm>> -> memref<8x1024xf32, #tpu.memory_space<hbm>>
    %dma_start3A_338 = arith.constant 0 : i32
    %dma_start3A_339 = arith.constant 0 : i32
    %dma_start3A_340 = tpu.memref_slice %arg6[%arg1, %dma_start3A_335, %dma_start3A_338, %dma_start3A_339] : memref<16x6x8x1024xf32, #tpu.memory_space<vmem_shared>> -> memref<1x1x8x1024xf32, #tpu.memory_space<vmem_shared>>
    %dma_start3A_341 = tpu.memref_squeeze %dma_start3A_340 : memref<1x1x8x1024xf32, #tpu.memory_space<vmem_shared>> -> memref<8x1024xf32, #tpu.memory_space<vmem_shared>>
    tpu.enqueue_dma source(%dma_start3A_341 : memref<8x1024xf32, #tpu.memory_space<vmem_shared>>) target(%dma_start3A_337 : memref<8x1024xf32, #tpu.memory_space<hbm>>) target_semaphore(%arg32 : memref<!tpu.dma_semaphore, #tpu.memory_space<semaphore_mem>>)
    %dma_start3A_342 = arith.constant 120 : i32
    %dma_start3A_343 = tpu.memref_slice %arg5[%dma_start3A_342] : memref<1024xi32, #tpu.memory_space<vmem>> -> memref<8xi32, #tpu.memory_space<vmem>>
    %dma_start3A_344 = arith.constant 0 : i32
    %dma_start3A_345 = arith.constant 0 : i32
    %dma_start3A_346 = tpu.memref_slice %arg2[%dma_start3A_344, %dma_start3A_345] : memref<8192x1024xf32, #tpu.memory_space<hbm>> -> memref<8192x1024xf32, #tpu.memory_space<hbm>>
    tpu.enqueue_indirect_dma source(%dma_start3A_346 : memref<8192x1024xf32, #tpu.memory_space<hbm>>) target(%arg14 : memref<8x1024xf32, #tpu.memory_space<vmem>>) offsets(%dma_start3A_343 : memref<8xi32, #tpu.memory_space<vmem>>) semaphore(%arg22 : memref<!tpu.dma_semaphore, #tpu.memory_space<semaphore_mem>>)
    %scan3A_347 = arith.constant 0 : i32
    %scan3A_348 = arith.constant 14 : i32
    %scan3A_349 = arith.addi %scan3A_347, %scan3A_348 : i32
    %scan3A_350 = arith.constant 1 : i32
    scf.for %scan3A_698 = %scan3A_347 to %scan3A_349 step %scan3A_350  : i32 {
      %mul3A_699 = arith.constant 8 : i32
      %mul3A_700 = arith.muli %scan3A_698, %mul3A_699 : i32
      %add3A_701 = arith.constant 8 : i32
      %add3A_702 = arith.addi %add3A_701, %mul3A_700 : i32
      %dma_wait3A_703 = arith.constant 0 : i32
      %dma_wait3A_704 = tpu.memref_slice %arg4[%mul3A_2, %dma_wait3A_703] : memref<32768x1024xf32, #tpu.memory_space<hbm>> -> memref<8x1024xf32, #tpu.memory_space<hbm>>
      %dma_wait3A_705 = arith.constant 0 : i32
      %dma_wait3A_706 = tpu.memref_slice %arg4[%mul3A_2, %dma_wait3A_705] : memref<32768x1024xf32, #tpu.memory_space<hbm>> -> memref<8x1024xf32, #tpu.memory_space<hbm>>
      tpu.wait_dma2 semaphore(%arg15 : memref<!tpu.dma_semaphore, #tpu.memory_space<semaphore_mem>>) src(%dma_wait3A_706 : memref<8x1024xf32, #tpu.memory_space<hbm>>) dst(%arg7 : memref<8x1024xf32, #tpu.memory_space<vmem>>)
      %dma_wait3A_707 = arith.constant 0 : i32
      %dma_wait3A_708 = arith.constant 0 : i32
      %dma_wait3A_709 = tpu.memref_slice %arg4[%mul3A_2, %dma_wait3A_708] : memref<32768x1024xf32, #tpu.memory_space<hbm>> -> memref<8x1024xf32, #tpu.memory_space<hbm>>
      %dma_wait3A_710 = arith.constant 0 : i32
      %dma_wait3A_711 = arith.constant 0 : i32
      %dma_wait3A_712 = tpu.memref_slice %arg6[%arg1, %dma_wait3A_707, %dma_wait3A_710, %dma_wait3A_711] : memref<16x6x8x1024xf32, #tpu.memory_space<vmem_shared>> -> memref<1x1x8x1024xf32, #tpu.memory_space<vmem_shared>>
      %dma_wait3A_713 = tpu.memref_squeeze %dma_wait3A_712 : memref<1x1x8x1024xf32, #tpu.memory_space<vmem_shared>> -> memref<8x1024xf32, #tpu.memory_space<vmem_shared>>
      tpu.wait_dma2 semaphore(%arg31 : memref<!tpu.dma_semaphore, #tpu.memory_space<semaphore_mem>>) src(%dma_wait3A_713 : memref<8x1024xf32, #tpu.memory_space<vmem_shared>>) dst(%dma_wait3A_709 : memref<8x1024xf32, #tpu.memory_space<hbm>>)
      %dma_start3A_714 = arith.constant 0 : i32
      %dma_start3A_715 = arith.constant 0 : i32
      %dma_start3A_716 = arith.constant 0 : i32
      %dma_start3A_717 = tpu.memref_slice %arg6[%arg1, %dma_start3A_714, %dma_start3A_715, %dma_start3A_716] : memref<16x6x8x1024xf32, #tpu.memory_space<vmem_shared>> -> memref<1x1x8x1024xf32, #tpu.memory_space<vmem_shared>>
      %dma_start3A_718 = tpu.memref_squeeze %dma_start3A_717 : memref<1x1x8x1024xf32, #tpu.memory_space<vmem_shared>> -> memref<8x1024xf32, #tpu.memory_space<vmem_shared>>
      %dma_start3A_719 = arith.constant 0 : i32
      %dma_start3A_720 = arith.constant 0 : i32
      %dma_start3A_721 = tpu.memref_slice %arg6[%arg1, %dma_start3A_714, %dma_start3A_719, %dma_start3A_720] : memref<16x6x8x1024xf32, #tpu.memory_space<vmem_shared>> -> memref<1x1x8x1024xf32, #tpu.memory_space<vmem_shared>>
      %dma_start3A_722 = tpu.memref_squeeze %dma_start3A_721 : memref<1x1x8x1024xf32, #tpu.memory_space<vmem_shared>> -> memref<8x1024xf32, #tpu.memory_space<vmem_shared>>
      tpu.enqueue_dma source(%arg7 : memref<8x1024xf32, #tpu.memory_space<vmem>>) target(%dma_start3A_722 : memref<8x1024xf32, #tpu.memory_space<vmem_shared>>) target_semaphore(%arg23 : memref<!tpu.dma_semaphore, #tpu.memory_space<semaphore_mem>>)
      %dma_wait3A_723 = arith.constant 0 : i32
      %dma_wait3A_724 = arith.constant 0 : i32
      %dma_wait3A_725 = arith.constant 0 : i32
      %dma_wait3A_726 = tpu.memref_slice %arg6[%arg1, %dma_wait3A_723, %dma_wait3A_724, %dma_wait3A_725] : memref<16x6x8x1024xf32, #tpu.memory_space<vmem_shared>> -> memref<1x1x8x1024xf32, #tpu.memory_space<vmem_shared>>
      %dma_wait3A_727 = tpu.memref_squeeze %dma_wait3A_726 : memref<1x1x8x1024xf32, #tpu.memory_space<vmem_shared>> -> memref<8x1024xf32, #tpu.memory_space<vmem_shared>>
      %dma_wait3A_728 = arith.constant 0 : i32
      %dma_wait3A_729 = arith.constant 0 : i32
      %dma_wait3A_730 = tpu.memref_slice %arg6[%arg1, %dma_wait3A_723, %dma_wait3A_728, %dma_wait3A_729] : memref<16x6x8x1024xf32, #tpu.memory_space<vmem_shared>> -> memref<1x1x8x1024xf32, #tpu.memory_space<vmem_shared>>
      %dma_wait3A_731 = tpu.memref_squeeze %dma_wait3A_730 : memref<1x1x8x1024xf32, #tpu.memory_space<vmem_shared>> -> memref<8x1024xf32, #tpu.memory_space<vmem_shared>>
      tpu.wait_dma2 semaphore(%arg23 : memref<!tpu.dma_semaphore, #tpu.memory_space<semaphore_mem>>) src(%arg7 : memref<8x1024xf32, #tpu.memory_space<vmem>>) dst(%dma_wait3A_731 : memref<8x1024xf32, #tpu.memory_space<vmem_shared>>)
      %add3A_732 = arith.constant 0 : i32
      %add3A_733 = arith.addi %add3A_702, %add3A_732 : i32
      %mul3A_734 = arith.constant 8 : i32
      %mul3A_735 = arith.muli %add3A_733, %mul3A_734 : i32
      %add3A_736 = arith.addi %mul3A_2, %mul3A_735 : i32
      %dma_start3A_737 = arith.constant 0 : i32
      %dma_start3A_738 = arith.constant 0 : i32
      %dma_start3A_739 = tpu.memref_slice %arg4[%add3A_736, %dma_start3A_738] : memref<32768x1024xf32, #tpu.memory_space<hbm>> -> memref<8x1024xf32, #tpu.memory_space<hbm>>
      %dma_start3A_740 = arith.constant 0 : i32
      %dma_start3A_741 = arith.constant 0 : i32
      %dma_start3A_742 = tpu.memref_slice %arg6[%arg1, %dma_start3A_737, %dma_start3A_740, %dma_start3A_741] : memref<16x6x8x1024xf32, #tpu.memory_space<vmem_shared>> -> memref<1x1x8x1024xf32, #tpu.memory_space<vmem_shared>>
      %dma_start3A_743 = tpu.memref_squeeze %dma_start3A_742 : memref<1x1x8x1024xf32, #tpu.memory_space<vmem_shared>> -> memref<8x1024xf32, #tpu.memory_space<vmem_shared>>
      tpu.enqueue_dma source(%dma_start3A_743 : memref<8x1024xf32, #tpu.memory_space<vmem_shared>>) target(%dma_start3A_739 : memref<8x1024xf32, #tpu.memory_space<hbm>>) target_semaphore(%arg31 : memref<!tpu.dma_semaphore, #tpu.memory_space<semaphore_mem>>)
      %add3A_744 = arith.constant 0 : i32
      %add3A_745 = arith.addi %add3A_702, %add3A_744 : i32
      %add3A_746 = arith.constant 8 : i32
      %add3A_747 = arith.addi %add3A_745, %add3A_746 : i32
      %mul3A_748 = arith.constant 8 : i32
      %mul3A_749 = arith.muli %add3A_747, %mul3A_748 : i32
      %dma_start3A_750 = tpu.memref_slice %arg5[%mul3A_749] : memref<1024xi32, #tpu.memory_space<vmem>> -> memref<8xi32, #tpu.memory_space<vmem>>
      %dma_start3A_751 = arith.constant 0 : i32
      %dma_start3A_752 = arith.constant 0 : i32
      %dma_start3A_753 = tpu.memref_slice %arg2[%dma_start3A_751, %dma_start3A_752] : memref<8192x1024xf32, #tpu.memory_space<hbm>> -> memref<8192x1024xf32, #tpu.memory_space<hbm>>
      tpu.enqueue_indirect_dma source(%dma_start3A_753 : memref<8192x1024xf32, #tpu.memory_space<hbm>>) target(%arg7 : memref<8x1024xf32, #tpu.memory_space<vmem>>) offsets(%dma_start3A_750 : memref<8xi32, #tpu.memory_space<vmem>>) semaphore(%arg15 : memref<!tpu.dma_semaphore, #tpu.memory_space<semaphore_mem>>)
      %dma_wait3A_754 = arith.constant 0 : i32
      %dma_wait3A_755 = tpu.memref_slice %arg4[%mul3A_2, %dma_wait3A_754] : memref<32768x1024xf32, #tpu.memory_space<hbm>> -> memref<8x1024xf32, #tpu.memory_space<hbm>>
      %dma_wait3A_756 = arith.constant 0 : i32
      %dma_wait3A_757 = tpu.memref_slice %arg4[%mul3A_2, %dma_wait3A_756] : memref<32768x1024xf32, #tpu.memory_space<hbm>> -> memref<8x1024xf32, #tpu.memory_space<hbm>>
      tpu.wait_dma2 semaphore(%arg16 : memref<!tpu.dma_semaphore, #tpu.memory_space<semaphore_mem>>) src(%dma_wait3A_757 : memref<8x1024xf32, #tpu.memory_space<hbm>>) dst(%arg8 : memref<8x1024xf32, #tpu.memory_space<vmem>>)
      %dma_wait3A_758 = arith.constant 1 : i32
      %dma_wait3A_759 = arith.constant 0 : i32
      %dma_wait3A_760 = tpu.memref_slice %arg4[%mul3A_2, %dma_wait3A_759] : memref<32768x1024xf32, #tpu.memory_space<hbm>> -> memref<8x1024xf32, #tpu.memory_space<hbm>>
      %dma_wait3A_761 = arith.constant 0 : i32
      %dma_wait3A_762 = arith.constant 0 : i32
      %dma_wait3A_763 = tpu.memref_slice %arg6[%arg1, %dma_wait3A_758, %dma_wait3A_761, %dma_wait3A_762] : memref<16x6x8x1024xf32, #tpu.memory_space<vmem_shared>> -> memref<1x1x8x1024xf32, #tpu.memory_space<vmem_shared>>
      %dma_wait3A_764 = tpu.memref_squeeze %dma_wait3A_763 : memref<1x1x8x1024xf32, #tpu.memory_space<vmem_shared>> -> memref<8x1024xf32, #tpu.memory_space<vmem_shared>>
      tpu.wait_dma2 semaphore(%arg32 : memref<!tpu.dma_semaphore, #tpu.memory_space<semaphore_mem>>) src(%dma_wait3A_764 : memref<8x1024xf32, #tpu.memory_space<vmem_shared>>) dst(%dma_wait3A_760 : memref<8x1024xf32, #tpu.memory_space<hbm>>)
      %dma_start3A_765 = arith.constant 1 : i32
      %dma_start3A_766 = arith.constant 0 : i32
      %dma_start3A_767 = arith.constant 0 : i32
      %dma_start3A_768 = tpu.memref_slice %arg6[%arg1, %dma_start3A_765, %dma_start3A_766, %dma_start3A_767] : memref<16x6x8x1024xf32, #tpu.memory_space<vmem_shared>> -> memref<1x1x8x1024xf32, #tpu.memory_space<vmem_shared>>
      %dma_start3A_769 = tpu.memref_squeeze %dma_start3A_768 : memref<1x1x8x1024xf32, #tpu.memory_space<vmem_shared>> -> memref<8x1024xf32, #tpu.memory_space<vmem_shared>>
      %dma_start3A_770 = arith.constant 0 : i32
      %dma_start3A_771 = arith.constant 0 : i32
      %dma_start3A_772 = tpu.memref_slice %arg6[%arg1, %dma_start3A_765, %dma_start3A_770, %dma_start3A_771] : memref<16x6x8x1024xf32, #tpu.memory_space<vmem_shared>> -> memref<1x1x8x1024xf32, #tpu.memory_space<vmem_shared>>
      %dma_start3A_773 = tpu.memref_squeeze %dma_start3A_772 : memref<1x1x8x1024xf32, #tpu.memory_space<vmem_shared>> -> memref<8x1024xf32, #tpu.memory_space<vmem_shared>>
      tpu.enqueue_dma source(%arg8 : memref<8x1024xf32, #tpu.memory_space<vmem>>) target(%dma_start3A_773 : memref<8x1024xf32, #tpu.memory_space<vmem_shared>>) target_semaphore(%arg24 : memref<!tpu.dma_semaphore, #tpu.memory_space<semaphore_mem>>)
      %dma_wait3A_774 = arith.constant 1 : i32
      %dma_wait3A_775 = arith.constant 0 : i32
      %dma_wait3A_776 = arith.constant 0 : i32
      %dma_wait3A_777 = tpu.memref_slice %arg6[%arg1, %dma_wait3A_774, %dma_wait3A_775, %dma_wait3A_776] : memref<16x6x8x1024xf32, #tpu.memory_space<vmem_shared>> -> memref<1x1x8x1024xf32, #tpu.memory_space<vmem_shared>>
      %dma_wait3A_778 = tpu.memref_squeeze %dma_wait3A_777 : memref<1x1x8x1024xf32, #tpu.memory_space<vmem_shared>> -> memref<8x1024xf32, #tpu.memory_space<vmem_shared>>
      %dma_wait3A_779 = arith.constant 0 : i32
      %dma_wait3A_780 = arith.constant 0 : i32
      %dma_wait3A_781 = tpu.memref_slice %arg6[%arg1, %dma_wait3A_774, %dma_wait3A_779, %dma_wait3A_780] : memref<16x6x8x1024xf32, #tpu.memory_space<vmem_shared>> -> memref<1x1x8x1024xf32, #tpu.memory_space<vmem_shared>>
      %dma_wait3A_782 = tpu.memref_squeeze %dma_wait3A_781 : memref<1x1x8x1024xf32, #tpu.memory_space<vmem_shared>> -> memref<8x1024xf32, #tpu.memory_space<vmem_shared>>
      tpu.wait_dma2 semaphore(%arg24 : memref<!tpu.dma_semaphore, #tpu.memory_space<semaphore_mem>>) src(%arg8 : memref<8x1024xf32, #tpu.memory_space<vmem>>) dst(%dma_wait3A_782 : memref<8x1024xf32, #tpu.memory_space<vmem_shared>>)
      %add3A_783 = arith.constant 1 : i32
      %add3A_784 = arith.addi %add3A_702, %add3A_783 : i32
      %mul3A_785 = arith.constant 8 : i32
      %mul3A_786 = arith.muli %add3A_784, %mul3A_785 : i32
      %add3A_787 = arith.addi %mul3A_2, %mul3A_786 : i32
      %dma_start3A_788 = arith.constant 1 : i32
      %dma_start3A_789 = arith.constant 0 : i32
      %dma_start3A_790 = tpu.memref_slice %arg4[%add3A_787, %dma_start3A_789] : memref<32768x1024xf32, #tpu.memory_space<hbm>> -> memref<8x1024xf32, #tpu.memory_space<hbm>>
      %dma_start3A_791 = arith.constant 0 : i32
      %dma_start3A_792 = arith.constant 0 : i32
      %dma_start3A_793 = tpu.memref_slice %arg6[%arg1, %dma_start3A_788, %dma_start3A_791, %dma_start3A_792] : memref<16x6x8x1024xf32, #tpu.memory_space<vmem_shared>> -> memref<1x1x8x1024xf32, #tpu.memory_space<vmem_shared>>
      %dma_start3A_794 = tpu.memref_squeeze %dma_start3A_793 : memref<1x1x8x1024xf32, #tpu.memory_space<vmem_shared>> -> memref<8x1024xf32, #tpu.memory_space<vmem_shared>>
      tpu.enqueue_dma source(%dma_start3A_794 : memref<8x1024xf32, #tpu.memory_space<vmem_shared>>) target(%dma_start3A_790 : memref<8x1024xf32, #tpu.memory_space<hbm>>) target_semaphore(%arg32 : memref<!tpu.dma_semaphore, #tpu.memory_space<semaphore_mem>>)
      %add3A_795 = arith.constant 1 : i32
      %add3A_796 = arith.addi %add3A_702, %add3A_795 : i32
      %add3A_797 = arith.constant 8 : i32
      %add3A_798 = arith.addi %add3A_796, %add3A_797 : i32
      %mul3A_799 = arith.constant 8 : i32
      %mul3A_800 = arith.muli %add3A_798, %mul3A_799 : i32
      %dma_start3A_801 = tpu.memref_slice %arg5[%mul3A_800] : memref<1024xi32, #tpu.memory_space<vmem>> -> memref<8xi32, #tpu.memory_space<vmem>>
      %dma_start3A_802 = arith.constant 0 : i32
      %dma_start3A_803 = arith.constant 0 : i32
      %dma_start3A_804 = tpu.memref_slice %arg2[%dma_start3A_802, %dma_start3A_803] : memref<8192x1024xf32, #tpu.memory_space<hbm>> -> memref<8192x1024xf32, #tpu.memory_space<hbm>>
      tpu.enqueue_indirect_dma source(%dma_start3A_804 : memref<8192x1024xf32, #tpu.memory_space<hbm>>) target(%arg8 : memref<8x1024xf32, #tpu.memory_space<vmem>>) offsets(%dma_start3A_801 : memref<8xi32, #tpu.memory_space<vmem>>) semaphore(%arg16 : memref<!tpu.dma_semaphore, #tpu.memory_space<semaphore_mem>>)
      %dma_wait3A_805 = arith.constant 0 : i32
      %dma_wait3A_806 = tpu.memref_slice %arg4[%mul3A_2, %dma_wait3A_805] : memref<32768x1024xf32, #tpu.memory_space<hbm>> -> memref<8x1024xf32, #tpu.memory_space<hbm>>
      %dma_wait3A_807 = arith.constant 0 : i32
      %dma_wait3A_808 = tpu.memref_slice %arg4[%mul3A_2, %dma_wait3A_807] : memref<32768x1024xf32, #tpu.memory_space<hbm>> -> memref<8x1024xf32, #tpu.memory_space<hbm>>
      tpu.wait_dma2 semaphore(%arg17 : memref<!tpu.dma_semaphore, #tpu.memory_space<semaphore_mem>>) src(%dma_wait3A_808 : memref<8x1024xf32, #tpu.memory_space<hbm>>) dst(%arg9 : memref<8x1024xf32, #tpu.memory_space<vmem>>)
      %dma_wait3A_809 = arith.constant 2 : i32
      %dma_wait3A_810 = arith.constant 0 : i32
      %dma_wait3A_811 = tpu.memref_slice %arg4[%mul3A_2, %dma_wait3A_810] : memref<32768x1024xf32, #tpu.memory_space<hbm>> -> memref<8x1024xf32, #tpu.memory_space<hbm>>
      %dma_wait3A_812 = arith.constant 0 : i32
      %dma_wait3A_813 = arith.constant 0 : i32
      %dma_wait3A_814 = tpu.memref_slice %arg6[%arg1, %dma_wait3A_809, %dma_wait3A_812, %dma_wait3A_813] : memref<16x6x8x1024xf32, #tpu.memory_space<vmem_shared>> -> memref<1x1x8x1024xf32, #tpu.memory_space<vmem_shared>>
      %dma_wait3A_815 = tpu.memref_squeeze %dma_wait3A_814 : memref<1x1x8x1024xf32, #tpu.memory_space<vmem_shared>> -> memref<8x1024xf32, #tpu.memory_space<vmem_shared>>
      tpu.wait_dma2 semaphore(%arg33 : memref<!tpu.dma_semaphore, #tpu.memory_space<semaphore_mem>>) src(%dma_wait3A_815 : memref<8x1024xf32, #tpu.memory_space<vmem_shared>>) dst(%dma_wait3A_811 : memref<8x1024xf32, #tpu.memory_space<hbm>>)
      %dma_start3A_816 = arith.constant 2 : i32
      %dma_start3A_817 = arith.constant 0 : i32
      %dma_start3A_818 = arith.constant 0 : i32
      %dma_start3A_819 = tpu.memref_slice %arg6[%arg1, %dma_start3A_816, %dma_start3A_817, %dma_start3A_818] : memref<16x6x8x1024xf32, #tpu.memory_space<vmem_shared>> -> memref<1x1x8x1024xf32, #tpu.memory_space<vmem_shared>>
      %dma_start3A_820 = tpu.memref_squeeze %dma_start3A_819 : memref<1x1x8x1024xf32, #tpu.memory_space<vmem_shared>> -> memref<8x1024xf32, #tpu.memory_space<vmem_shared>>
      %dma_start3A_821 = arith.constant 0 : i32
      %dma_start3A_822 = arith.constant 0 : i32
      %dma_start3A_823 = tpu.memref_slice %arg6[%arg1, %dma_start3A_816, %dma_start3A_821, %dma_start3A_822] : memref<16x6x8x1024xf32, #tpu.memory_space<vmem_shared>> -> memref<1x1x8x1024xf32, #tpu.memory_space<vmem_shared>>
      %dma_start3A_824 = tpu.memref_squeeze %dma_start3A_823 : memref<1x1x8x1024xf32, #tpu.memory_space<vmem_shared>> -> memref<8x1024xf32, #tpu.memory_space<vmem_shared>>
      tpu.enqueue_dma source(%arg9 : memref<8x1024xf32, #tpu.memory_space<vmem>>) target(%dma_start3A_824 : memref<8x1024xf32, #tpu.memory_space<vmem_shared>>) target_semaphore(%arg25 : memref<!tpu.dma_semaphore, #tpu.memory_space<semaphore_mem>>)
      %dma_wait3A_825 = arith.constant 2 : i32
      %dma_wait3A_826 = arith.constant 0 : i32
      %dma_wait3A_827 = arith.constant 0 : i32
      %dma_wait3A_828 = tpu.memref_slice %arg6[%arg1, %dma_wait3A_825, %dma_wait3A_826, %dma_wait3A_827] : memref<16x6x8x1024xf32, #tpu.memory_space<vmem_shared>> -> memref<1x1x8x1024xf32, #tpu.memory_space<vmem_shared>>
      %dma_wait3A_829 = tpu.memref_squeeze %dma_wait3A_828 : memref<1x1x8x1024xf32, #tpu.memory_space<vmem_shared>> -> memref<8x1024xf32, #tpu.memory_space<vmem_shared>>
      %dma_wait3A_830 = arith.constant 0 : i32
      %dma_wait3A_831 = arith.constant 0 : i32
      %dma_wait3A_832 = tpu.memref_slice %arg6[%arg1, %dma_wait3A_825, %dma_wait3A_830, %dma_wait3A_831] : memref<16x6x8x1024xf32, #tpu.memory_space<vmem_shared>> -> memref<1x1x8x1024xf32, #tpu.memory_space<vmem_shared>>
      %dma_wait3A_833 = tpu.memref_squeeze %dma_wait3A_832 : memref<1x1x8x1024xf32, #tpu.memory_space<vmem_shared>> -> memref<8x1024xf32, #tpu.memory_space<vmem_shared>>
      tpu.wait_dma2 semaphore(%arg25 : memref<!tpu.dma_semaphore, #tpu.memory_space<semaphore_mem>>) src(%arg9 : memref<8x1024xf32, #tpu.memory_space<vmem>>) dst(%dma_wait3A_833 : memref<8x1024xf32, #tpu.memory_space<vmem_shared>>)
      %add3A_834 = arith.constant 2 : i32
      %add3A_835 = arith.addi %add3A_702, %add3A_834 : i32
      %mul3A_836 = arith.constant 8 : i32
      %mul3A_837 = arith.muli %add3A_835, %mul3A_836 : i32
      %add3A_838 = arith.addi %mul3A_2, %mul3A_837 : i32
      %dma_start3A_839 = arith.constant 2 : i32
      %dma_start3A_840 = arith.constant 0 : i32
      %dma_start3A_841 = tpu.memref_slice %arg4[%add3A_838, %dma_start3A_840] : memref<32768x1024xf32, #tpu.memory_space<hbm>> -> memref<8x1024xf32, #tpu.memory_space<hbm>>
      %dma_start3A_842 = arith.constant 0 : i32
      %dma_start3A_843 = arith.constant 0 : i32
      %dma_start3A_844 = tpu.memref_slice %arg6[%arg1, %dma_start3A_839, %dma_start3A_842, %dma_start3A_843] : memref<16x6x8x1024xf32, #tpu.memory_space<vmem_shared>> -> memref<1x1x8x1024xf32, #tpu.memory_space<vmem_shared>>
      %dma_start3A_845 = tpu.memref_squeeze %dma_start3A_844 : memref<1x1x8x1024xf32, #tpu.memory_space<vmem_shared>> -> memref<8x1024xf32, #tpu.memory_space<vmem_shared>>
      tpu.enqueue_dma source(%dma_start3A_845 : memref<8x1024xf32, #tpu.memory_space<vmem_shared>>) target(%dma_start3A_841 : memref<8x1024xf32, #tpu.memory_space<hbm>>) target_semaphore(%arg33 : memref<!tpu.dma_semaphore, #tpu.memory_space<semaphore_mem>>)
      %add3A_846 = arith.constant 2 : i32
      %add3A_847 = arith.addi %add3A_702, %add3A_846 : i32
      %add3A_848 = arith.constant 8 : i32
      %add3A_849 = arith.addi %add3A_847, %add3A_848 : i32
      %mul3A_850 = arith.constant 8 : i32
      %mul3A_851 = arith.muli %add3A_849, %mul3A_850 : i32
      %dma_start3A_852 = tpu.memref_slice %arg5[%mul3A_851] : memref<1024xi32, #tpu.memory_space<vmem>> -> memref<8xi32, #tpu.memory_space<vmem>>
      %dma_start3A_853 = arith.constant 0 : i32
      %dma_start3A_854 = arith.constant 0 : i32
      %dma_start3A_855 = tpu.memref_slice %arg2[%dma_start3A_853, %dma_start3A_854] : memref<8192x1024xf32, #tpu.memory_space<hbm>> -> memref<8192x1024xf32, #tpu.memory_space<hbm>>
      tpu.enqueue_indirect_dma source(%dma_start3A_855 : memref<8192x1024xf32, #tpu.memory_space<hbm>>) target(%arg9 : memref<8x1024xf32, #tpu.memory_space<vmem>>) offsets(%dma_start3A_852 : memref<8xi32, #tpu.memory_space<vmem>>) semaphore(%arg17 : memref<!tpu.dma_semaphore, #tpu.memory_space<semaphore_mem>>)
      %dma_wait3A_856 = arith.constant 0 : i32
      %dma_wait3A_857 = tpu.memref_slice %arg4[%mul3A_2, %dma_wait3A_856] : memref<32768x1024xf32, #tpu.memory_space<hbm>> -> memref<8x1024xf32, #tpu.memory_space<hbm>>
      %dma_wait3A_858 = arith.constant 0 : i32
      %dma_wait3A_859 = tpu.memref_slice %arg4[%mul3A_2, %dma_wait3A_858] : memref<32768x1024xf32, #tpu.memory_space<hbm>> -> memref<8x1024xf32, #tpu.memory_space<hbm>>
      tpu.wait_dma2 semaphore(%arg18 : memref<!tpu.dma_semaphore, #tpu.memory_space<semaphore_mem>>) src(%dma_wait3A_859 : memref<8x1024xf32, #tpu.memory_space<hbm>>) dst(%arg10 : memref<8x1024xf32, #tpu.memory_space<vmem>>)
      %dma_wait3A_860 = arith.constant 3 : i32
      %dma_wait3A_861 = arith.constant 0 : i32
      %dma_wait3A_862 = tpu.memref_slice %arg4[%mul3A_2, %dma_wait3A_861] : memref<32768x1024xf32, #tpu.memory_space<hbm>> -> memref<8x1024xf32, #tpu.memory_space<hbm>>
      %dma_wait3A_863 = arith.constant 0 : i32
      %dma_wait3A_864 = arith.constant 0 : i32
      %dma_wait3A_865 = tpu.memref_slice %arg6[%arg1, %dma_wait3A_860, %dma_wait3A_863, %dma_wait3A_864] : memref<16x6x8x1024xf32, #tpu.memory_space<vmem_shared>> -> memref<1x1x8x1024xf32, #tpu.memory_space<vmem_shared>>
      %dma_wait3A_866 = tpu.memref_squeeze %dma_wait3A_865 : memref<1x1x8x1024xf32, #tpu.memory_space<vmem_shared>> -> memref<8x1024xf32, #tpu.memory_space<vmem_shared>>
      tpu.wait_dma2 semaphore(%arg34 : memref<!tpu.dma_semaphore, #tpu.memory_space<semaphore_mem>>) src(%dma_wait3A_866 : memref<8x1024xf32, #tpu.memory_space<vmem_shared>>) dst(%dma_wait3A_862 : memref<8x1024xf32, #tpu.memory_space<hbm>>)
      %dma_start3A_867 = arith.constant 3 : i32
      %dma_start3A_868 = arith.constant 0 : i32
      %dma_start3A_869 = arith.constant 0 : i32
      %dma_start3A_870 = tpu.memref_slice %arg6[%arg1, %dma_start3A_867, %dma_start3A_868, %dma_start3A_869] : memref<16x6x8x1024xf32, #tpu.memory_space<vmem_shared>> -> memref<1x1x8x1024xf32, #tpu.memory_space<vmem_shared>>
      %dma_start3A_871 = tpu.memref_squeeze %dma_start3A_870 : memref<1x1x8x1024xf32, #tpu.memory_space<vmem_shared>> -> memref<8x1024xf32, #tpu.memory_space<vmem_shared>>
      %dma_start3A_872 = arith.constant 0 : i32
      %dma_start3A_873 = arith.constant 0 : i32
      %dma_start3A_874 = tpu.memref_slice %arg6[%arg1, %dma_start3A_867, %dma_start3A_872, %dma_start3A_873] : memref<16x6x8x1024xf32, #tpu.memory_space<vmem_shared>> -> memref<1x1x8x1024xf32, #tpu.memory_space<vmem_shared>>
      %dma_start3A_875 = tpu.memref_squeeze %dma_start3A_874 : memref<1x1x8x1024xf32, #tpu.memory_space<vmem_shared>> -> memref<8x1024xf32, #tpu.memory_space<vmem_shared>>
      tpu.enqueue_dma source(%arg10 : memref<8x1024xf32, #tpu.memory_space<vmem>>) target(%dma_start3A_875 : memref<8x1024xf32, #tpu.memory_space<vmem_shared>>) target_semaphore(%arg26 : memref<!tpu.dma_semaphore, #tpu.memory_space<semaphore_mem>>)
      %dma_wait3A_876 = arith.constant 3 : i32
      %dma_wait3A_877 = arith.constant 0 : i32
      %dma_wait3A_878 = arith.constant 0 : i32
      %dma_wait3A_879 = tpu.memref_slice %arg6[%arg1, %dma_wait3A_876, %dma_wait3A_877, %dma_wait3A_878] : memref<16x6x8x1024xf32, #tpu.memory_space<vmem_shared>> -> memref<1x1x8x1024xf32, #tpu.memory_space<vmem_shared>>
      %dma_wait3A_880 = tpu.memref_squeeze %dma_wait3A_879 : memref<1x1x8x1024xf32, #tpu.memory_space<vmem_shared>> -> memref<8x1024xf32, #tpu.memory_space<vmem_shared>>
      %dma_wait3A_881 = arith.constant 0 : i32
      %dma_wait3A_882 = arith.constant 0 : i32
      %dma_wait3A_883 = tpu.memref_slice %arg6[%arg1, %dma_wait3A_876, %dma_wait3A_881, %dma_wait3A_882] : memref<16x6x8x1024xf32, #tpu.memory_space<vmem_shared>> -> memref<1x1x8x1024xf32, #tpu.memory_space<vmem_shared>>
      %dma_wait3A_884 = tpu.memref_squeeze %dma_wait3A_883 : memref<1x1x8x1024xf32, #tpu.memory_space<vmem_shared>> -> memref<8x1024xf32, #tpu.memory_space<vmem_shared>>
      tpu.wait_dma2 semaphore(%arg26 : memref<!tpu.dma_semaphore, #tpu.memory_space<semaphore_mem>>) src(%arg10 : memref<8x1024xf32, #tpu.memory_space<vmem>>) dst(%dma_wait3A_884 : memref<8x1024xf32, #tpu.memory_space<vmem_shared>>)
      %add3A_885 = arith.constant 3 : i32
      %add3A_886 = arith.addi %add3A_702, %add3A_885 : i32
      %mul3A_887 = arith.constant 8 : i32
      %mul3A_888 = arith.muli %add3A_886, %mul3A_887 : i32
      %add3A_889 = arith.addi %mul3A_2, %mul3A_888 : i32
      %dma_start3A_890 = arith.constant 3 : i32
      %dma_start3A_891 = arith.constant 0 : i32
      %dma_start3A_892 = tpu.memref_slice %arg4[%add3A_889, %dma_start3A_891] : memref<32768x1024xf32, #tpu.memory_space<hbm>> -> memref<8x1024xf32, #tpu.memory_space<hbm>>
      %dma_start3A_893 = arith.constant 0 : i32
      %dma_start3A_894 = arith.constant 0 : i32
      %dma_start3A_895 = tpu.memref_slice %arg6[%arg1, %dma_start3A_890, %dma_start3A_893, %dma_start3A_894] : memref<16x6x8x1024xf32, #tpu.memory_space<vmem_shared>> -> memref<1x1x8x1024xf32, #tpu.memory_space<vmem_shared>>
      %dma_start3A_896 = tpu.memref_squeeze %dma_start3A_895 : memref<1x1x8x1024xf32, #tpu.memory_space<vmem_shared>> -> memref<8x1024xf32, #tpu.memory_space<vmem_shared>>
      tpu.enqueue_dma source(%dma_start3A_896 : memref<8x1024xf32, #tpu.memory_space<vmem_shared>>) target(%dma_start3A_892 : memref<8x1024xf32, #tpu.memory_space<hbm>>) target_semaphore(%arg34 : memref<!tpu.dma_semaphore, #tpu.memory_space<semaphore_mem>>)
      %add3A_897 = arith.constant 3 : i32
      %add3A_898 = arith.addi %add3A_702, %add3A_897 : i32
      %add3A_899 = arith.constant 8 : i32
      %add3A_900 = arith.addi %add3A_898, %add3A_899 : i32
      %mul3A_901 = arith.constant 8 : i32
      %mul3A_902 = arith.muli %add3A_900, %mul3A_901 : i32
      %dma_start3A_903 = tpu.memref_slice %arg5[%mul3A_902] : memref<1024xi32, #tpu.memory_space<vmem>> -> memref<8xi32, #tpu.memory_space<vmem>>
      %dma_start3A_904 = arith.constant 0 : i32
      %dma_start3A_905 = arith.constant 0 : i32
      %dma_start3A_906 = tpu.memref_slice %arg2[%dma_start3A_904, %dma_start3A_905] : memref<8192x1024xf32, #tpu.memory_space<hbm>> -> memref<8192x1024xf32, #tpu.memory_space<hbm>>
      tpu.enqueue_indirect_dma source(%dma_start3A_906 : memref<8192x1024xf32, #tpu.memory_space<hbm>>) target(%arg10 : memref<8x1024xf32, #tpu.memory_space<vmem>>) offsets(%dma_start3A_903 : memref<8xi32, #tpu.memory_space<vmem>>) semaphore(%arg18 : memref<!tpu.dma_semaphore, #tpu.memory_space<semaphore_mem>>)
      %dma_wait3A_907 = arith.constant 0 : i32
      %dma_wait3A_908 = tpu.memref_slice %arg4[%mul3A_2, %dma_wait3A_907] : memref<32768x1024xf32, #tpu.memory_space<hbm>> -> memref<8x1024xf32, #tpu.memory_space<hbm>>
      %dma_wait3A_909 = arith.constant 0 : i32
      %dma_wait3A_910 = tpu.memref_slice %arg4[%mul3A_2, %dma_wait3A_909] : memref<32768x1024xf32, #tpu.memory_space<hbm>> -> memref<8x1024xf32, #tpu.memory_space<hbm>>
      tpu.wait_dma2 semaphore(%arg19 : memref<!tpu.dma_semaphore, #tpu.memory_space<semaphore_mem>>) src(%dma_wait3A_910 : memref<8x1024xf32, #tpu.memory_space<hbm>>) dst(%arg11 : memref<8x1024xf32, #tpu.memory_space<vmem>>)
      %dma_wait3A_911 = arith.constant 4 : i32
      %dma_wait3A_912 = arith.constant 0 : i32
      %dma_wait3A_913 = tpu.memref_slice %arg4[%mul3A_2, %dma_wait3A_912] : memref<32768x1024xf32, #tpu.memory_space<hbm>> -> memref<8x1024xf32, #tpu.memory_space<hbm>>
      %dma_wait3A_914 = arith.constant 0 : i32
      %dma_wait3A_915 = arith.constant 0 : i32
      %dma_wait3A_916 = tpu.memref_slice %arg6[%arg1, %dma_wait3A_911, %dma_wait3A_914, %dma_wait3A_915] : memref<16x6x8x1024xf32, #tpu.memory_space<vmem_shared>> -> memref<1x1x8x1024xf32, #tpu.memory_space<vmem_shared>>
      %dma_wait3A_917 = tpu.memref_squeeze %dma_wait3A_916 : memref<1x1x8x1024xf32, #tpu.memory_space<vmem_shared>> -> memref<8x1024xf32, #tpu.memory_space<vmem_shared>>
      tpu.wait_dma2 semaphore(%arg35 : memref<!tpu.dma_semaphore, #tpu.memory_space<semaphore_mem>>) src(%dma_wait3A_917 : memref<8x1024xf32, #tpu.memory_space<vmem_shared>>) dst(%dma_wait3A_913 : memref<8x1024xf32, #tpu.memory_space<hbm>>)
      %dma_start3A_918 = arith.constant 4 : i32
      %dma_start3A_919 = arith.constant 0 : i32
      %dma_start3A_920 = arith.constant 0 : i32
      %dma_start3A_921 = tpu.memref_slice %arg6[%arg1, %dma_start3A_918, %dma_start3A_919, %dma_start3A_920] : memref<16x6x8x1024xf32, #tpu.memory_space<vmem_shared>> -> memref<1x1x8x1024xf32, #tpu.memory_space<vmem_shared>>
      %dma_start3A_922 = tpu.memref_squeeze %dma_start3A_921 : memref<1x1x8x1024xf32, #tpu.memory_space<vmem_shared>> -> memref<8x1024xf32, #tpu.memory_space<vmem_shared>>
      %dma_start3A_923 = arith.constant 0 : i32
      %dma_start3A_924 = arith.constant 0 : i32
      %dma_start3A_925 = tpu.memref_slice %arg6[%arg1, %dma_start3A_918, %dma_start3A_923, %dma_start3A_924] : memref<16x6x8x1024xf32, #tpu.memory_space<vmem_shared>> -> memref<1x1x8x1024xf32, #tpu.memory_space<vmem_shared>>
      %dma_start3A_926 = tpu.memref_squeeze %dma_start3A_925 : memref<1x1x8x1024xf32, #tpu.memory_space<vmem_shared>> -> memref<8x1024xf32, #tpu.memory_space<vmem_shared>>
      tpu.enqueue_dma source(%arg11 : memref<8x1024xf32, #tpu.memory_space<vmem>>) target(%dma_start3A_926 : memref<8x1024xf32, #tpu.memory_space<vmem_shared>>) target_semaphore(%arg27 : memref<!tpu.dma_semaphore, #tpu.memory_space<semaphore_mem>>)
      %dma_wait3A_927 = arith.constant 4 : i32
      %dma_wait3A_928 = arith.constant 0 : i32
      %dma_wait3A_929 = arith.constant 0 : i32
      %dma_wait3A_930 = tpu.memref_slice %arg6[%arg1, %dma_wait3A_927, %dma_wait3A_928, %dma_wait3A_929] : memref<16x6x8x1024xf32, #tpu.memory_space<vmem_shared>> -> memref<1x1x8x1024xf32, #tpu.memory_space<vmem_shared>>
      %dma_wait3A_931 = tpu.memref_squeeze %dma_wait3A_930 : memref<1x1x8x1024xf32, #tpu.memory_space<vmem_shared>> -> memref<8x1024xf32, #tpu.memory_space<vmem_shared>>
      %dma_wait3A_932 = arith.constant 0 : i32
      %dma_wait3A_933 = arith.constant 0 : i32
      %dma_wait3A_934 = tpu.memref_slice %arg6[%arg1, %dma_wait3A_927, %dma_wait3A_932, %dma_wait3A_933] : memref<16x6x8x1024xf32, #tpu.memory_space<vmem_shared>> -> memref<1x1x8x1024xf32, #tpu.memory_space<vmem_shared>>
      %dma_wait3A_935 = tpu.memref_squeeze %dma_wait3A_934 : memref<1x1x8x1024xf32, #tpu.memory_space<vmem_shared>> -> memref<8x1024xf32, #tpu.memory_space<vmem_shared>>
      tpu.wait_dma2 semaphore(%arg27 : memref<!tpu.dma_semaphore, #tpu.memory_space<semaphore_mem>>) src(%arg11 : memref<8x1024xf32, #tpu.memory_space<vmem>>) dst(%dma_wait3A_935 : memref<8x1024xf32, #tpu.memory_space<vmem_shared>>)
      %add3A_936 = arith.constant 4 : i32
      %add3A_937 = arith.addi %add3A_702, %add3A_936 : i32
      %mul3A_938 = arith.constant 8 : i32
      %mul3A_939 = arith.muli %add3A_937, %mul3A_938 : i32
      %add3A_940 = arith.addi %mul3A_2, %mul3A_939 : i32
      %dma_start3A_941 = arith.constant 4 : i32
      %dma_start3A_942 = arith.constant 0 : i32
      %dma_start3A_943 = tpu.memref_slice %arg4[%add3A_940, %dma_start3A_942] : memref<32768x1024xf32, #tpu.memory_space<hbm>> -> memref<8x1024xf32, #tpu.memory_space<hbm>>
      %dma_start3A_944 = arith.constant 0 : i32
      %dma_start3A_945 = arith.constant 0 : i32
      %dma_start3A_946 = tpu.memref_slice %arg6[%arg1, %dma_start3A_941, %dma_start3A_944, %dma_start3A_945] : memref<16x6x8x1024xf32, #tpu.memory_space<vmem_shared>> -> memref<1x1x8x1024xf32, #tpu.memory_space<vmem_shared>>
      %dma_start3A_947 = tpu.memref_squeeze %dma_start3A_946 : memref<1x1x8x1024xf32, #tpu.memory_space<vmem_shared>> -> memref<8x1024xf32, #tpu.memory_space<vmem_shared>>
      tpu.enqueue_dma source(%dma_start3A_947 : memref<8x1024xf32, #tpu.memory_space<vmem_shared>>) target(%dma_start3A_943 : memref<8x1024xf32, #tpu.memory_space<hbm>>) target_semaphore(%arg35 : memref<!tpu.dma_semaphore, #tpu.memory_space<semaphore_mem>>)
      %add3A_948 = arith.constant 4 : i32
      %add3A_949 = arith.addi %add3A_702, %add3A_948 : i32
      %add3A_950 = arith.constant 8 : i32
      %add3A_951 = arith.addi %add3A_949, %add3A_950 : i32
      %mul3A_952 = arith.constant 8 : i32
      %mul3A_953 = arith.muli %add3A_951, %mul3A_952 : i32
      %dma_start3A_954 = tpu.memref_slice %arg5[%mul3A_953] : memref<1024xi32, #tpu.memory_space<vmem>> -> memref<8xi32, #tpu.memory_space<vmem>>
      %dma_start3A_955 = arith.constant 0 : i32
      %dma_start3A_956 = arith.constant 0 : i32
      %dma_start3A_957 = tpu.memref_slice %arg2[%dma_start3A_955, %dma_start3A_956] : memref<8192x1024xf32, #tpu.memory_space<hbm>> -> memref<8192x1024xf32, #tpu.memory_space<hbm>>
      tpu.enqueue_indirect_dma source(%dma_start3A_957 : memref<8192x1024xf32, #tpu.memory_space<hbm>>) target(%arg11 : memref<8x1024xf32, #tpu.memory_space<vmem>>) offsets(%dma_start3A_954 : memref<8xi32, #tpu.memory_space<vmem>>) semaphore(%arg19 : memref<!tpu.dma_semaphore, #tpu.memory_space<semaphore_mem>>)
      %dma_wait3A_958 = arith.constant 0 : i32
      %dma_wait3A_959 = tpu.memref_slice %arg4[%mul3A_2, %dma_wait3A_958] : memref<32768x1024xf32, #tpu.memory_space<hbm>> -> memref<8x1024xf32, #tpu.memory_space<hbm>>
      %dma_wait3A_960 = arith.constant 0 : i32
      %dma_wait3A_961 = tpu.memref_slice %arg4[%mul3A_2, %dma_wait3A_960] : memref<32768x1024xf32, #tpu.memory_space<hbm>> -> memref<8x1024xf32, #tpu.memory_space<hbm>>
      tpu.wait_dma2 semaphore(%arg20 : memref<!tpu.dma_semaphore, #tpu.memory_space<semaphore_mem>>) src(%dma_wait3A_961 : memref<8x1024xf32, #tpu.memory_space<hbm>>) dst(%arg12 : memref<8x1024xf32, #tpu.memory_space<vmem>>)
      %dma_wait3A_962 = arith.constant 5 : i32
      %dma_wait3A_963 = arith.constant 0 : i32
      %dma_wait3A_964 = tpu.memref_slice %arg4[%mul3A_2, %dma_wait3A_963] : memref<32768x1024xf32, #tpu.memory_space<hbm>> -> memref<8x1024xf32, #tpu.memory_space<hbm>>
      %dma_wait3A_965 = arith.constant 0 : i32
      %dma_wait3A_966 = arith.constant 0 : i32
      %dma_wait3A_967 = tpu.memref_slice %arg6[%arg1, %dma_wait3A_962, %dma_wait3A_965, %dma_wait3A_966] : memref<16x6x8x1024xf32, #tpu.memory_space<vmem_shared>> -> memref<1x1x8x1024xf32, #tpu.memory_space<vmem_shared>>
      %dma_wait3A_968 = tpu.memref_squeeze %dma_wait3A_967 : memref<1x1x8x1024xf32, #tpu.memory_space<vmem_shared>> -> memref<8x1024xf32, #tpu.memory_space<vmem_shared>>
      tpu.wait_dma2 semaphore(%arg36 : memref<!tpu.dma_semaphore, #tpu.memory_space<semaphore_mem>>) src(%dma_wait3A_968 : memref<8x1024xf32, #tpu.memory_space<vmem_shared>>) dst(%dma_wait3A_964 : memref<8x1024xf32, #tpu.memory_space<hbm>>)
      %dma_start3A_969 = arith.constant 5 : i32
      %dma_start3A_970 = arith.constant 0 : i32
      %dma_start3A_971 = arith.constant 0 : i32
      %dma_start3A_972 = tpu.memref_slice %arg6[%arg1, %dma_start3A_969, %dma_start3A_970, %dma_start3A_971] : memref<16x6x8x1024xf32, #tpu.memory_space<vmem_shared>> -> memref<1x1x8x1024xf32, #tpu.memory_space<vmem_shared>>
      %dma_start3A_973 = tpu.memref_squeeze %dma_start3A_972 : memref<1x1x8x1024xf32, #tpu.memory_space<vmem_shared>> -> memref<8x1024xf32, #tpu.memory_space<vmem_shared>>
      %dma_start3A_974 = arith.constant 0 : i32
      %dma_start3A_975 = arith.constant 0 : i32
      %dma_start3A_976 = tpu.memref_slice %arg6[%arg1, %dma_start3A_969, %dma_start3A_974, %dma_start3A_975] : memref<16x6x8x1024xf32, #tpu.memory_space<vmem_shared>> -> memref<1x1x8x1024xf32, #tpu.memory_space<vmem_shared>>
      %dma_start3A_977 = tpu.memref_squeeze %dma_start3A_976 : memref<1x1x8x1024xf32, #tpu.memory_space<vmem_shared>> -> memref<8x1024xf32, #tpu.memory_space<vmem_shared>>
      tpu.enqueue_dma source(%arg12 : memref<8x1024xf32, #tpu.memory_space<vmem>>) target(%dma_start3A_977 : memref<8x1024xf32, #tpu.memory_space<vmem_shared>>) target_semaphore(%arg28 : memref<!tpu.dma_semaphore, #tpu.memory_space<semaphore_mem>>)
      %dma_wait3A_978 = arith.constant 5 : i32
      %dma_wait3A_979 = arith.constant 0 : i32
      %dma_wait3A_980 = arith.constant 0 : i32
      %dma_wait3A_981 = tpu.memref_slice %arg6[%arg1, %dma_wait3A_978, %dma_wait3A_979, %dma_wait3A_980] : memref<16x6x8x1024xf32, #tpu.memory_space<vmem_shared>> -> memref<1x1x8x1024xf32, #tpu.memory_space<vmem_shared>>
      %dma_wait3A_982 = tpu.memref_squeeze %dma_wait3A_981 : memref<1x1x8x1024xf32, #tpu.memory_space<vmem_shared>> -> memref<8x1024xf32, #tpu.memory_space<vmem_shared>>
      %dma_wait3A_983 = arith.constant 0 : i32
      %dma_wait3A_984 = arith.constant 0 : i32
      %dma_wait3A_985 = tpu.memref_slice %arg6[%arg1, %dma_wait3A_978, %dma_wait3A_983, %dma_wait3A_984] : memref<16x6x8x1024xf32, #tpu.memory_space<vmem_shared>> -> memref<1x1x8x1024xf32, #tpu.memory_space<vmem_shared>>
      %dma_wait3A_986 = tpu.memref_squeeze %dma_wait3A_985 : memref<1x1x8x1024xf32, #tpu.memory_space<vmem_shared>> -> memref<8x1024xf32, #tpu.memory_space<vmem_shared>>
      tpu.wait_dma2 semaphore(%arg28 : memref<!tpu.dma_semaphore, #tpu.memory_space<semaphore_mem>>) src(%arg12 : memref<8x1024xf32, #tpu.memory_space<vmem>>) dst(%dma_wait3A_986 : memref<8x1024xf32, #tpu.memory_space<vmem_shared>>)
      %add3A_987 = arith.constant 5 : i32
      %add3A_988 = arith.addi %add3A_702, %add3A_987 : i32
      %mul3A_989 = arith.constant 8 : i32
      %mul3A_990 = arith.muli %add3A_988, %mul3A_989 : i32
      %add3A_991 = arith.addi %mul3A_2, %mul3A_990 : i32
      %dma_start3A_992 = arith.constant 5 : i32
      %dma_start3A_993 = arith.constant 0 : i32
      %dma_start3A_994 = tpu.memref_slice %arg4[%add3A_991, %dma_start3A_993] : memref<32768x1024xf32, #tpu.memory_space<hbm>> -> memref<8x1024xf32, #tpu.memory_space<hbm>>
      %dma_start3A_995 = arith.constant 0 : i32
      %dma_start3A_996 = arith.constant 0 : i32
      %dma_start3A_997 = tpu.memref_slice %arg6[%arg1, %dma_start3A_992, %dma_start3A_995, %dma_start3A_996] : memref<16x6x8x1024xf32, #tpu.memory_space<vmem_shared>> -> memref<1x1x8x1024xf32, #tpu.memory_space<vmem_shared>>
      %dma_start3A_998 = tpu.memref_squeeze %dma_start3A_997 : memref<1x1x8x1024xf32, #tpu.memory_space<vmem_shared>> -> memref<8x1024xf32, #tpu.memory_space<vmem_shared>>
      tpu.enqueue_dma source(%dma_start3A_998 : memref<8x1024xf32, #tpu.memory_space<vmem_shared>>) target(%dma_start3A_994 : memref<8x1024xf32, #tpu.memory_space<hbm>>) target_semaphore(%arg36 : memref<!tpu.dma_semaphore, #tpu.memory_space<semaphore_mem>>)
      %add3A_999 = arith.constant 5 : i32
      %add3A_1000 = arith.addi %add3A_702, %add3A_999 : i32
      %add3A_1001 = arith.constant 8 : i32
      %add3A_1002 = arith.addi %add3A_1000, %add3A_1001 : i32
      %mul3A_1003 = arith.constant 8 : i32
      %mul3A_1004 = arith.muli %add3A_1002, %mul3A_1003 : i32
      %dma_start3A_1005 = tpu.memref_slice %arg5[%mul3A_1004] : memref<1024xi32, #tpu.memory_space<vmem>> -> memref<8xi32, #tpu.memory_space<vmem>>
      %dma_start3A_1006 = arith.constant 0 : i32
      %dma_start3A_1007 = arith.constant 0 : i32
      %dma_start3A_1008 = tpu.memref_slice %arg2[%dma_start3A_1006, %dma_start3A_1007] : memref<8192x1024xf32, #tpu.memory_space<hbm>> -> memref<8192x1024xf32, #tpu.memory_space<hbm>>
      tpu.enqueue_indirect_dma source(%dma_start3A_1008 : memref<8192x1024xf32, #tpu.memory_space<hbm>>) target(%arg12 : memref<8x1024xf32, #tpu.memory_space<vmem>>) offsets(%dma_start3A_1005 : memref<8xi32, #tpu.memory_space<vmem>>) semaphore(%arg20 : memref<!tpu.dma_semaphore, #tpu.memory_space<semaphore_mem>>)
      %dma_wait3A_1009 = arith.constant 0 : i32
      %dma_wait3A_1010 = tpu.memref_slice %arg4[%mul3A_2, %dma_wait3A_1009] : memref<32768x1024xf32, #tpu.memory_space<hbm>> -> memref<8x1024xf32, #tpu.memory_space<hbm>>
      %dma_wait3A_1011 = arith.constant 0 : i32
      %dma_wait3A_1012 = tpu.memref_slice %arg4[%mul3A_2, %dma_wait3A_1011] : memref<32768x1024xf32, #tpu.memory_space<hbm>> -> memref<8x1024xf32, #tpu.memory_space<hbm>>
      tpu.wait_dma2 semaphore(%arg21 : memref<!tpu.dma_semaphore, #tpu.memory_space<semaphore_mem>>) src(%dma_wait3A_1012 : memref<8x1024xf32, #tpu.memory_space<hbm>>) dst(%arg13 : memref<8x1024xf32, #tpu.memory_space<vmem>>)
      %dma_wait3A_1013 = arith.constant 0 : i32
      %dma_wait3A_1014 = arith.constant 0 : i32
      %dma_wait3A_1015 = tpu.memref_slice %arg4[%mul3A_2, %dma_wait3A_1014] : memref<32768x1024xf32, #tpu.memory_space<hbm>> -> memref<8x1024xf32, #tpu.memory_space<hbm>>
      %dma_wait3A_1016 = arith.constant 0 : i32
      %dma_wait3A_1017 = arith.constant 0 : i32
      %dma_wait3A_1018 = tpu.memref_slice %arg6[%arg1, %dma_wait3A_1013, %dma_wait3A_1016, %dma_wait3A_1017] : memref<16x6x8x1024xf32, #tpu.memory_space<vmem_shared>> -> memref<1x1x8x1024xf32, #tpu.memory_space<vmem_shared>>
      %dma_wait3A_1019 = tpu.memref_squeeze %dma_wait3A_1018 : memref<1x1x8x1024xf32, #tpu.memory_space<vmem_shared>> -> memref<8x1024xf32, #tpu.memory_space<vmem_shared>>
      tpu.wait_dma2 semaphore(%arg31 : memref<!tpu.dma_semaphore, #tpu.memory_space<semaphore_mem>>) src(%dma_wait3A_1019 : memref<8x1024xf32, #tpu.memory_space<vmem_shared>>) dst(%dma_wait3A_1015 : memref<8x1024xf32, #tpu.memory_space<hbm>>)
      %dma_start3A_1020 = arith.constant 0 : i32
      %dma_start3A_1021 = arith.constant 0 : i32
      %dma_start3A_1022 = arith.constant 0 : i32
      %dma_start3A_1023 = tpu.memref_slice %arg6[%arg1, %dma_start3A_1020, %dma_start3A_1021, %dma_start3A_1022] : memref<16x6x8x1024xf32, #tpu.memory_space<vmem_shared>> -> memref<1x1x8x1024xf32, #tpu.memory_space<vmem_shared>>
      %dma_start3A_1024 = tpu.memref_squeeze %dma_start3A_1023 : memref<1x1x8x1024xf32, #tpu.memory_space<vmem_shared>> -> memref<8x1024xf32, #tpu.memory_space<vmem_shared>>
      %dma_start3A_1025 = arith.constant 0 : i32
      %dma_start3A_1026 = arith.constant 0 : i32
      %dma_start3A_1027 = tpu.memref_slice %arg6[%arg1, %dma_start3A_1020, %dma_start3A_1025, %dma_start3A_1026] : memref<16x6x8x1024xf32, #tpu.memory_space<vmem_shared>> -> memref<1x1x8x1024xf32, #tpu.memory_space<vmem_shared>>
      %dma_start3A_1028 = tpu.memref_squeeze %dma_start3A_1027 : memref<1x1x8x1024xf32, #tpu.memory_space<vmem_shared>> -> memref<8x1024xf32, #tpu.memory_space<vmem_shared>>
      tpu.enqueue_dma source(%arg13 : memref<8x1024xf32, #tpu.memory_space<vmem>>) target(%dma_start3A_1028 : memref<8x1024xf32, #tpu.memory_space<vmem_shared>>) target_semaphore(%arg29 : memref<!tpu.dma_semaphore, #tpu.memory_space<semaphore_mem>>)
      %dma_wait3A_1029 = arith.constant 0 : i32
      %dma_wait3A_1030 = arith.constant 0 : i32
      %dma_wait3A_1031 = arith.constant 0 : i32
      %dma_wait3A_1032 = tpu.memref_slice %arg6[%arg1, %dma_wait3A_1029, %dma_wait3A_1030, %dma_wait3A_1031] : memref<16x6x8x1024xf32, #tpu.memory_space<vmem_shared>> -> memref<1x1x8x1024xf32, #tpu.memory_space<vmem_shared>>
      %dma_wait3A_1033 = tpu.memref_squeeze %dma_wait3A_1032 : memref<1x1x8x1024xf32, #tpu.memory_space<vmem_shared>> -> memref<8x1024xf32, #tpu.memory_space<vmem_shared>>
      %dma_wait3A_1034 = arith.constant 0 : i32
      %dma_wait3A_1035 = arith.constant 0 : i32
      %dma_wait3A_1036 = tpu.memref_slice %arg6[%arg1, %dma_wait3A_1029, %dma_wait3A_1034, %dma_wait3A_1035] : memref<16x6x8x1024xf32, #tpu.memory_space<vmem_shared>> -> memref<1x1x8x1024xf32, #tpu.memory_space<vmem_shared>>
      %dma_wait3A_1037 = tpu.memref_squeeze %dma_wait3A_1036 : memref<1x1x8x1024xf32, #tpu.memory_space<vmem_shared>> -> memref<8x1024xf32, #tpu.memory_space<vmem_shared>>
      tpu.wait_dma2 semaphore(%arg29 : memref<!tpu.dma_semaphore, #tpu.memory_space<semaphore_mem>>) src(%arg13 : memref<8x1024xf32, #tpu.memory_space<vmem>>) dst(%dma_wait3A_1037 : memref<8x1024xf32, #tpu.memory_space<vmem_shared>>)
      %add3A_1038 = arith.constant 6 : i32
      %add3A_1039 = arith.addi %add3A_702, %add3A_1038 : i32
      %mul3A_1040 = arith.constant 8 : i32
      %mul3A_1041 = arith.muli %add3A_1039, %mul3A_1040 : i32
      %add3A_1042 = arith.addi %mul3A_2, %mul3A_1041 : i32
      %dma_start3A_1043 = arith.constant 0 : i32
      %dma_start3A_1044 = arith.constant 0 : i32
      %dma_start3A_1045 = tpu.memref_slice %arg4[%add3A_1042, %dma_start3A_1044] : memref<32768x1024xf32, #tpu.memory_space<hbm>> -> memref<8x1024xf32, #tpu.memory_space<hbm>>
      %dma_start3A_1046 = arith.constant 0 : i32
      %dma_start3A_1047 = arith.constant 0 : i32
      %dma_start3A_1048 = tpu.memref_slice %arg6[%arg1, %dma_start3A_1043, %dma_start3A_1046, %dma_start3A_1047] : memref<16x6x8x1024xf32, #tpu.memory_space<vmem_shared>> -> memref<1x1x8x1024xf32, #tpu.memory_space<vmem_shared>>
      %dma_start3A_1049 = tpu.memref_squeeze %dma_start3A_1048 : memref<1x1x8x1024xf32, #tpu.memory_space<vmem_shared>> -> memref<8x1024xf32, #tpu.memory_space<vmem_shared>>
      tpu.enqueue_dma source(%dma_start3A_1049 : memref<8x1024xf32, #tpu.memory_space<vmem_shared>>) target(%dma_start3A_1045 : memref<8x1024xf32, #tpu.memory_space<hbm>>) target_semaphore(%arg31 : memref<!tpu.dma_semaphore, #tpu.memory_space<semaphore_mem>>)
      %add3A_1050 = arith.constant 6 : i32
      %add3A_1051 = arith.addi %add3A_702, %add3A_1050 : i32
      %add3A_1052 = arith.constant 8 : i32
      %add3A_1053 = arith.addi %add3A_1051, %add3A_1052 : i32
      %mul3A_1054 = arith.constant 8 : i32
      %mul3A_1055 = arith.muli %add3A_1053, %mul3A_1054 : i32
      %dma_start3A_1056 = tpu.memref_slice %arg5[%mul3A_1055] : memref<1024xi32, #tpu.memory_space<vmem>> -> memref<8xi32, #tpu.memory_space<vmem>>
      %dma_start3A_1057 = arith.constant 0 : i32
      %dma_start3A_1058 = arith.constant 0 : i32
      %dma_start3A_1059 = tpu.memref_slice %arg2[%dma_start3A_1057, %dma_start3A_1058] : memref<8192x1024xf32, #tpu.memory_space<hbm>> -> memref<8192x1024xf32, #tpu.memory_space<hbm>>
      tpu.enqueue_indirect_dma source(%dma_start3A_1059 : memref<8192x1024xf32, #tpu.memory_space<hbm>>) target(%arg13 : memref<8x1024xf32, #tpu.memory_space<vmem>>) offsets(%dma_start3A_1056 : memref<8xi32, #tpu.memory_space<vmem>>) semaphore(%arg21 : memref<!tpu.dma_semaphore, #tpu.memory_space<semaphore_mem>>)
      %dma_wait3A_1060 = arith.constant 0 : i32
      %dma_wait3A_1061 = tpu.memref_slice %arg4[%mul3A_2, %dma_wait3A_1060] : memref<32768x1024xf32, #tpu.memory_space<hbm>> -> memref<8x1024xf32, #tpu.memory_space<hbm>>
      %dma_wait3A_1062 = arith.constant 0 : i32
      %dma_wait3A_1063 = tpu.memref_slice %arg4[%mul3A_2, %dma_wait3A_1062] : memref<32768x1024xf32, #tpu.memory_space<hbm>> -> memref<8x1024xf32, #tpu.memory_space<hbm>>
      tpu.wait_dma2 semaphore(%arg22 : memref<!tpu.dma_semaphore, #tpu.memory_space<semaphore_mem>>) src(%dma_wait3A_1063 : memref<8x1024xf32, #tpu.memory_space<hbm>>) dst(%arg14 : memref<8x1024xf32, #tpu.memory_space<vmem>>)
      %dma_wait3A_1064 = arith.constant 1 : i32
      %dma_wait3A_1065 = arith.constant 0 : i32
      %dma_wait3A_1066 = tpu.memref_slice %arg4[%mul3A_2, %dma_wait3A_1065] : memref<32768x1024xf32, #tpu.memory_space<hbm>> -> memref<8x1024xf32, #tpu.memory_space<hbm>>
      %dma_wait3A_1067 = arith.constant 0 : i32
      %dma_wait3A_1068 = arith.constant 0 : i32
      %dma_wait3A_1069 = tpu.memref_slice %arg6[%arg1, %dma_wait3A_1064, %dma_wait3A_1067, %dma_wait3A_1068] : memref<16x6x8x1024xf32, #tpu.memory_space<vmem_shared>> -> memref<1x1x8x1024xf32, #tpu.memory_space<vmem_shared>>
      %dma_wait3A_1070 = tpu.memref_squeeze %dma_wait3A_1069 : memref<1x1x8x1024xf32, #tpu.memory_space<vmem_shared>> -> memref<8x1024xf32, #tpu.memory_space<vmem_shared>>
      tpu.wait_dma2 semaphore(%arg32 : memref<!tpu.dma_semaphore, #tpu.memory_space<semaphore_mem>>) src(%dma_wait3A_1070 : memref<8x1024xf32, #tpu.memory_space<vmem_shared>>) dst(%dma_wait3A_1066 : memref<8x1024xf32, #tpu.memory_space<hbm>>)
      %dma_start3A_1071 = arith.constant 1 : i32
      %dma_start3A_1072 = arith.constant 0 : i32
      %dma_start3A_1073 = arith.constant 0 : i32
      %dma_start3A_1074 = tpu.memref_slice %arg6[%arg1, %dma_start3A_1071, %dma_start3A_1072, %dma_start3A_1073] : memref<16x6x8x1024xf32, #tpu.memory_space<vmem_shared>> -> memref<1x1x8x1024xf32, #tpu.memory_space<vmem_shared>>
      %dma_start3A_1075 = tpu.memref_squeeze %dma_start3A_1074 : memref<1x1x8x1024xf32, #tpu.memory_space<vmem_shared>> -> memref<8x1024xf32, #tpu.memory_space<vmem_shared>>
      %dma_start3A_1076 = arith.constant 0 : i32
      %dma_start3A_1077 = arith.constant 0 : i32
      %dma_start3A_1078 = tpu.memref_slice %arg6[%arg1, %dma_start3A_1071, %dma_start3A_1076, %dma_start3A_1077] : memref<16x6x8x1024xf32, #tpu.memory_space<vmem_shared>> -> memref<1x1x8x1024xf32, #tpu.memory_space<vmem_shared>>
      %dma_start3A_1079 = tpu.memref_squeeze %dma_start3A_1078 : memref<1x1x8x1024xf32, #tpu.memory_space<vmem_shared>> -> memref<8x1024xf32, #tpu.memory_space<vmem_shared>>
      tpu.enqueue_dma source(%arg14 : memref<8x1024xf32, #tpu.memory_space<vmem>>) target(%dma_start3A_1079 : memref<8x1024xf32, #tpu.memory_space<vmem_shared>>) target_semaphore(%arg30 : memref<!tpu.dma_semaphore, #tpu.memory_space<semaphore_mem>>)
      %dma_wait3A_1080 = arith.constant 1 : i32
      %dma_wait3A_1081 = arith.constant 0 : i32
      %dma_wait3A_1082 = arith.constant 0 : i32
      %dma_wait3A_1083 = tpu.memref_slice %arg6[%arg1, %dma_wait3A_1080, %dma_wait3A_1081, %dma_wait3A_1082] : memref<16x6x8x1024xf32, #tpu.memory_space<vmem_shared>> -> memref<1x1x8x1024xf32, #tpu.memory_space<vmem_shared>>
      %dma_wait3A_1084 = tpu.memref_squeeze %dma_wait3A_1083 : memref<1x1x8x1024xf32, #tpu.memory_space<vmem_shared>> -> memref<8x1024xf32, #tpu.memory_space<vmem_shared>>
      %dma_wait3A_1085 = arith.constant 0 : i32
      %dma_wait3A_1086 = arith.constant 0 : i32
      %dma_wait3A_1087 = tpu.memref_slice %arg6[%arg1, %dma_wait3A_1080, %dma_wait3A_1085, %dma_wait3A_1086] : memref<16x6x8x1024xf32, #tpu.memory_space<vmem_shared>> -> memref<1x1x8x1024xf32, #tpu.memory_space<vmem_shared>>
      %dma_wait3A_1088 = tpu.memref_squeeze %dma_wait3A_1087 : memref<1x1x8x1024xf32, #tpu.memory_space<vmem_shared>> -> memref<8x1024xf32, #tpu.memory_space<vmem_shared>>
      tpu.wait_dma2 semaphore(%arg30 : memref<!tpu.dma_semaphore, #tpu.memory_space<semaphore_mem>>) src(%arg14 : memref<8x1024xf32, #tpu.memory_space<vmem>>) dst(%dma_wait3A_1088 : memref<8x1024xf32, #tpu.memory_space<vmem_shared>>)
      %add3A_1089 = arith.constant 7 : i32
      %add3A_1090 = arith.addi %add3A_702, %add3A_1089 : i32
      %mul3A_1091 = arith.constant 8 : i32
      %mul3A_1092 = arith.muli %add3A_1090, %mul3A_1091 : i32
      %add3A_1093 = arith.addi %mul3A_2, %mul3A_1092 : i32
      %dma_start3A_1094 = arith.constant 1 : i32
      %dma_start3A_1095 = arith.constant 0 : i32
      %dma_start3A_1096 = tpu.memref_slice %arg4[%add3A_1093, %dma_start3A_1095] : memref<32768x1024xf32, #tpu.memory_space<hbm>> -> memref<8x1024xf32, #tpu.memory_space<hbm>>
      %dma_start3A_1097 = arith.constant 0 : i32
      %dma_start3A_1098 = arith.constant 0 : i32
      %dma_start3A_1099 = tpu.memref_slice %arg6[%arg1, %dma_start3A_1094, %dma_start3A_1097, %dma_start3A_1098] : memref<16x6x8x1024xf32, #tpu.memory_space<vmem_shared>> -> memref<1x1x8x1024xf32, #tpu.memory_space<vmem_shared>>
      %dma_start3A_1100 = tpu.memref_squeeze %dma_start3A_1099 : memref<1x1x8x1024xf32, #tpu.memory_space<vmem_shared>> -> memref<8x1024xf32, #tpu.memory_space<vmem_shared>>
      tpu.enqueue_dma source(%dma_start3A_1100 : memref<8x1024xf32, #tpu.memory_space<vmem_shared>>) target(%dma_start3A_1096 : memref<8x1024xf32, #tpu.memory_space<hbm>>) target_semaphore(%arg32 : memref<!tpu.dma_semaphore, #tpu.memory_space<semaphore_mem>>)
      %add3A_1101 = arith.constant 7 : i32
      %add3A_1102 = arith.addi %add3A_702, %add3A_1101 : i32
      %add3A_1103 = arith.constant 8 : i32
      %add3A_1104 = arith.addi %add3A_1102, %add3A_1103 : i32
      %mul3A_1105 = arith.constant 8 : i32
      %mul3A_1106 = arith.muli %add3A_1104, %mul3A_1105 : i32
      %dma_start3A_1107 = tpu.memref_slice %arg5[%mul3A_1106] : memref<1024xi32, #tpu.memory_space<vmem>> -> memref<8xi32, #tpu.memory_space<vmem>>
      %dma_start3A_1108 = arith.constant 0 : i32
      %dma_start3A_1109 = arith.constant 0 : i32
      %dma_start3A_1110 = tpu.memref_slice %arg2[%dma_start3A_1108, %dma_start3A_1109] : memref<8192x1024xf32, #tpu.memory_space<hbm>> -> memref<8192x1024xf32, #tpu.memory_space<hbm>>
      tpu.enqueue_indirect_dma source(%dma_start3A_1110 : memref<8192x1024xf32, #tpu.memory_space<hbm>>) target(%arg14 : memref<8x1024xf32, #tpu.memory_space<vmem>>) offsets(%dma_start3A_1107 : memref<8xi32, #tpu.memory_space<vmem>>) semaphore(%arg22 : memref<!tpu.dma_semaphore, #tpu.memory_space<semaphore_mem>>)
    }
    %scan3A_351 = arith.constant 14 : i32
    %dma_wait3A_352 = arith.constant 0 : i32
    %dma_wait3A_353 = tpu.memref_slice %arg4[%mul3A_2, %dma_wait3A_352] : memref<32768x1024xf32, #tpu.memory_space<hbm>> -> memref<8x1024xf32, #tpu.memory_space<hbm>>
    %dma_wait3A_354 = arith.constant 0 : i32
    %dma_wait3A_355 = tpu.memref_slice %arg4[%mul3A_2, %dma_wait3A_354] : memref<32768x1024xf32, #tpu.memory_space<hbm>> -> memref<8x1024xf32, #tpu.memory_space<hbm>>
    tpu.wait_dma2 semaphore(%arg15 : memref<!tpu.dma_semaphore, #tpu.memory_space<semaphore_mem>>) src(%dma_wait3A_355 : memref<8x1024xf32, #tpu.memory_space<hbm>>) dst(%arg7 : memref<8x1024xf32, #tpu.memory_space<vmem>>)
    %dma_wait3A_356 = arith.constant 0 : i32
    %dma_wait3A_357 = arith.constant 0 : i32
    %dma_wait3A_358 = tpu.memref_slice %arg4[%mul3A_2, %dma_wait3A_357] : memref<32768x1024xf32, #tpu.memory_space<hbm>> -> memref<8x1024xf32, #tpu.memory_space<hbm>>
    %dma_wait3A_359 = arith.constant 0 : i32
    %dma_wait3A_360 = arith.constant 0 : i32
    %dma_wait3A_361 = tpu.memref_slice %arg6[%arg1, %dma_wait3A_356, %dma_wait3A_359, %dma_wait3A_360] : memref<16x6x8x1024xf32, #tpu.memory_space<vmem_shared>> -> memref<1x1x8x1024xf32, #tpu.memory_space<vmem_shared>>
    %dma_wait3A_362 = tpu.memref_squeeze %dma_wait3A_361 : memref<1x1x8x1024xf32, #tpu.memory_space<vmem_shared>> -> memref<8x1024xf32, #tpu.memory_space<vmem_shared>>
    tpu.wait_dma2 semaphore(%arg31 : memref<!tpu.dma_semaphore, #tpu.memory_space<semaphore_mem>>) src(%dma_wait3A_362 : memref<8x1024xf32, #tpu.memory_space<vmem_shared>>) dst(%dma_wait3A_358 : memref<8x1024xf32, #tpu.memory_space<hbm>>)
    %dma_start3A_363 = arith.constant 0 : i32
    %dma_start3A_364 = arith.constant 0 : i32
    %dma_start3A_365 = arith.constant 0 : i32
    %dma_start3A_366 = tpu.memref_slice %arg6[%arg1, %dma_start3A_363, %dma_start3A_364, %dma_start3A_365] : memref<16x6x8x1024xf32, #tpu.memory_space<vmem_shared>> -> memref<1x1x8x1024xf32, #tpu.memory_space<vmem_shared>>
    %dma_start3A_367 = tpu.memref_squeeze %dma_start3A_366 : memref<1x1x8x1024xf32, #tpu.memory_space<vmem_shared>> -> memref<8x1024xf32, #tpu.memory_space<vmem_shared>>
    %dma_start3A_368 = arith.constant 0 : i32
    %dma_start3A_369 = arith.constant 0 : i32
    %dma_start3A_370 = tpu.memref_slice %arg6[%arg1, %dma_start3A_363, %dma_start3A_368, %dma_start3A_369] : memref<16x6x8x1024xf32, #tpu.memory_space<vmem_shared>> -> memref<1x1x8x1024xf32, #tpu.memory_space<vmem_shared>>
    %dma_start3A_371 = tpu.memref_squeeze %dma_start3A_370 : memref<1x1x8x1024xf32, #tpu.memory_space<vmem_shared>> -> memref<8x1024xf32, #tpu.memory_space<vmem_shared>>
    tpu.enqueue_dma source(%arg7 : memref<8x1024xf32, #tpu.memory_space<vmem>>) target(%dma_start3A_371 : memref<8x1024xf32, #tpu.memory_space<vmem_shared>>) target_semaphore(%arg23 : memref<!tpu.dma_semaphore, #tpu.memory_space<semaphore_mem>>)
    %dma_wait3A_372 = arith.constant 0 : i32
    %dma_wait3A_373 = arith.constant 0 : i32
    %dma_wait3A_374 = arith.constant 0 : i32
    %dma_wait3A_375 = tpu.memref_slice %arg6[%arg1, %dma_wait3A_372, %dma_wait3A_373, %dma_wait3A_374] : memref<16x6x8x1024xf32, #tpu.memory_space<vmem_shared>> -> memref<1x1x8x1024xf32, #tpu.memory_space<vmem_shared>>
    %dma_wait3A_376 = tpu.memref_squeeze %dma_wait3A_375 : memref<1x1x8x1024xf32, #tpu.memory_space<vmem_shared>> -> memref<8x1024xf32, #tpu.memory_space<vmem_shared>>
    %dma_wait3A_377 = arith.constant 0 : i32
    %dma_wait3A_378 = arith.constant 0 : i32
    %dma_wait3A_379 = tpu.memref_slice %arg6[%arg1, %dma_wait3A_372, %dma_wait3A_377, %dma_wait3A_378] : memref<16x6x8x1024xf32, #tpu.memory_space<vmem_shared>> -> memref<1x1x8x1024xf32, #tpu.memory_space<vmem_shared>>
    %dma_wait3A_380 = tpu.memref_squeeze %dma_wait3A_379 : memref<1x1x8x1024xf32, #tpu.memory_space<vmem_shared>> -> memref<8x1024xf32, #tpu.memory_space<vmem_shared>>
    tpu.wait_dma2 semaphore(%arg23 : memref<!tpu.dma_semaphore, #tpu.memory_space<semaphore_mem>>) src(%arg7 : memref<8x1024xf32, #tpu.memory_space<vmem>>) dst(%dma_wait3A_380 : memref<8x1024xf32, #tpu.memory_space<vmem_shared>>)
    %add3A_381 = arith.constant 960 : i32
    %add3A_382 = arith.addi %mul3A_2, %add3A_381 : i32
    %dma_start3A_383 = arith.constant 0 : i32
    %dma_start3A_384 = arith.constant 0 : i32
    %dma_start3A_385 = tpu.memref_slice %arg4[%add3A_382, %dma_start3A_384] : memref<32768x1024xf32, #tpu.memory_space<hbm>> -> memref<8x1024xf32, #tpu.memory_space<hbm>>
    %dma_start3A_386 = arith.constant 0 : i32
    %dma_start3A_387 = arith.constant 0 : i32
    %dma_start3A_388 = tpu.memref_slice %arg6[%arg1, %dma_start3A_383, %dma_start3A_386, %dma_start3A_387] : memref<16x6x8x1024xf32, #tpu.memory_space<vmem_shared>> -> memref<1x1x8x1024xf32, #tpu.memory_space<vmem_shared>>
    %dma_start3A_389 = tpu.memref_squeeze %dma_start3A_388 : memref<1x1x8x1024xf32, #tpu.memory_space<vmem_shared>> -> memref<8x1024xf32, #tpu.memory_space<vmem_shared>>
    tpu.enqueue_dma source(%dma_start3A_389 : memref<8x1024xf32, #tpu.memory_space<vmem_shared>>) target(%dma_start3A_385 : memref<8x1024xf32, #tpu.memory_space<hbm>>) target_semaphore(%arg31 : memref<!tpu.dma_semaphore, #tpu.memory_space<semaphore_mem>>)
    %dma_wait3A_390 = arith.constant 0 : i32
    %dma_wait3A_391 = tpu.memref_slice %arg4[%mul3A_2, %dma_wait3A_390] : memref<32768x1024xf32, #tpu.memory_space<hbm>> -> memref<8x1024xf32, #tpu.memory_space<hbm>>
    %dma_wait3A_392 = arith.constant 0 : i32
    %dma_wait3A_393 = tpu.memref_slice %arg4[%mul3A_2, %dma_wait3A_392] : memref<32768x1024xf32, #tpu.memory_space<hbm>> -> memref<8x1024xf32, #tpu.memory_space<hbm>>
    tpu.wait_dma2 semaphore(%arg16 : memref<!tpu.dma_semaphore, #tpu.memory_space<semaphore_mem>>) src(%dma_wait3A_393 : memref<8x1024xf32, #tpu.memory_space<hbm>>) dst(%arg8 : memref<8x1024xf32, #tpu.memory_space<vmem>>)
    %dma_wait3A_394 = arith.constant 1 : i32
    %dma_wait3A_395 = arith.constant 0 : i32
    %dma_wait3A_396 = tpu.memref_slice %arg4[%mul3A_2, %dma_wait3A_395] : memref<32768x1024xf32, #tpu.memory_space<hbm>> -> memref<8x1024xf32, #tpu.memory_space<hbm>>
    %dma_wait3A_397 = arith.constant 0 : i32
    %dma_wait3A_398 = arith.constant 0 : i32
    %dma_wait3A_399 = tpu.memref_slice %arg6[%arg1, %dma_wait3A_394, %dma_wait3A_397, %dma_wait3A_398] : memref<16x6x8x1024xf32, #tpu.memory_space<vmem_shared>> -> memref<1x1x8x1024xf32, #tpu.memory_space<vmem_shared>>
    %dma_wait3A_400 = tpu.memref_squeeze %dma_wait3A_399 : memref<1x1x8x1024xf32, #tpu.memory_space<vmem_shared>> -> memref<8x1024xf32, #tpu.memory_space<vmem_shared>>
    tpu.wait_dma2 semaphore(%arg32 : memref<!tpu.dma_semaphore, #tpu.memory_space<semaphore_mem>>) src(%dma_wait3A_400 : memref<8x1024xf32, #tpu.memory_space<vmem_shared>>) dst(%dma_wait3A_396 : memref<8x1024xf32, #tpu.memory_space<hbm>>)
    %dma_start3A_401 = arith.constant 1 : i32
    %dma_start3A_402 = arith.constant 0 : i32
    %dma_start3A_403 = arith.constant 0 : i32
    %dma_start3A_404 = tpu.memref_slice %arg6[%arg1, %dma_start3A_401, %dma_start3A_402, %dma_start3A_403] : memref<16x6x8x1024xf32, #tpu.memory_space<vmem_shared>> -> memref<1x1x8x1024xf32, #tpu.memory_space<vmem_shared>>
    %dma_start3A_405 = tpu.memref_squeeze %dma_start3A_404 : memref<1x1x8x1024xf32, #tpu.memory_space<vmem_shared>> -> memref<8x1024xf32, #tpu.memory_space<vmem_shared>>
    %dma_start3A_406 = arith.constant 0 : i32
    %dma_start3A_407 = arith.constant 0 : i32
    %dma_start3A_408 = tpu.memref_slice %arg6[%arg1, %dma_start3A_401, %dma_start3A_406, %dma_start3A_407] : memref<16x6x8x1024xf32, #tpu.memory_space<vmem_shared>> -> memref<1x1x8x1024xf32, #tpu.memory_space<vmem_shared>>
    %dma_start3A_409 = tpu.memref_squeeze %dma_start3A_408 : memref<1x1x8x1024xf32, #tpu.memory_space<vmem_shared>> -> memref<8x1024xf32, #tpu.memory_space<vmem_shared>>
    tpu.enqueue_dma source(%arg8 : memref<8x1024xf32, #tpu.memory_space<vmem>>) target(%dma_start3A_409 : memref<8x1024xf32, #tpu.memory_space<vmem_shared>>) target_semaphore(%arg24 : memref<!tpu.dma_semaphore, #tpu.memory_space<semaphore_mem>>)
    %dma_wait3A_410 = arith.constant 1 : i32
    %dma_wait3A_411 = arith.constant 0 : i32
    %dma_wait3A_412 = arith.constant 0 : i32
    %dma_wait3A_413 = tpu.memref_slice %arg6[%arg1, %dma_wait3A_410, %dma_wait3A_411, %dma_wait3A_412] : memref<16x6x8x1024xf32, #tpu.memory_space<vmem_shared>> -> memref<1x1x8x1024xf32, #tpu.memory_space<vmem_shared>>
    %dma_wait3A_414 = tpu.memref_squeeze %dma_wait3A_413 : memref<1x1x8x1024xf32, #tpu.memory_space<vmem_shared>> -> memref<8x1024xf32, #tpu.memory_space<vmem_shared>>
    %dma_wait3A_415 = arith.constant 0 : i32
    %dma_wait3A_416 = arith.constant 0 : i32
    %dma_wait3A_417 = tpu.memref_slice %arg6[%arg1, %dma_wait3A_410, %dma_wait3A_415, %dma_wait3A_416] : memref<16x6x8x1024xf32, #tpu.memory_space<vmem_shared>> -> memref<1x1x8x1024xf32, #tpu.memory_space<vmem_shared>>
    %dma_wait3A_418 = tpu.memref_squeeze %dma_wait3A_417 : memref<1x1x8x1024xf32, #tpu.memory_space<vmem_shared>> -> memref<8x1024xf32, #tpu.memory_space<vmem_shared>>
    tpu.wait_dma2 semaphore(%arg24 : memref<!tpu.dma_semaphore, #tpu.memory_space<semaphore_mem>>) src(%arg8 : memref<8x1024xf32, #tpu.memory_space<vmem>>) dst(%dma_wait3A_418 : memref<8x1024xf32, #tpu.memory_space<vmem_shared>>)
    %add3A_419 = arith.constant 968 : i32
    %add3A_420 = arith.addi %mul3A_2, %add3A_419 : i32
    %dma_start3A_421 = arith.constant 1 : i32
    %dma_start3A_422 = arith.constant 0 : i32
    %dma_start3A_423 = tpu.memref_slice %arg4[%add3A_420, %dma_start3A_422] : memref<32768x1024xf32, #tpu.memory_space<hbm>> -> memref<8x1024xf32, #tpu.memory_space<hbm>>
    %dma_start3A_424 = arith.constant 0 : i32
    %dma_start3A_425 = arith.constant 0 : i32
    %dma_start3A_426 = tpu.memref_slice %arg6[%arg1, %dma_start3A_421, %dma_start3A_424, %dma_start3A_425] : memref<16x6x8x1024xf32, #tpu.memory_space<vmem_shared>> -> memref<1x1x8x1024xf32, #tpu.memory_space<vmem_shared>>
    %dma_start3A_427 = tpu.memref_squeeze %dma_start3A_426 : memref<1x1x8x1024xf32, #tpu.memory_space<vmem_shared>> -> memref<8x1024xf32, #tpu.memory_space<vmem_shared>>
    tpu.enqueue_dma source(%dma_start3A_427 : memref<8x1024xf32, #tpu.memory_space<vmem_shared>>) target(%dma_start3A_423 : memref<8x1024xf32, #tpu.memory_space<hbm>>) target_semaphore(%arg32 : memref<!tpu.dma_semaphore, #tpu.memory_space<semaphore_mem>>)
    %dma_wait3A_428 = arith.constant 0 : i32
    %dma_wait3A_429 = tpu.memref_slice %arg4[%mul3A_2, %dma_wait3A_428] : memref<32768x1024xf32, #tpu.memory_space<hbm>> -> memref<8x1024xf32, #tpu.memory_space<hbm>>
    %dma_wait3A_430 = arith.constant 0 : i32
    %dma_wait3A_431 = tpu.memref_slice %arg4[%mul3A_2, %dma_wait3A_430] : memref<32768x1024xf32, #tpu.memory_space<hbm>> -> memref<8x1024xf32, #tpu.memory_space<hbm>>
    tpu.wait_dma2 semaphore(%arg17 : memref<!tpu.dma_semaphore, #tpu.memory_space<semaphore_mem>>) src(%dma_wait3A_431 : memref<8x1024xf32, #tpu.memory_space<hbm>>) dst(%arg9 : memref<8x1024xf32, #tpu.memory_space<vmem>>)
    %dma_wait3A_432 = arith.constant 2 : i32
    %dma_wait3A_433 = arith.constant 0 : i32
    %dma_wait3A_434 = tpu.memref_slice %arg4[%mul3A_2, %dma_wait3A_433] : memref<32768x1024xf32, #tpu.memory_space<hbm>> -> memref<8x1024xf32, #tpu.memory_space<hbm>>
    %dma_wait3A_435 = arith.constant 0 : i32
    %dma_wait3A_436 = arith.constant 0 : i32
    %dma_wait3A_437 = tpu.memref_slice %arg6[%arg1, %dma_wait3A_432, %dma_wait3A_435, %dma_wait3A_436] : memref<16x6x8x1024xf32, #tpu.memory_space<vmem_shared>> -> memref<1x1x8x1024xf32, #tpu.memory_space<vmem_shared>>
    %dma_wait3A_438 = tpu.memref_squeeze %dma_wait3A_437 : memref<1x1x8x1024xf32, #tpu.memory_space<vmem_shared>> -> memref<8x1024xf32, #tpu.memory_space<vmem_shared>>
    tpu.wait_dma2 semaphore(%arg33 : memref<!tpu.dma_semaphore, #tpu.memory_space<semaphore_mem>>) src(%dma_wait3A_438 : memref<8x1024xf32, #tpu.memory_space<vmem_shared>>) dst(%dma_wait3A_434 : memref<8x1024xf32, #tpu.memory_space<hbm>>)
    %dma_start3A_439 = arith.constant 2 : i32
    %dma_start3A_440 = arith.constant 0 : i32
    %dma_start3A_441 = arith.constant 0 : i32
    %dma_start3A_442 = tpu.memref_slice %arg6[%arg1, %dma_start3A_439, %dma_start3A_440, %dma_start3A_441] : memref<16x6x8x1024xf32, #tpu.memory_space<vmem_shared>> -> memref<1x1x8x1024xf32, #tpu.memory_space<vmem_shared>>
    %dma_start3A_443 = tpu.memref_squeeze %dma_start3A_442 : memref<1x1x8x1024xf32, #tpu.memory_space<vmem_shared>> -> memref<8x1024xf32, #tpu.memory_space<vmem_shared>>
    %dma_start3A_444 = arith.constant 0 : i32
    %dma_start3A_445 = arith.constant 0 : i32
    %dma_start3A_446 = tpu.memref_slice %arg6[%arg1, %dma_start3A_439, %dma_start3A_444, %dma_start3A_445] : memref<16x6x8x1024xf32, #tpu.memory_space<vmem_shared>> -> memref<1x1x8x1024xf32, #tpu.memory_space<vmem_shared>>
    %dma_start3A_447 = tpu.memref_squeeze %dma_start3A_446 : memref<1x1x8x1024xf32, #tpu.memory_space<vmem_shared>> -> memref<8x1024xf32, #tpu.memory_space<vmem_shared>>
    tpu.enqueue_dma source(%arg9 : memref<8x1024xf32, #tpu.memory_space<vmem>>) target(%dma_start3A_447 : memref<8x1024xf32, #tpu.memory_space<vmem_shared>>) target_semaphore(%arg25 : memref<!tpu.dma_semaphore, #tpu.memory_space<semaphore_mem>>)
    %dma_wait3A_448 = arith.constant 2 : i32
    %dma_wait3A_449 = arith.constant 0 : i32
    %dma_wait3A_450 = arith.constant 0 : i32
    %dma_wait3A_451 = tpu.memref_slice %arg6[%arg1, %dma_wait3A_448, %dma_wait3A_449, %dma_wait3A_450] : memref<16x6x8x1024xf32, #tpu.memory_space<vmem_shared>> -> memref<1x1x8x1024xf32, #tpu.memory_space<vmem_shared>>
    %dma_wait3A_452 = tpu.memref_squeeze %dma_wait3A_451 : memref<1x1x8x1024xf32, #tpu.memory_space<vmem_shared>> -> memref<8x1024xf32, #tpu.memory_space<vmem_shared>>
    %dma_wait3A_453 = arith.constant 0 : i32
    %dma_wait3A_454 = arith.constant 0 : i32
    %dma_wait3A_455 = tpu.memref_slice %arg6[%arg1, %dma_wait3A_448, %dma_wait3A_453, %dma_wait3A_454] : memref<16x6x8x1024xf32, #tpu.memory_space<vmem_shared>> -> memref<1x1x8x1024xf32, #tpu.memory_space<vmem_shared>>
    %dma_wait3A_456 = tpu.memref_squeeze %dma_wait3A_455 : memref<1x1x8x1024xf32, #tpu.memory_space<vmem_shared>> -> memref<8x1024xf32, #tpu.memory_space<vmem_shared>>
    tpu.wait_dma2 semaphore(%arg25 : memref<!tpu.dma_semaphore, #tpu.memory_space<semaphore_mem>>) src(%arg9 : memref<8x1024xf32, #tpu.memory_space<vmem>>) dst(%dma_wait3A_456 : memref<8x1024xf32, #tpu.memory_space<vmem_shared>>)
    %add3A_457 = arith.constant 976 : i32
    %add3A_458 = arith.addi %mul3A_2, %add3A_457 : i32
    %dma_start3A_459 = arith.constant 2 : i32
    %dma_start3A_460 = arith.constant 0 : i32
    %dma_start3A_461 = tpu.memref_slice %arg4[%add3A_458, %dma_start3A_460] : memref<32768x1024xf32, #tpu.memory_space<hbm>> -> memref<8x1024xf32, #tpu.memory_space<hbm>>
    %dma_start3A_462 = arith.constant 0 : i32
    %dma_start3A_463 = arith.constant 0 : i32
    %dma_start3A_464 = tpu.memref_slice %arg6[%arg1, %dma_start3A_459, %dma_start3A_462, %dma_start3A_463] : memref<16x6x8x1024xf32, #tpu.memory_space<vmem_shared>> -> memref<1x1x8x1024xf32, #tpu.memory_space<vmem_shared>>
    %dma_start3A_465 = tpu.memref_squeeze %dma_start3A_464 : memref<1x1x8x1024xf32, #tpu.memory_space<vmem_shared>> -> memref<8x1024xf32, #tpu.memory_space<vmem_shared>>
    tpu.enqueue_dma source(%dma_start3A_465 : memref<8x1024xf32, #tpu.memory_space<vmem_shared>>) target(%dma_start3A_461 : memref<8x1024xf32, #tpu.memory_space<hbm>>) target_semaphore(%arg33 : memref<!tpu.dma_semaphore, #tpu.memory_space<semaphore_mem>>)
    %dma_wait3A_466 = arith.constant 0 : i32
    %dma_wait3A_467 = tpu.memref_slice %arg4[%mul3A_2, %dma_wait3A_466] : memref<32768x1024xf32, #tpu.memory_space<hbm>> -> memref<8x1024xf32, #tpu.memory_space<hbm>>
    %dma_wait3A_468 = arith.constant 0 : i32
    %dma_wait3A_469 = tpu.memref_slice %arg4[%mul3A_2, %dma_wait3A_468] : memref<32768x1024xf32, #tpu.memory_space<hbm>> -> memref<8x1024xf32, #tpu.memory_space<hbm>>
    tpu.wait_dma2 semaphore(%arg18 : memref<!tpu.dma_semaphore, #tpu.memory_space<semaphore_mem>>) src(%dma_wait3A_469 : memref<8x1024xf32, #tpu.memory_space<hbm>>) dst(%arg10 : memref<8x1024xf32, #tpu.memory_space<vmem>>)
    %dma_wait3A_470 = arith.constant 3 : i32
    %dma_wait3A_471 = arith.constant 0 : i32
    %dma_wait3A_472 = tpu.memref_slice %arg4[%mul3A_2, %dma_wait3A_471] : memref<32768x1024xf32, #tpu.memory_space<hbm>> -> memref<8x1024xf32, #tpu.memory_space<hbm>>
    %dma_wait3A_473 = arith.constant 0 : i32
    %dma_wait3A_474 = arith.constant 0 : i32
    %dma_wait3A_475 = tpu.memref_slice %arg6[%arg1, %dma_wait3A_470, %dma_wait3A_473, %dma_wait3A_474] : memref<16x6x8x1024xf32, #tpu.memory_space<vmem_shared>> -> memref<1x1x8x1024xf32, #tpu.memory_space<vmem_shared>>
    %dma_wait3A_476 = tpu.memref_squeeze %dma_wait3A_475 : memref<1x1x8x1024xf32, #tpu.memory_space<vmem_shared>> -> memref<8x1024xf32, #tpu.memory_space<vmem_shared>>
    tpu.wait_dma2 semaphore(%arg34 : memref<!tpu.dma_semaphore, #tpu.memory_space<semaphore_mem>>) src(%dma_wait3A_476 : memref<8x1024xf32, #tpu.memory_space<vmem_shared>>) dst(%dma_wait3A_472 : memref<8x1024xf32, #tpu.memory_space<hbm>>)
    %dma_start3A_477 = arith.constant 3 : i32
    %dma_start3A_478 = arith.constant 0 : i32
    %dma_start3A_479 = arith.constant 0 : i32
    %dma_start3A_480 = tpu.memref_slice %arg6[%arg1, %dma_start3A_477, %dma_start3A_478, %dma_start3A_479] : memref<16x6x8x1024xf32, #tpu.memory_space<vmem_shared>> -> memref<1x1x8x1024xf32, #tpu.memory_space<vmem_shared>>
    %dma_start3A_481 = tpu.memref_squeeze %dma_start3A_480 : memref<1x1x8x1024xf32, #tpu.memory_space<vmem_shared>> -> memref<8x1024xf32, #tpu.memory_space<vmem_shared>>
    %dma_start3A_482 = arith.constant 0 : i32
    %dma_start3A_483 = arith.constant 0 : i32
    %dma_start3A_484 = tpu.memref_slice %arg6[%arg1, %dma_start3A_477, %dma_start3A_482, %dma_start3A_483] : memref<16x6x8x1024xf32, #tpu.memory_space<vmem_shared>> -> memref<1x1x8x1024xf32, #tpu.memory_space<vmem_shared>>
    %dma_start3A_485 = tpu.memref_squeeze %dma_start3A_484 : memref<1x1x8x1024xf32, #tpu.memory_space<vmem_shared>> -> memref<8x1024xf32, #tpu.memory_space<vmem_shared>>
    tpu.enqueue_dma source(%arg10 : memref<8x1024xf32, #tpu.memory_space<vmem>>) target(%dma_start3A_485 : memref<8x1024xf32, #tpu.memory_space<vmem_shared>>) target_semaphore(%arg26 : memref<!tpu.dma_semaphore, #tpu.memory_space<semaphore_mem>>)
    %dma_wait3A_486 = arith.constant 3 : i32
    %dma_wait3A_487 = arith.constant 0 : i32
    %dma_wait3A_488 = arith.constant 0 : i32
    %dma_wait3A_489 = tpu.memref_slice %arg6[%arg1, %dma_wait3A_486, %dma_wait3A_487, %dma_wait3A_488] : memref<16x6x8x1024xf32, #tpu.memory_space<vmem_shared>> -> memref<1x1x8x1024xf32, #tpu.memory_space<vmem_shared>>
    %dma_wait3A_490 = tpu.memref_squeeze %dma_wait3A_489 : memref<1x1x8x1024xf32, #tpu.memory_space<vmem_shared>> -> memref<8x1024xf32, #tpu.memory_space<vmem_shared>>
    %dma_wait3A_491 = arith.constant 0 : i32
    %dma_wait3A_492 = arith.constant 0 : i32
    %dma_wait3A_493 = tpu.memref_slice %arg6[%arg1, %dma_wait3A_486, %dma_wait3A_491, %dma_wait3A_492] : memref<16x6x8x1024xf32, #tpu.memory_space<vmem_shared>> -> memref<1x1x8x1024xf32, #tpu.memory_space<vmem_shared>>
    %dma_wait3A_494 = tpu.memref_squeeze %dma_wait3A_493 : memref<1x1x8x1024xf32, #tpu.memory_space<vmem_shared>> -> memref<8x1024xf32, #tpu.memory_space<vmem_shared>>
    tpu.wait_dma2 semaphore(%arg26 : memref<!tpu.dma_semaphore, #tpu.memory_space<semaphore_mem>>) src(%arg10 : memref<8x1024xf32, #tpu.memory_space<vmem>>) dst(%dma_wait3A_494 : memref<8x1024xf32, #tpu.memory_space<vmem_shared>>)
    %add3A_495 = arith.constant 984 : i32
    %add3A_496 = arith.addi %mul3A_2, %add3A_495 : i32
    %dma_start3A_497 = arith.constant 3 : i32
    %dma_start3A_498 = arith.constant 0 : i32
    %dma_start3A_499 = tpu.memref_slice %arg4[%add3A_496, %dma_start3A_498] : memref<32768x1024xf32, #tpu.memory_space<hbm>> -> memref<8x1024xf32, #tpu.memory_space<hbm>>
    %dma_start3A_500 = arith.constant 0 : i32
    %dma_start3A_501 = arith.constant 0 : i32
    %dma_start3A_502 = tpu.memref_slice %arg6[%arg1, %dma_start3A_497, %dma_start3A_500, %dma_start3A_501] : memref<16x6x8x1024xf32, #tpu.memory_space<vmem_shared>> -> memref<1x1x8x1024xf32, #tpu.memory_space<vmem_shared>>
    %dma_start3A_503 = tpu.memref_squeeze %dma_start3A_502 : memref<1x1x8x1024xf32, #tpu.memory_space<vmem_shared>> -> memref<8x1024xf32, #tpu.memory_space<vmem_shared>>
    tpu.enqueue_dma source(%dma_start3A_503 : memref<8x1024xf32, #tpu.memory_space<vmem_shared>>) target(%dma_start3A_499 : memref<8x1024xf32, #tpu.memory_space<hbm>>) target_semaphore(%arg34 : memref<!tpu.dma_semaphore, #tpu.memory_space<semaphore_mem>>)
    %dma_wait3A_504 = arith.constant 0 : i32
    %dma_wait3A_505 = tpu.memref_slice %arg4[%mul3A_2, %dma_wait3A_504] : memref<32768x1024xf32, #tpu.memory_space<hbm>> -> memref<8x1024xf32, #tpu.memory_space<hbm>>
    %dma_wait3A_506 = arith.constant 0 : i32
    %dma_wait3A_507 = tpu.memref_slice %arg4[%mul3A_2, %dma_wait3A_506] : memref<32768x1024xf32, #tpu.memory_space<hbm>> -> memref<8x1024xf32, #tpu.memory_space<hbm>>
    tpu.wait_dma2 semaphore(%arg19 : memref<!tpu.dma_semaphore, #tpu.memory_space<semaphore_mem>>) src(%dma_wait3A_507 : memref<8x1024xf32, #tpu.memory_space<hbm>>) dst(%arg11 : memref<8x1024xf32, #tpu.memory_space<vmem>>)
    %dma_wait3A_508 = arith.constant 4 : i32
    %dma_wait3A_509 = arith.constant 0 : i32
    %dma_wait3A_510 = tpu.memref_slice %arg4[%mul3A_2, %dma_wait3A_509] : memref<32768x1024xf32, #tpu.memory_space<hbm>> -> memref<8x1024xf32, #tpu.memory_space<hbm>>
    %dma_wait3A_511 = arith.constant 0 : i32
    %dma_wait3A_512 = arith.constant 0 : i32
    %dma_wait3A_513 = tpu.memref_slice %arg6[%arg1, %dma_wait3A_508, %dma_wait3A_511, %dma_wait3A_512] : memref<16x6x8x1024xf32, #tpu.memory_space<vmem_shared>> -> memref<1x1x8x1024xf32, #tpu.memory_space<vmem_shared>>
    %dma_wait3A_514 = tpu.memref_squeeze %dma_wait3A_513 : memref<1x1x8x1024xf32, #tpu.memory_space<vmem_shared>> -> memref<8x1024xf32, #tpu.memory_space<vmem_shared>>
    tpu.wait_dma2 semaphore(%arg35 : memref<!tpu.dma_semaphore, #tpu.memory_space<semaphore_mem>>) src(%dma_wait3A_514 : memref<8x1024xf32, #tpu.memory_space<vmem_shared>>) dst(%dma_wait3A_510 : memref<8x1024xf32, #tpu.memory_space<hbm>>)
    %dma_start3A_515 = arith.constant 4 : i32
    %dma_start3A_516 = arith.constant 0 : i32
    %dma_start3A_517 = arith.constant 0 : i32
    %dma_start3A_518 = tpu.memref_slice %arg6[%arg1, %dma_start3A_515, %dma_start3A_516, %dma_start3A_517] : memref<16x6x8x1024xf32, #tpu.memory_space<vmem_shared>> -> memref<1x1x8x1024xf32, #tpu.memory_space<vmem_shared>>
    %dma_start3A_519 = tpu.memref_squeeze %dma_start3A_518 : memref<1x1x8x1024xf32, #tpu.memory_space<vmem_shared>> -> memref<8x1024xf32, #tpu.memory_space<vmem_shared>>
    %dma_start3A_520 = arith.constant 0 : i32
    %dma_start3A_521 = arith.constant 0 : i32
    %dma_start3A_522 = tpu.memref_slice %arg6[%arg1, %dma_start3A_515, %dma_start3A_520, %dma_start3A_521] : memref<16x6x8x1024xf32, #tpu.memory_space<vmem_shared>> -> memref<1x1x8x1024xf32, #tpu.memory_space<vmem_shared>>
    %dma_start3A_523 = tpu.memref_squeeze %dma_start3A_522 : memref<1x1x8x1024xf32, #tpu.memory_space<vmem_shared>> -> memref<8x1024xf32, #tpu.memory_space<vmem_shared>>
    tpu.enqueue_dma source(%arg11 : memref<8x1024xf32, #tpu.memory_space<vmem>>) target(%dma_start3A_523 : memref<8x1024xf32, #tpu.memory_space<vmem_shared>>) target_semaphore(%arg27 : memref<!tpu.dma_semaphore, #tpu.memory_space<semaphore_mem>>)
    %dma_wait3A_524 = arith.constant 4 : i32
    %dma_wait3A_525 = arith.constant 0 : i32
    %dma_wait3A_526 = arith.constant 0 : i32
    %dma_wait3A_527 = tpu.memref_slice %arg6[%arg1, %dma_wait3A_524, %dma_wait3A_525, %dma_wait3A_526] : memref<16x6x8x1024xf32, #tpu.memory_space<vmem_shared>> -> memref<1x1x8x1024xf32, #tpu.memory_space<vmem_shared>>
    %dma_wait3A_528 = tpu.memref_squeeze %dma_wait3A_527 : memref<1x1x8x1024xf32, #tpu.memory_space<vmem_shared>> -> memref<8x1024xf32, #tpu.memory_space<vmem_shared>>
    %dma_wait3A_529 = arith.constant 0 : i32
    %dma_wait3A_530 = arith.constant 0 : i32
    %dma_wait3A_531 = tpu.memref_slice %arg6[%arg1, %dma_wait3A_524, %dma_wait3A_529, %dma_wait3A_530] : memref<16x6x8x1024xf32, #tpu.memory_space<vmem_shared>> -> memref<1x1x8x1024xf32, #tpu.memory_space<vmem_shared>>
    %dma_wait3A_532 = tpu.memref_squeeze %dma_wait3A_531 : memref<1x1x8x1024xf32, #tpu.memory_space<vmem_shared>> -> memref<8x1024xf32, #tpu.memory_space<vmem_shared>>
    tpu.wait_dma2 semaphore(%arg27 : memref<!tpu.dma_semaphore, #tpu.memory_space<semaphore_mem>>) src(%arg11 : memref<8x1024xf32, #tpu.memory_space<vmem>>) dst(%dma_wait3A_532 : memref<8x1024xf32, #tpu.memory_space<vmem_shared>>)
    %add3A_533 = arith.constant 992 : i32
    %add3A_534 = arith.addi %mul3A_2, %add3A_533 : i32
    %dma_start3A_535 = arith.constant 4 : i32
    %dma_start3A_536 = arith.constant 0 : i32
    %dma_start3A_537 = tpu.memref_slice %arg4[%add3A_534, %dma_start3A_536] : memref<32768x1024xf32, #tpu.memory_space<hbm>> -> memref<8x1024xf32, #tpu.memory_space<hbm>>
    %dma_start3A_538 = arith.constant 0 : i32
    %dma_start3A_539 = arith.constant 0 : i32
    %dma_start3A_540 = tpu.memref_slice %arg6[%arg1, %dma_start3A_535, %dma_start3A_538, %dma_start3A_539] : memref<16x6x8x1024xf32, #tpu.memory_space<vmem_shared>> -> memref<1x1x8x1024xf32, #tpu.memory_space<vmem_shared>>
    %dma_start3A_541 = tpu.memref_squeeze %dma_start3A_540 : memref<1x1x8x1024xf32, #tpu.memory_space<vmem_shared>> -> memref<8x1024xf32, #tpu.memory_space<vmem_shared>>
    tpu.enqueue_dma source(%dma_start3A_541 : memref<8x1024xf32, #tpu.memory_space<vmem_shared>>) target(%dma_start3A_537 : memref<8x1024xf32, #tpu.memory_space<hbm>>) target_semaphore(%arg35 : memref<!tpu.dma_semaphore, #tpu.memory_space<semaphore_mem>>)
    %dma_wait3A_542 = arith.constant 0 : i32
    %dma_wait3A_543 = tpu.memref_slice %arg4[%mul3A_2, %dma_wait3A_542] : memref<32768x1024xf32, #tpu.memory_space<hbm>> -> memref<8x1024xf32, #tpu.memory_space<hbm>>
    %dma_wait3A_544 = arith.constant 0 : i32
    %dma_wait3A_545 = tpu.memref_slice %arg4[%mul3A_2, %dma_wait3A_544] : memref<32768x1024xf32, #tpu.memory_space<hbm>> -> memref<8x1024xf32, #tpu.memory_space<hbm>>
    tpu.wait_dma2 semaphore(%arg20 : memref<!tpu.dma_semaphore, #tpu.memory_space<semaphore_mem>>) src(%dma_wait3A_545 : memref<8x1024xf32, #tpu.memory_space<hbm>>) dst(%arg12 : memref<8x1024xf32, #tpu.memory_space<vmem>>)
    %dma_wait3A_546 = arith.constant 5 : i32
    %dma_wait3A_547 = arith.constant 0 : i32
    %dma_wait3A_548 = tpu.memref_slice %arg4[%mul3A_2, %dma_wait3A_547] : memref<32768x1024xf32, #tpu.memory_space<hbm>> -> memref<8x1024xf32, #tpu.memory_space<hbm>>
    %dma_wait3A_549 = arith.constant 0 : i32
    %dma_wait3A_550 = arith.constant 0 : i32
    %dma_wait3A_551 = tpu.memref_slice %arg6[%arg1, %dma_wait3A_546, %dma_wait3A_549, %dma_wait3A_550] : memref<16x6x8x1024xf32, #tpu.memory_space<vmem_shared>> -> memref<1x1x8x1024xf32, #tpu.memory_space<vmem_shared>>
    %dma_wait3A_552 = tpu.memref_squeeze %dma_wait3A_551 : memref<1x1x8x1024xf32, #tpu.memory_space<vmem_shared>> -> memref<8x1024xf32, #tpu.memory_space<vmem_shared>>
    tpu.wait_dma2 semaphore(%arg36 : memref<!tpu.dma_semaphore, #tpu.memory_space<semaphore_mem>>) src(%dma_wait3A_552 : memref<8x1024xf32, #tpu.memory_space<vmem_shared>>) dst(%dma_wait3A_548 : memref<8x1024xf32, #tpu.memory_space<hbm>>)
    %dma_start3A_553 = arith.constant 5 : i32
    %dma_start3A_554 = arith.constant 0 : i32
    %dma_start3A_555 = arith.constant 0 : i32
    %dma_start3A_556 = tpu.memref_slice %arg6[%arg1, %dma_start3A_553, %dma_start3A_554, %dma_start3A_555] : memref<16x6x8x1024xf32, #tpu.memory_space<vmem_shared>> -> memref<1x1x8x1024xf32, #tpu.memory_space<vmem_shared>>
    %dma_start3A_557 = tpu.memref_squeeze %dma_start3A_556 : memref<1x1x8x1024xf32, #tpu.memory_space<vmem_shared>> -> memref<8x1024xf32, #tpu.memory_space<vmem_shared>>
    %dma_start3A_558 = arith.constant 0 : i32
    %dma_start3A_559 = arith.constant 0 : i32
    %dma_start3A_560 = tpu.memref_slice %arg6[%arg1, %dma_start3A_553, %dma_start3A_558, %dma_start3A_559] : memref<16x6x8x1024xf32, #tpu.memory_space<vmem_shared>> -> memref<1x1x8x1024xf32, #tpu.memory_space<vmem_shared>>
    %dma_start3A_561 = tpu.memref_squeeze %dma_start3A_560 : memref<1x1x8x1024xf32, #tpu.memory_space<vmem_shared>> -> memref<8x1024xf32, #tpu.memory_space<vmem_shared>>
    tpu.enqueue_dma source(%arg12 : memref<8x1024xf32, #tpu.memory_space<vmem>>) target(%dma_start3A_561 : memref<8x1024xf32, #tpu.memory_space<vmem_shared>>) target_semaphore(%arg28 : memref<!tpu.dma_semaphore, #tpu.memory_space<semaphore_mem>>)
    %dma_wait3A_562 = arith.constant 5 : i32
    %dma_wait3A_563 = arith.constant 0 : i32
    %dma_wait3A_564 = arith.constant 0 : i32
    %dma_wait3A_565 = tpu.memref_slice %arg6[%arg1, %dma_wait3A_562, %dma_wait3A_563, %dma_wait3A_564] : memref<16x6x8x1024xf32, #tpu.memory_space<vmem_shared>> -> memref<1x1x8x1024xf32, #tpu.memory_space<vmem_shared>>
    %dma_wait3A_566 = tpu.memref_squeeze %dma_wait3A_565 : memref<1x1x8x1024xf32, #tpu.memory_space<vmem_shared>> -> memref<8x1024xf32, #tpu.memory_space<vmem_shared>>
    %dma_wait3A_567 = arith.constant 0 : i32
    %dma_wait3A_568 = arith.constant 0 : i32
    %dma_wait3A_569 = tpu.memref_slice %arg6[%arg1, %dma_wait3A_562, %dma_wait3A_567, %dma_wait3A_568] : memref<16x6x8x1024xf32, #tpu.memory_space<vmem_shared>> -> memref<1x1x8x1024xf32, #tpu.memory_space<vmem_shared>>
    %dma_wait3A_570 = tpu.memref_squeeze %dma_wait3A_569 : memref<1x1x8x1024xf32, #tpu.memory_space<vmem_shared>> -> memref<8x1024xf32, #tpu.memory_space<vmem_shared>>
    tpu.wait_dma2 semaphore(%arg28 : memref<!tpu.dma_semaphore, #tpu.memory_space<semaphore_mem>>) src(%arg12 : memref<8x1024xf32, #tpu.memory_space<vmem>>) dst(%dma_wait3A_570 : memref<8x1024xf32, #tpu.memory_space<vmem_shared>>)
    %add3A_571 = arith.constant 1000 : i32
    %add3A_572 = arith.addi %mul3A_2, %add3A_571 : i32
    %dma_start3A_573 = arith.constant 5 : i32
    %dma_start3A_574 = arith.constant 0 : i32
    %dma_start3A_575 = tpu.memref_slice %arg4[%add3A_572, %dma_start3A_574] : memref<32768x1024xf32, #tpu.memory_space<hbm>> -> memref<8x1024xf32, #tpu.memory_space<hbm>>
    %dma_start3A_576 = arith.constant 0 : i32
    %dma_start3A_577 = arith.constant 0 : i32
    %dma_start3A_578 = tpu.memref_slice %arg6[%arg1, %dma_start3A_573, %dma_start3A_576, %dma_start3A_577] : memref<16x6x8x1024xf32, #tpu.memory_space<vmem_shared>> -> memref<1x1x8x1024xf32, #tpu.memory_space<vmem_shared>>
    %dma_start3A_579 = tpu.memref_squeeze %dma_start3A_578 : memref<1x1x8x1024xf32, #tpu.memory_space<vmem_shared>> -> memref<8x1024xf32, #tpu.memory_space<vmem_shared>>
    tpu.enqueue_dma source(%dma_start3A_579 : memref<8x1024xf32, #tpu.memory_space<vmem_shared>>) target(%dma_start3A_575 : memref<8x1024xf32, #tpu.memory_space<hbm>>) target_semaphore(%arg36 : memref<!tpu.dma_semaphore, #tpu.memory_space<semaphore_mem>>)
    %dma_wait3A_580 = arith.constant 0 : i32
    %dma_wait3A_581 = tpu.memref_slice %arg4[%mul3A_2, %dma_wait3A_580] : memref<32768x1024xf32, #tpu.memory_space<hbm>> -> memref<8x1024xf32, #tpu.memory_space<hbm>>
    %dma_wait3A_582 = arith.constant 0 : i32
    %dma_wait3A_583 = tpu.memref_slice %arg4[%mul3A_2, %dma_wait3A_582] : memref<32768x1024xf32, #tpu.memory_space<hbm>> -> memref<8x1024xf32, #tpu.memory_space<hbm>>
    tpu.wait_dma2 semaphore(%arg21 : memref<!tpu.dma_semaphore, #tpu.memory_space<semaphore_mem>>) src(%dma_wait3A_583 : memref<8x1024xf32, #tpu.memory_space<hbm>>) dst(%arg13 : memref<8x1024xf32, #tpu.memory_space<vmem>>)
    %dma_wait3A_584 = arith.constant 0 : i32
    %dma_wait3A_585 = arith.constant 0 : i32
    %dma_wait3A_586 = tpu.memref_slice %arg4[%mul3A_2, %dma_wait3A_585] : memref<32768x1024xf32, #tpu.memory_space<hbm>> -> memref<8x1024xf32, #tpu.memory_space<hbm>>
    %dma_wait3A_587 = arith.constant 0 : i32
    %dma_wait3A_588 = arith.constant 0 : i32
    %dma_wait3A_589 = tpu.memref_slice %arg6[%arg1, %dma_wait3A_584, %dma_wait3A_587, %dma_wait3A_588] : memref<16x6x8x1024xf32, #tpu.memory_space<vmem_shared>> -> memref<1x1x8x1024xf32, #tpu.memory_space<vmem_shared>>
    %dma_wait3A_590 = tpu.memref_squeeze %dma_wait3A_589 : memref<1x1x8x1024xf32, #tpu.memory_space<vmem_shared>> -> memref<8x1024xf32, #tpu.memory_space<vmem_shared>>
    tpu.wait_dma2 semaphore(%arg31 : memref<!tpu.dma_semaphore, #tpu.memory_space<semaphore_mem>>) src(%dma_wait3A_590 : memref<8x1024xf32, #tpu.memory_space<vmem_shared>>) dst(%dma_wait3A_586 : memref<8x1024xf32, #tpu.memory_space<hbm>>)
    %dma_start3A_591 = arith.constant 0 : i32
    %dma_start3A_592 = arith.constant 0 : i32
    %dma_start3A_593 = arith.constant 0 : i32
    %dma_start3A_594 = tpu.memref_slice %arg6[%arg1, %dma_start3A_591, %dma_start3A_592, %dma_start3A_593] : memref<16x6x8x1024xf32, #tpu.memory_space<vmem_shared>> -> memref<1x1x8x1024xf32, #tpu.memory_space<vmem_shared>>
    %dma_start3A_595 = tpu.memref_squeeze %dma_start3A_594 : memref<1x1x8x1024xf32, #tpu.memory_space<vmem_shared>> -> memref<8x1024xf32, #tpu.memory_space<vmem_shared>>
    %dma_start3A_596 = arith.constant 0 : i32
    %dma_start3A_597 = arith.constant 0 : i32
    %dma_start3A_598 = tpu.memref_slice %arg6[%arg1, %dma_start3A_591, %dma_start3A_596, %dma_start3A_597] : memref<16x6x8x1024xf32, #tpu.memory_space<vmem_shared>> -> memref<1x1x8x1024xf32, #tpu.memory_space<vmem_shared>>
    %dma_start3A_599 = tpu.memref_squeeze %dma_start3A_598 : memref<1x1x8x1024xf32, #tpu.memory_space<vmem_shared>> -> memref<8x1024xf32, #tpu.memory_space<vmem_shared>>
    tpu.enqueue_dma source(%arg13 : memref<8x1024xf32, #tpu.memory_space<vmem>>) target(%dma_start3A_599 : memref<8x1024xf32, #tpu.memory_space<vmem_shared>>) target_semaphore(%arg29 : memref<!tpu.dma_semaphore, #tpu.memory_space<semaphore_mem>>)
    %dma_wait3A_600 = arith.constant 0 : i32
    %dma_wait3A_601 = arith.constant 0 : i32
    %dma_wait3A_602 = arith.constant 0 : i32
    %dma_wait3A_603 = tpu.memref_slice %arg6[%arg1, %dma_wait3A_600, %dma_wait3A_601, %dma_wait3A_602] : memref<16x6x8x1024xf32, #tpu.memory_space<vmem_shared>> -> memref<1x1x8x1024xf32, #tpu.memory_space<vmem_shared>>
    %dma_wait3A_604 = tpu.memref_squeeze %dma_wait3A_603 : memref<1x1x8x1024xf32, #tpu.memory_space<vmem_shared>> -> memref<8x1024xf32, #tpu.memory_space<vmem_shared>>
    %dma_wait3A_605 = arith.constant 0 : i32
    %dma_wait3A_606 = arith.constant 0 : i32
    %dma_wait3A_607 = tpu.memref_slice %arg6[%arg1, %dma_wait3A_600, %dma_wait3A_605, %dma_wait3A_606] : memref<16x6x8x1024xf32, #tpu.memory_space<vmem_shared>> -> memref<1x1x8x1024xf32, #tpu.memory_space<vmem_shared>>
    %dma_wait3A_608 = tpu.memref_squeeze %dma_wait3A_607 : memref<1x1x8x1024xf32, #tpu.memory_space<vmem_shared>> -> memref<8x1024xf32, #tpu.memory_space<vmem_shared>>
    tpu.wait_dma2 semaphore(%arg29 : memref<!tpu.dma_semaphore, #tpu.memory_space<semaphore_mem>>) src(%arg13 : memref<8x1024xf32, #tpu.memory_space<vmem>>) dst(%dma_wait3A_608 : memref<8x1024xf32, #tpu.memory_space<vmem_shared>>)
    %add3A_609 = arith.constant 1008 : i32
    %add3A_610 = arith.addi %mul3A_2, %add3A_609 : i32
    %dma_start3A_611 = arith.constant 0 : i32
    %dma_start3A_612 = arith.constant 0 : i32
    %dma_start3A_613 = tpu.memref_slice %arg4[%add3A_610, %dma_start3A_612] : memref<32768x1024xf32, #tpu.memory_space<hbm>> -> memref<8x1024xf32, #tpu.memory_space<hbm>>
    %dma_start3A_614 = arith.constant 0 : i32
    %dma_start3A_615 = arith.constant 0 : i32
    %dma_start3A_616 = tpu.memref_slice %arg6[%arg1, %dma_start3A_611, %dma_start3A_614, %dma_start3A_615] : memref<16x6x8x1024xf32, #tpu.memory_space<vmem_shared>> -> memref<1x1x8x1024xf32, #tpu.memory_space<vmem_shared>>
    %dma_start3A_617 = tpu.memref_squeeze %dma_start3A_616 : memref<1x1x8x1024xf32, #tpu.memory_space<vmem_shared>> -> memref<8x1024xf32, #tpu.memory_space<vmem_shared>>
    tpu.enqueue_dma source(%dma_start3A_617 : memref<8x1024xf32, #tpu.memory_space<vmem_shared>>) target(%dma_start3A_613 : memref<8x1024xf32, #tpu.memory_space<hbm>>) target_semaphore(%arg31 : memref<!tpu.dma_semaphore, #tpu.memory_space<semaphore_mem>>)
    %dma_wait3A_618 = arith.constant 0 : i32
    %dma_wait3A_619 = tpu.memref_slice %arg4[%mul3A_2, %dma_wait3A_618] : memref<32768x1024xf32, #tpu.memory_space<hbm>> -> memref<8x1024xf32, #tpu.memory_space<hbm>>
    %dma_wait3A_620 = arith.constant 0 : i32
    %dma_wait3A_621 = tpu.memref_slice %arg4[%mul3A_2, %dma_wait3A_620] : memref<32768x1024xf32, #tpu.memory_space<hbm>> -> memref<8x1024xf32, #tpu.memory_space<hbm>>
    tpu.wait_dma2 semaphore(%arg22 : memref<!tpu.dma_semaphore, #tpu.memory_space<semaphore_mem>>) src(%dma_wait3A_621 : memref<8x1024xf32, #tpu.memory_space<hbm>>) dst(%arg14 : memref<8x1024xf32, #tpu.memory_space<vmem>>)
    %dma_wait3A_622 = arith.constant 1 : i32
    %dma_wait3A_623 = arith.constant 0 : i32
    %dma_wait3A_624 = tpu.memref_slice %arg4[%mul3A_2, %dma_wait3A_623] : memref<32768x1024xf32, #tpu.memory_space<hbm>> -> memref<8x1024xf32, #tpu.memory_space<hbm>>
    %dma_wait3A_625 = arith.constant 0 : i32
    %dma_wait3A_626 = arith.constant 0 : i32
    %dma_wait3A_627 = tpu.memref_slice %arg6[%arg1, %dma_wait3A_622, %dma_wait3A_625, %dma_wait3A_626] : memref<16x6x8x1024xf32, #tpu.memory_space<vmem_shared>> -> memref<1x1x8x1024xf32, #tpu.memory_space<vmem_shared>>
    %dma_wait3A_628 = tpu.memref_squeeze %dma_wait3A_627 : memref<1x1x8x1024xf32, #tpu.memory_space<vmem_shared>> -> memref<8x1024xf32, #tpu.memory_space<vmem_shared>>
    tpu.wait_dma2 semaphore(%arg32 : memref<!tpu.dma_semaphore, #tpu.memory_space<semaphore_mem>>) src(%dma_wait3A_628 : memref<8x1024xf32, #tpu.memory_space<vmem_shared>>) dst(%dma_wait3A_624 : memref<8x1024xf32, #tpu.memory_space<hbm>>)
    %dma_start3A_629 = arith.constant 1 : i32
    %dma_start3A_630 = arith.constant 0 : i32
    %dma_start3A_631 = arith.constant 0 : i32
    %dma_start3A_632 = tpu.memref_slice %arg6[%arg1, %dma_start3A_629, %dma_start3A_630, %dma_start3A_631] : memref<16x6x8x1024xf32, #tpu.memory_space<vmem_shared>> -> memref<1x1x8x1024xf32, #tpu.memory_space<vmem_shared>>
    %dma_start3A_633 = tpu.memref_squeeze %dma_start3A_632 : memref<1x1x8x1024xf32, #tpu.memory_space<vmem_shared>> -> memref<8x1024xf32, #tpu.memory_space<vmem_shared>>
    %dma_start3A_634 = arith.constant 0 : i32
    %dma_start3A_635 = arith.constant 0 : i32
    %dma_start3A_636 = tpu.memref_slice %arg6[%arg1, %dma_start3A_629, %dma_start3A_634, %dma_start3A_635] : memref<16x6x8x1024xf32, #tpu.memory_space<vmem_shared>> -> memref<1x1x8x1024xf32, #tpu.memory_space<vmem_shared>>
    %dma_start3A_637 = tpu.memref_squeeze %dma_start3A_636 : memref<1x1x8x1024xf32, #tpu.memory_space<vmem_shared>> -> memref<8x1024xf32, #tpu.memory_space<vmem_shared>>
    tpu.enqueue_dma source(%arg14 : memref<8x1024xf32, #tpu.memory_space<vmem>>) target(%dma_start3A_637 : memref<8x1024xf32, #tpu.memory_space<vmem_shared>>) target_semaphore(%arg30 : memref<!tpu.dma_semaphore, #tpu.memory_space<semaphore_mem>>)
    %dma_wait3A_638 = arith.constant 1 : i32
    %dma_wait3A_639 = arith.constant 0 : i32
    %dma_wait3A_640 = arith.constant 0 : i32
    %dma_wait3A_641 = tpu.memref_slice %arg6[%arg1, %dma_wait3A_638, %dma_wait3A_639, %dma_wait3A_640] : memref<16x6x8x1024xf32, #tpu.memory_space<vmem_shared>> -> memref<1x1x8x1024xf32, #tpu.memory_space<vmem_shared>>
    %dma_wait3A_642 = tpu.memref_squeeze %dma_wait3A_641 : memref<1x1x8x1024xf32, #tpu.memory_space<vmem_shared>> -> memref<8x1024xf32, #tpu.memory_space<vmem_shared>>
    %dma_wait3A_643 = arith.constant 0 : i32
    %dma_wait3A_644 = arith.constant 0 : i32
    %dma_wait3A_645 = tpu.memref_slice %arg6[%arg1, %dma_wait3A_638, %dma_wait3A_643, %dma_wait3A_644] : memref<16x6x8x1024xf32, #tpu.memory_space<vmem_shared>> -> memref<1x1x8x1024xf32, #tpu.memory_space<vmem_shared>>
    %dma_wait3A_646 = tpu.memref_squeeze %dma_wait3A_645 : memref<1x1x8x1024xf32, #tpu.memory_space<vmem_shared>> -> memref<8x1024xf32, #tpu.memory_space<vmem_shared>>
    tpu.wait_dma2 semaphore(%arg30 : memref<!tpu.dma_semaphore, #tpu.memory_space<semaphore_mem>>) src(%arg14 : memref<8x1024xf32, #tpu.memory_space<vmem>>) dst(%dma_wait3A_646 : memref<8x1024xf32, #tpu.memory_space<vmem_shared>>)
    %add3A_647 = arith.constant 1016 : i32
    %add3A_648 = arith.addi %mul3A_2, %add3A_647 : i32
    %dma_start3A_649 = arith.constant 1 : i32
    %dma_start3A_650 = arith.constant 0 : i32
    %dma_start3A_651 = tpu.memref_slice %arg4[%add3A_648, %dma_start3A_650] : memref<32768x1024xf32, #tpu.memory_space<hbm>> -> memref<8x1024xf32, #tpu.memory_space<hbm>>
    %dma_start3A_652 = arith.constant 0 : i32
    %dma_start3A_653 = arith.constant 0 : i32
    %dma_start3A_654 = tpu.memref_slice %arg6[%arg1, %dma_start3A_649, %dma_start3A_652, %dma_start3A_653] : memref<16x6x8x1024xf32, #tpu.memory_space<vmem_shared>> -> memref<1x1x8x1024xf32, #tpu.memory_space<vmem_shared>>
    %dma_start3A_655 = tpu.memref_squeeze %dma_start3A_654 : memref<1x1x8x1024xf32, #tpu.memory_space<vmem_shared>> -> memref<8x1024xf32, #tpu.memory_space<vmem_shared>>
    tpu.enqueue_dma source(%dma_start3A_655 : memref<8x1024xf32, #tpu.memory_space<vmem_shared>>) target(%dma_start3A_651 : memref<8x1024xf32, #tpu.memory_space<hbm>>) target_semaphore(%arg32 : memref<!tpu.dma_semaphore, #tpu.memory_space<semaphore_mem>>)
    %dma_wait3A_656 = arith.constant 0 : i32
    %dma_wait3A_657 = arith.constant 0 : i32
    %dma_wait3A_658 = tpu.memref_slice %arg4[%mul3A_2, %dma_wait3A_657] : memref<32768x1024xf32, #tpu.memory_space<hbm>> -> memref<8x1024xf32, #tpu.memory_space<hbm>>
    %dma_wait3A_659 = arith.constant 0 : i32
    %dma_wait3A_660 = arith.constant 0 : i32
    %dma_wait3A_661 = tpu.memref_slice %arg6[%arg1, %dma_wait3A_656, %dma_wait3A_659, %dma_wait3A_660] : memref<16x6x8x1024xf32, #tpu.memory_space<vmem_shared>> -> memref<1x1x8x1024xf32, #tpu.memory_space<vmem_shared>>
    %dma_wait3A_662 = tpu.memref_squeeze %dma_wait3A_661 : memref<1x1x8x1024xf32, #tpu.memory_space<vmem_shared>> -> memref<8x1024xf32, #tpu.memory_space<vmem_shared>>
    tpu.wait_dma2 semaphore(%arg31 : memref<!tpu.dma_semaphore, #tpu.memory_space<semaphore_mem>>) src(%dma_wait3A_662 : memref<8x1024xf32, #tpu.memory_space<vmem_shared>>) dst(%dma_wait3A_658 : memref<8x1024xf32, #tpu.memory_space<hbm>>)
    %dma_wait3A_663 = arith.constant 1 : i32
    %dma_wait3A_664 = arith.constant 0 : i32
    %dma_wait3A_665 = tpu.memref_slice %arg4[%mul3A_2, %dma_wait3A_664] : memref<32768x1024xf32, #tpu.memory_space<hbm>> -> memref<8x1024xf32, #tpu.memory_space<hbm>>
    %dma_wait3A_666 = arith.constant 0 : i32
    %dma_wait3A_667 = arith.constant 0 : i32
    %dma_wait3A_668 = tpu.memref_slice %arg6[%arg1, %dma_wait3A_663, %dma_wait3A_666, %dma_wait3A_667] : memref<16x6x8x1024xf32, #tpu.memory_space<vmem_shared>> -> memref<1x1x8x1024xf32, #tpu.memory_space<vmem_shared>>
    %dma_wait3A_669 = tpu.memref_squeeze %dma_wait3A_668 : memref<1x1x8x1024xf32, #tpu.memory_space<vmem_shared>> -> memref<8x1024xf32, #tpu.memory_space<vmem_shared>>
    tpu.wait_dma2 semaphore(%arg32 : memref<!tpu.dma_semaphore, #tpu.memory_space<semaphore_mem>>) src(%dma_wait3A_669 : memref<8x1024xf32, #tpu.memory_space<vmem_shared>>) dst(%dma_wait3A_665 : memref<8x1024xf32, #tpu.memory_space<hbm>>)
    %dma_wait3A_670 = arith.constant 2 : i32
    %dma_wait3A_671 = arith.constant 0 : i32
    %dma_wait3A_672 = tpu.memref_slice %arg4[%mul3A_2, %dma_wait3A_671] : memref<32768x1024xf32, #tpu.memory_space<hbm>> -> memref<8x1024xf32, #tpu.memory_space<hbm>>
    %dma_wait3A_673 = arith.constant 0 : i32
    %dma_wait3A_674 = arith.constant 0 : i32
    %dma_wait3A_675 = tpu.memref_slice %arg6[%arg1, %dma_wait3A_670, %dma_wait3A_673, %dma_wait3A_674] : memref<16x6x8x1024xf32, #tpu.memory_space<vmem_shared>> -> memref<1x1x8x1024xf32, #tpu.memory_space<vmem_shared>>
    %dma_wait3A_676 = tpu.memref_squeeze %dma_wait3A_675 : memref<1x1x8x1024xf32, #tpu.memory_space<vmem_shared>> -> memref<8x1024xf32, #tpu.memory_space<vmem_shared>>
    tpu.wait_dma2 semaphore(%arg33 : memref<!tpu.dma_semaphore, #tpu.memory_space<semaphore_mem>>) src(%dma_wait3A_676 : memref<8x1024xf32, #tpu.memory_space<vmem_shared>>) dst(%dma_wait3A_672 : memref<8x1024xf32, #tpu.memory_space<hbm>>)
    %dma_wait3A_677 = arith.constant 3 : i32
    %dma_wait3A_678 = arith.constant 0 : i32
    %dma_wait3A_679 = tpu.memref_slice %arg4[%mul3A_2, %dma_wait3A_678] : memref<32768x1024xf32, #tpu.memory_space<hbm>> -> memref<8x1024xf32, #tpu.memory_space<hbm>>
    %dma_wait3A_680 = arith.constant 0 : i32
    %dma_wait3A_681 = arith.constant 0 : i32
    %dma_wait3A_682 = tpu.memref_slice %arg6[%arg1, %dma_wait3A_677, %dma_wait3A_680, %dma_wait3A_681] : memref<16x6x8x1024xf32, #tpu.memory_space<vmem_shared>> -> memref<1x1x8x1024xf32, #tpu.memory_space<vmem_shared>>
    %dma_wait3A_683 = tpu.memref_squeeze %dma_wait3A_682 : memref<1x1x8x1024xf32, #tpu.memory_space<vmem_shared>> -> memref<8x1024xf32, #tpu.memory_space<vmem_shared>>
    tpu.wait_dma2 semaphore(%arg34 : memref<!tpu.dma_semaphore, #tpu.memory_space<semaphore_mem>>) src(%dma_wait3A_683 : memref<8x1024xf32, #tpu.memory_space<vmem_shared>>) dst(%dma_wait3A_679 : memref<8x1024xf32, #tpu.memory_space<hbm>>)
    %dma_wait3A_684 = arith.constant 4 : i32
    %dma_wait3A_685 = arith.constant 0 : i32
    %dma_wait3A_686 = tpu.memref_slice %arg4[%mul3A_2, %dma_wait3A_685] : memref<32768x1024xf32, #tpu.memory_space<hbm>> -> memref<8x1024xf32, #tpu.memory_space<hbm>>
    %dma_wait3A_687 = arith.constant 0 : i32
    %dma_wait3A_688 = arith.constant 0 : i32
    %dma_wait3A_689 = tpu.memref_slice %arg6[%arg1, %dma_wait3A_684, %dma_wait3A_687, %dma_wait3A_688] : memref<16x6x8x1024xf32, #tpu.memory_space<vmem_shared>> -> memref<1x1x8x1024xf32, #tpu.memory_space<vmem_shared>>
    %dma_wait3A_690 = tpu.memref_squeeze %dma_wait3A_689 : memref<1x1x8x1024xf32, #tpu.memory_space<vmem_shared>> -> memref<8x1024xf32, #tpu.memory_space<vmem_shared>>
    tpu.wait_dma2 semaphore(%arg35 : memref<!tpu.dma_semaphore, #tpu.memory_space<semaphore_mem>>) src(%dma_wait3A_690 : memref<8x1024xf32, #tpu.memory_space<vmem_shared>>) dst(%dma_wait3A_686 : memref<8x1024xf32, #tpu.memory_space<hbm>>)
    %dma_wait3A_691 = arith.constant 5 : i32
    %dma_wait3A_692 = arith.constant 0 : i32
    %dma_wait3A_693 = tpu.memref_slice %arg4[%mul3A_2, %dma_wait3A_692] : memref<32768x1024xf32, #tpu.memory_space<hbm>> -> memref<8x1024xf32, #tpu.memory_space<hbm>>
    %dma_wait3A_694 = arith.constant 0 : i32
    %dma_wait3A_695 = arith.constant 0 : i32
    %dma_wait3A_696 = tpu.memref_slice %arg6[%arg1, %dma_wait3A_691, %dma_wait3A_694, %dma_wait3A_695] : memref<16x6x8x1024xf32, #tpu.memory_space<vmem_shared>> -> memref<1x1x8x1024xf32, #tpu.memory_space<vmem_shared>>
    %dma_wait3A_697 = tpu.memref_squeeze %dma_wait3A_696 : memref<1x1x8x1024xf32, #tpu.memory_space<vmem_shared>> -> memref<8x1024xf32, #tpu.memory_space<vmem_shared>>
    tpu.wait_dma2 semaphore(%arg36 : memref<!tpu.dma_semaphore, #tpu.memory_space<semaphore_mem>>) src(%dma_wait3A_697 : memref<8x1024xf32, #tpu.memory_space<vmem_shared>>) dst(%dma_wait3A_693 : memref<8x1024xf32, #tpu.memory_space<hbm>>)
    return
  }
}

</mosaic_0001>

<sc_bundles>
// kernel: kernel.3.cloned.1.call-start
scs
__scs_entry_jumppad:
0x0: {  	(pc) =	sbr.rel $0x88, $3  }
0x1: {  	(tag) =	ssettag $0x0;
	lr =	simm.s32 $0x1  }
0x2: {  	[smem:$0x3F9F] =	sst lr;
	_ =	strace $0xD0000000  }
0x3: {  	_ = 	snop  }
0x4: {  	_ = 	snop  }
0x5: {  	_ = 	snop  }
0x6: {  	_ = 	snop  }
0x7: {  	_ = 	snop  }
__scs_overlays_trampoline_lowered:
0x8: {  	[smem:$0x3FAE] =	sst s0  }
0x9: {  	[smem:$0x3FAF] =	sst s1  }
0xa: {  	[smem:$0x3FB0] =	sst s2  }
0xb: {  	[smem:$0x3FB1] =	sst s3  }
0xc: {  	[smem:$0x3FB2] =	sst s4  }
0xd: {  	[smem:$0x3FB3] =	sst s5  }
0xe: {  	[smem:$0x3FB4] =	sst s6  }
0xf: {  	[smem:$0x3FB5] =	sst s7  }
0x10: {  	[smem:$0x3FB6] =	sst s8  }
0x11: {  	[smem:$0x3FB7] =	sst s9;
	s0 =	simm.s32 @!p0 $0x0  }
0x12: {  	s1 =	sld [smem:$0x3F9D];
	s0 =	simm.s32 @p0 $0x1  }
0x13: {  	[smem:$0x3FB8] =	sst s0;
	s0 =	simm.s32 @!p1 $0x0  }
0x14: {  	s2 =	sld [smem:$0x3F9C];
	s0 =	simm.s32 @p1 $0x1  }
0x15: {  	[smem:$0x3FB9] =	sst s0;
	s0 =	simm.s32 @!p2 $0x0  }
0x16: {  	s3 =	sld [smem:$0x3FDB];
	s0 =	simm.s32 @p2 $0x1  }
0x17: {  	s4 =	simm.s32 $0x1BF5;
	[smem:$0x3FBB] =	sst s0  }
0x18: {  	s0 =	sld [smem:$0x3F9E];
	_ =	swait.ge [sflag:s4], $0x0  }
0x19: {  	s7 =	sld [smem:$0x3F9F]  }
0x1a: {  	s8 =	sadd.s32 $0xFFFFE003, lr  }
0x1b: {  	s9 =	sadd.s32 $0xFFFFFEF7, lr;
	s5 =	simm.s32 $0xFFFFFFFF;
	p2 =	slt.u32 s8, $0xFFFFF086  }
0x1c: {  	p1 =	slt.u32 s9, $0xF7A;
	s5 =	simm.s32 @!p2 $0x0  }
0x1d: {  	s5 =	simm.s32 @p1 $0x1;
	p0 =	seq.s32 s7, s2  }
0x1e: {  	s7 =	smul.u32 @!p0 $0xF7A, s2;
	p2 =	seq.s32 @!p0 s5, $0x0  }
0x1f: {  	s9 =	smul.u32 $0xF7A, s1;
	s8 =	simm.s32 @!p0 $0x1BF5;
	p2 =	por !p2, p0  }
0x20: {  	[sflag:s8] =	ssyncset.s32 @!p0 $0xFFFFF086;
	s6 =	sadd.s32 @!p0 s3, s7;
	s7 =	simm.s32 @!p0 $0x108  }
0x21: {  	s3 =	sadd.s32 s3, s9;
	s6 =	sadd.s32 @!p0 $0x88, s6;
	s7 =	simm.s32 @p2 $0x1082  }
0x22: {  	[simem:s7], [sflag:s8] =	dma.local @!p0 [hbm:s6], $0xF7A  }
0x23: {  	s9 =	sor.u32 $0xD0000000, s2;
	s6 =	simm.s32 $0x108;
	_ =	swait.ge @!p0 [sflag:s8], $0x0  }
0x24: {  	s3 =	sadd.s32 $0x88, s3;
	s6 =	simm.s32 @!p1 $0x1082;
	[sflag:s4] =	ssyncset.s32 $0xFFFFF086  }
0x25: {  	[simem:s6], [sflag:s4] =	dma.local [hbm:s3], $0xF7A  }
0x26: {  	[smem:$0x3F9F] =	sst s1;
	(tag) =	ssettag s2;
	_ =	strace s9  }
0x27: {  	s1 =	sld [smem:$0x3FAF]  }
0x28: {  	s2 =	sld [smem:$0x3FB0]  }
0x29: {  	s4 =	sld [smem:$0x3FB2]  }
0x2a: {  	p0 =	seq.s32 s5, $0x0;
	s5 =	sld [smem:$0x3FB3]  }
0x2b: {  	s6 =	sld [smem:$0x3FB4]  }
0x2c: {  	s7 =	sld [smem:$0x3FB5]  }
0x2d: {  	s3 =	simm.s32 $0x108;
	s8 =	sld [smem:$0x3FB6]  }
0x2e: {  	s3 =	simm.s32 @!p0 $0x1082;
	s9 =	sld [smem:$0x3FB7]  }
0x2f: {  	lr =	sadd.s32 s0, s3;
	s0 =	sld [smem:$0x3FAE]  }
0x30: {  	s3 =	sld [smem:$0x3FB1]  }
0x31: {  	[smem:$0x3FBA] =	sst s10  }
0x32: {  	s10 =	sld [smem:$0x3FB8];
	_ =	sdelay $0x3  }
0x33: {  	p0 =	seq.s32 s10, $0x1;
	s10 =	sld [smem:$0x3FBA];
	_ =	sdelay $0x3  }
0x34: {  	[smem:$0x3FBA] =	sst s10  }
0x35: {  	s10 =	sld [smem:$0x3FB9];
	_ =	sdelay $0x3  }
0x36: {  	p1 =	seq.s32 s10, $0x1;
	s10 =	sld [smem:$0x3FBA];
	_ =	sdelay $0x3  }
0x37: {  	[smem:$0x3FBA] =	sst s10  }
0x38: {  	s10 =	sld [smem:$0x3FBB]  }
0x39: {  	_ = 	snop;
	(pc) =	sbr.ind lr, $3  }
0x3a: {  	_ = 	snop  }
0x3b: {  	_ = 	snop  }
0x3c: {  	p2 =	seq.s32 s10, $0x1;
	s10 =	sld [smem:$0x3FBA]  }
0x3d: {  	_ =	shalt  }
0x3e: {  	_ =	shalt  }
0x3f: {  	_ =	shalt  }
0x40: {  	_ =	shalt  }
0x41: {  	_ =	shalt  }
0x42: {  	_ =	shalt  }
0x43: {  	_ =	shalt  }
0x44: {  	_ =	shalt  }
0x45: {  	_ =	shalt  }
0x46: {  	_ =	shalt  }
0x47: {  	_ =	shalt  }
0x48: {  	_ =	shalt  }
0x49: {  	_ =	shalt  }
0x4a: {  	_ =	shalt  }
0x4b: {  	_ =	shalt  }
0x4c: {  	_ =	shalt  }
0x4d: {  	_ =	shalt  }
0x4e: {  	_ =	shalt  }
0x4f: {  	_ =	shalt  }
0x50: {  	_ =	shalt  }
0x51: {  	_ =	shalt  }
0x52: {  	_ =	shalt  }
0x53: {  	_ =	shalt  }
0x54: {  	_ =	shalt  }
0x55: {  	_ =	shalt  }
0x56: {  	_ =	shalt  }
0x57: {  	_ =	shalt  }
0x58: {  	_ =	shalt  }
0x59: {  	_ =	shalt  }
0x5a: {  	_ =	shalt  }
0x5b: {  	_ =	shalt  }
0x5c: {  	_ =	shalt  }
0x5d: {  	_ =	shalt  }
0x5e: {  	_ =	shalt  }
0x5f: {  	_ =	shalt  }
0x60: {  	_ =	shalt  }
0x61: {  	_ =	shalt  }
0x62: {  	_ =	shalt  }
0x63: {  	_ =	shalt  }
0x64: {  	_ =	shalt  }
0x65: {  	_ =	shalt  }
0x66: {  	_ =	shalt  }
0x67: {  	_ =	shalt  }
0x68: {  	_ =	shalt  }
0x69: {  	_ =	shalt  }
0x6a: {  	_ =	shalt  }
0x6b: {  	_ =	shalt  }
0x6c: {  	_ =	shalt  }
0x6d: {  	_ =	shalt  }
0x6e: {  	_ =	shalt  }
0x6f: {  	_ =	shalt  }
0x70: {  	_ =	shalt  }
0x71: {  	_ =	shalt  }
0x72: {  	_ =	shalt  }
0x73: {  	_ =	shalt  }
0x74: {  	_ =	shalt  }
0x75: {  	_ =	shalt  }
0x76: {  	_ =	shalt  }
0x77: {  	_ =	shalt  }
0x78: {  	_ =	shalt  }
0x79: {  	_ =	shalt  }
0x7a: {  	_ =	shalt  }
0x7b: {  	_ =	shalt  }
0x7c: {  	_ =	shalt  }
0x7d: {  	_ =	shalt  }
0x7e: {  	_ =	shalt  }
0x7f: {  	_ =	shalt  }
0x80: {  	_ =	shalt  }
0x81: {  	_ =	shalt  }
0x82: {  	_ =	shalt  }
0x83: {  	_ =	shalt  }
0x84: {  	_ =	shalt  }
0x85: {  	_ =	shalt  }
0x86: {  	_ =	shalt  }
0x87: {  	_ =	shalt  }
.Lfunc_end0:
.L_simem_size_0:
called_computation_lowered:
.L_overlay_start_0:
0x88: {  	s2 =	sld [smem:$0x3FD9]  }
0x89: {  	s3 =	sld [smem:$0x3FFE];
	_ =	sdelay $0x1  }
0x8a: {  	s1 =	srdreg.scid  }
0x8b: {  	s0 =	sand.u32 $0x1, s1  }
0x8c: {  	s17 =	sshll.u32 s0, $0xA;
	s2 =	sadd.s32 s3, s2  }
0x8d: {  	s2 =	sadd.s32 s2, s17  }
0x8e: {  	[smem:$0x3FC6] =	sst s2  }
0x8f: {  	_ = 	snop  }
0x90: {  	s2 =	sld [smem:$0x3FC8]  }
0x91: {  	s18 =	sld [smem:$0x3FD0];
	(tm) =	ssettm $0x1  }
0x92: {  	s4 =	sld [smem:$0x3FFB];
	_ =	sdelay $0x3  }
0x93: {  	_ =	strace s4  }
0x94: {  	s4 =	sld [smem:$0x3FFC];
	_ =	sdelay $0x3  }
0x95: {  	_ =	strace s4  }
0x96: {  	s4 =	sld [smem:$0x3FFD];
	_ =	sdelay $0x3  }
0x97: {  	_ =	strace s4  }
0x98: {  	_ =	strace $0x8FFFFFFF  }
0x99: {  	s19 =	sld [smem:$0x3FDB];
	_ =	sdelay $0x1  }
0x9a: {  	s5 =	simm.s32 $_scs_section_size  }
0x9b: {  	s6 =	simm.s32 $_size__tile_overlayer_lowered;
	s7 =	simm.s32 $_tile_overlayer_lowered  }
0x9c: {  	s22 =	simm.s32 $0x1BFF;
	s21 =	sshll.u32 s7, $0x1;
	s4 =	sadd.s32 s5, s19  }
0x9d: {  	s8 =	simm.s32 $0x0;
	s20 =	sshll.u32 s6, $0x1;
	s6 =	sadd.s32 s21, s4  }
0x9e: {  	[timem:s8], [sflag:s22] =	dma.local [hbm:s6], s20  }
0x9f: {  	_ =	swait.ge [sflag:s22], s20  }
0xa0: {  	s5 =	ssub.s32 $0x0, s20;
	[sflag:s22] =	ssyncset.done $0x0  }
0xa1: {  	[sflag:s22] =	ssyncadd.s32 s5;
	_ =	sdelay $0x1  }
0xa2: {  	s23 =	simm.s32 $0x1B8B  }
0xa3: {  	_ =	swait.ge [sflag:s23], $0x1  }
0xa4: {  	[sflag:s23] =	ssyncset.done $0x0  }
0xa5: {  	s25 =	simm.s32 $0x1B8E;
	s24 =	sld [smem:$0x3FFE];
	[sflag:s23] =	ssyncadd.s32 $0xFFFFFFFF  }
0xa6: {  	s26 =	simm.s32 $execute0_lowered;
	[smem:$0x3FD2] =	sst s25  }
0xa7: {  	s6 =	sshll.u32 s26, $0x1;
	_ =	strace $0x80000046;
	[dreg:$0x1] =	wrdreg $0xFFFFFFFF  }
0xa8: {  	s28 =	simm.s32 $_size_execute0_lowered;
	s4 =	sadd.s32 s4, s6;
	[dreg:$0x0] =	wrdreg $0x0  }
0xa9: {  	s6 =	sshll.u32 s28, $0x1;
	[dreg:$0x2] =	wrdreg s4  }
0xaa: {  	[dreg:$0x3] =	wrdreg s6  }
0xab: {  	[dreg:$0x4] =	wrdreg $0xC0  }
0xac: {  	_ =	task [dreg:s8], $0x5FFFF  }
0xad: {  	[dreg:$0x1] =	wrdreg $0xFFFFFFFF  }
0xae: {  	[dreg:$0x0] =	wrdreg $0x60  }
0xaf: {  	[dreg:$0x2] =	wrdreg s2  }
0xb0: {  	[dreg:$0x3] =	wrdreg s24  }
0xb1: {  	[dreg:$0x4] =	wrdreg s18  }
0xb2: {  	[dreg:$0x5] =	wrdreg $0x4000  }
0xb3: {  	[dreg:$0x6] =	wrdreg $0x9  }
0xb4: {  	_ =	task.clear_ibuf [dreg:s8], $0x7FFFF;
	_ =	strace $0x90000046  }
0xb5: {  	s29 =	simm.s32 $0x9;
	_ =	strace $0x80000048  }
0xb6: {  	_ =	swait.ge [sflag:s29], $0x1  }
0xb7: {  	[sflag:s29] =	ssyncadd.s32 $0xFFFFFFFF  }
0xb8: {  	_ =	strace $0x90000048  }
0xb9: {  	_ =	sfence  }
0xba: {  	s30 =	sld [smem:$0x0];
	_ =	sdelay $0x2  }
0xbb: {  	s31 =	sshll.u32 s1, $0xD;
	s1 =	sshrl.u32 s1, $0x2  }
0xbc: {  	s3 =	sand.u32 $0x4000, s31;
	s1 =	sadd.s32 s1, s30  }
0xbd: {  	s0 =	sor.u32 s3, s0;
	s1 =	sshll.u32 s1, $0x11  }
0xbe: {  	s0 =	sor.u32 s1, s0  }
0xbf: {  	s0 =	sadd.s32 $0x8F2B, s0  }
0xc0: {  	[sflag:s0] =	ssyncadd.remote.s32 $0x1  }
0xc1: {  	_ =	sfence.sel $0xFFFF  }
0xc2: {  	[dreg:$0x0] =	wrdreg $0xFFFFFFFF;
	(pc) =	sbr.abs _section_cstart, $3  }
0xc3: {  	[dreg:$0x1] =	wrdreg $0xFFFFFFFF  }
0xc4: {  	_ =	task.clear_ibuf [dreg:s8], $0x2FFFF;
	_ =	strace $0x9FFFFFFF  }
0xc5: {  	(tm) =	ssettm $0x7FFFFFFF  }
tec
execute0_lowered:
.L_overlay_start_1:
0x0: {  	(tag) =	ssettag $0x1  }
0x1: {  	s1 =	rddreg [dreg:$0x0]  }
0x2: {  	s0 =	rddreg [dreg:$0x1]  }
0x3: {  	s2 =	rddreg [dreg:$0x2]  }
0x4: {  	s4 =	rddreg [dreg:$0x3];
	s3 =	srdreg.scid  }
0x5: {  	s12 =	stileid.u32;
	s9 =	sand.u32 $0x1, s3;
	s3 =	simm.s32 $0x0  }
0x6: {  	s5 =	sshll.u32 s12, $0xB;
	s10 =	smul.u32 $0x30000, s12;
	s21 =	ssub.s32 $0x2, s9  }
0x7: {  	s6 =	sshll.u32 s9, $0xA;
	[smem:$0x7FF] =	sst s3;
	s7 =	sshrl.u32 s21, $0x1  }
0x8: {  	s8 =	sor.u32 s6, s5;
	_ =	strace $0x80000047;
	s11 =	ssub.s32 s21, s7  }
0x9: {  	s22 =	sshrl.u32 s10, $0x2;
	s23 =	sshll.u32 s8, $0x7;
	s20 =	smax.u32 s11, $0x1  }
0xa: {  	s10 =	sadd.s32 s22, s4;
	s4 =	sadd.s32 s2, s23;
	[dreg:$0x12] =	wrdreg s20  }
0xb: {  	s19 =	sadd.s32 $0x8000, s10;
	[dreg:$0x7] =	wrdreg s4  }
0xc: {  	s6 =	sshrl.u32 s8, $0x3;
	s16 =	sadd.s32 $0x4000, s10;
	[dreg:$0x19] =	wrdreg s19  }
0xd: {  	s0 =	sadd.s32 s6, s0;
	s29 =	sadd.s32 $0x6000, s10;
	[dreg:$0x1f] =	wrdreg s16  }
0xe: {  	s28 =	simm.s32 $0x12C00;
	s0 =	sadd.s32 $0x400, s0;
	[smem:$0x7FD] =	sst s29  }
0xf: {  	s31 =	simm.s32 $0x13C00;
	s24 =	sadd.s32 $0x800, s4;
	[dreg:$0x6] =	wrdreg s0  }
0x10: {  	s30 =	sshll.u32 s12, $0x12;
	s25 =	sadd.s32 $0xC00, s4;
	[dreg:$0x9] =	wrdreg s24  }
0x11: {  	s12 =	sshll.u32 s9, $0x11;
	s26 =	sadd.s32 $0x1000, s4;
	[dreg:$0xa] =	wrdreg s25  }
0x12: {  	s5 =	sadd.s32 $0x100, s1;
	s7 =	sadd.s32 $0x1400, s4;
	[dreg:$0xb] =	wrdreg s26  }
0x13: {  	s8 =	sadd.s32 $0x300, s1;
	s13 =	sadd.s32 $0x1800, s4;
	[dreg:$0xc] =	wrdreg s7  }
0x14: {  	s6 =	sadd.s32 $0x200, s1;
	s14 =	sadd.s32 $0x1C00, s4;
	[dreg:$0xd] =	wrdreg s13  }
0x15: {  	s22 =	sadd.s32 $0x2000, s10;
	s15 =	sadd.s32 $0x1E000, s4;
	[dreg:$0xe] =	wrdreg s14  }
0x16: {  	s11 =	simm.s32 $0xD400;
	s17 =	sadd.s32 $0x1E400, s4;
	[dreg:$0xf] =	wrdreg s15  }
0x17: {  	s18 =	sadd.s32 $0x1E800, s4;
	s21 =	sadd.s32 $0x1EC00, s4;
	[dreg:$0x10] =	wrdreg s17  }
0x18: {  	s23 =	sadd.s32 $0x1F000, s4;
	s20 =	simm.s32 $0xFC00;
	[dreg:$0x11] =	wrdreg s18  }
0x19: {  	s0 =	sadd.s32 $0x400, s4;
	s25 =	sadd.s32 $0xA000, s10;
	[dreg:$0x13] =	wrdreg s21  }
0x1a: {  	[dreg:$0x14] =	wrdreg s23;
	s24 =	sadd.s32 $0x1F400, s4;
	s26 =	sadd.s32 $0x1F800, s4  }
0x1b: {  	s13 =	simm.s32 $0xDC00;
	s15 =	simm.s32 $0xEC00;
	s17 =	simm.s32 $0xF400  }
0x1c: {  	s7 =	simm.s32 $0x10C00;
	s23 =	simm.s32 $0x11400;
	[dreg:$0x8] =	wrdreg s0  }
0x1d: {  	s14 =	simm.s32 $0x11;
	s18 =	simm.s32 $0x12;
	[dreg:$0x15] =	wrdreg s24  }
0x1e: {  	s0 =	sadd.s32 s30, s2;
	[dreg:$0x16] =	wrdreg s26;
	s30 =	sadd.s32 $0x1FC00, s4  }
0x1f: {  	v0 =	vlaneseq.u32;
	s2 =	simm.s32 $0xCC00;
	s26 =	simm.s32 $0x11C00;
	[dreg:$0x18] =	wrdreg s25  }
0x20: {  	v1 =	vshrl.u32 v0, $0x3;
	s24 =	simm.s32 $0x13400;
	s0 =	sadd.s32 s12, s0;
	[dreg:$0x17] =	wrdreg s30  }
0x21: {  	vm0 =	vmmov $0xffff;
	v0 =	vand.u32 $0x7, v0;
	v1 =	vmul.u32 $0x8, v1;
	s4 =	simm.s32 $0x0;
	s12 =	simm.s32 $0x12400;
	[dreg:$0x5] =	wrdreg s0  }
.LBB2_1:
0x22: {  	[dreg:$0x1a] =	wrdreg s4  }
0x23: {  	s0 =	rddreg [dreg:$0x6];
	s30 =	simm.s32 $0x17  }
0x24: {  	[tilespmem:s3], [sflag:$0x17] =	stream.linear.gather [hbm4b:s0+s3], $0x400, $0x38;
	[tilespmem:$0x1C400] =	vst v63  }
0x25: {  	_ =	swait.ge [sflag:s30], $0x400  }
0x26: {  	[sflag:s30] =	ssyncset.done $0x0  }
0x27: {  	s9 =	simm.s32 $0x40;
	s0 =	simm.s32 $0x0;
	[sflag:s30] =	ssyncadd.s32 $0xFFFFFC00  }
.LBB2_2:
0x28: {  	p0 =	sne.s32 s9, $0xFC0;
	v2 =	vld [tilespmem:s0+$0x0];
	_ =	sdelay $0x3  }
.Ltmp0:
0x29: {  	(pc) =	sbr.rel @p0 .LBB2_2-.Ltmp0, $4  }
0x2a: {  	vm1 =	vgt.s32 v2, $0x0  }
0x2b: {  	v2 =	vnsel vm1, $0x0, v2  }
0x2c: {  	v2 =	vmin.u32 v2, $0x1FFF  }
0x2d: {  	[tilespmem:s0+$0x0] =	vst v2;
	s0 =	sshra.s32 s9, $0x2;
	s9 =	sadd.s32 $0x40, s9  }
0x2e: {  	v2 =	vld [tilespmem:s0+$0x0];
	_ =	sdelay $0x4  }
0x2f: {  	vm1 =	vgt.s32 v2, $0x0  }
0x30: {  	v2 =	vnsel vm1, $0x0, v2  }
0x31: {  	v2 =	vmin.u32 v2, $0x1FFF  }
0x32: {  	[tilespmem:s0+$0x0] =	vst v2  }
0x33: {  	v2 =	vld.msk [tilespmem:$0x0], $0xff;
	_ =	sdelay $0x4  }
0x34: {  	v3 =	vshll.u32 v2, $0x3  }
0x35: {  	v2 =	vand.u32 $0x7, v2;
	v3 =	vand.u32 $0xFFFFFFC0, v3  }
0x36: {  	v2 =	vor.u32 v2, v3  }
0x37: {  	v2 =	vperm.xlane v2, v0;
	_ =	sdelay $0x1  }
0x38: {  	v2 =	vadd.s32 v1, v2;
	_ =	sdelay $0x3  }
0x39: {  	s19 =	simm.s32 $0x0;
	s4 =	simm.s32 $0xC400  }
0x3a: {  	[tilespmem:s4], [sflag:$0x1] =	stream.indirect_vreg.gather [hbm4b:s1+s19], $0x80, v2, vm0, $0xb8;
	[tilespmem:$0x1C400] =	vst v63  }
0x3b: {  	_ = 	snop  }
0x3c: {  	[tilespmem:s2], [sflag:$0x1] =	stream.indirect_vreg.gather [hbm4b:s5+s19], $0x80, v2, vm0, $0xb8;
	[tilespmem:$0x1C400] =	vst v63  }
0x3d: {  	_ = 	snop  }
0x3e: {  	[tilespmem:s11], [sflag:$0x1] =	stream.indirect_vreg.gather [hbm4b:s6+s19], $0x80, v2, vm0, $0xb8;
	[tilespmem:$0x1C400] =	vst v63  }
0x3f: {  	_ = 	snop  }
0x40: {  	[tilespmem:s13], [sflag:$0x1] =	stream.indirect_vreg.gather [hbm4b:s8+s19], $0x80, v2, vm0, $0xb8;
	[tilespmem:$0x1C400] =	vst v63  }
0x41: {  	v2 =	vld.msk [tilespmem:$0x8], $0xff;
	_ =	sdelay $0x4  }
0x42: {  	v3 =	vshll.u32 v2, $0x3  }
0x43: {  	v2 =	vand.u32 $0x7, v2;
	v3 =	vand.u32 $0xFFFFFFC0, v3  }
0x44: {  	v2 =	vor.u32 v2, v3  }
0x45: {  	v2 =	vperm.xlane v2, v0;
	_ =	sdelay $0x1  }
0x46: {  	v2 =	vadd.s32 v1, v2;
	_ =	sdelay $0x3  }
0x47: {  	s25 =	simm.s32 $0xE400  }
0x48: {  	[tilespmem:s25], [sflag:$0x2] =	stream.indirect_vreg.gather [hbm4b:s1+s19], $0x80, v2, vm0, $0xb8;
	[tilespmem:$0x1C400] =	vst v63  }
0x49: {  	_ = 	snop  }
0x4a: {  	[tilespmem:s15], [sflag:$0x2] =	stream.indirect_vreg.gather [hbm4b:s5+s19], $0x80, v2, vm0, $0xb8;
	[tilespmem:$0x1C400] =	vst v63  }
0x4b: {  	_ = 	snop  }
0x4c: {  	[tilespmem:s17], [sflag:$0x2] =	stream.indirect_vreg.gather [hbm4b:s6+s19], $0x80, v2, vm0, $0xb8;
	[tilespmem:$0x1C400] =	vst v63  }
0x4d: {  	_ = 	snop  }
0x4e: {  	[tilespmem:s20], [sflag:$0x2] =	stream.indirect_vreg.gather [hbm4b:s8+s19], $0x80, v2, vm0, $0xb8;
	[tilespmem:$0x1C400] =	vst v63  }
0x4f: {  	v2 =	vld.msk [tilespmem:$0x10], $0xff;
	_ =	sdelay $0x4  }
0x50: {  	v3 =	vshll.u32 v2, $0x3  }
0x51: {  	v2 =	vand.u32 $0x7, v2;
	v3 =	vand.u32 $0xFFFFFFC0, v3  }
0x52: {  	v2 =	vor.u32 v2, v3  }
0x53: {  	v2 =	vperm.xlane v2, v0;
	_ =	sdelay $0x1  }
0x54: {  	v2 =	vadd.s32 v1, v2;
	_ =	sdelay $0x3  }
0x55: {  	s30 =	simm.s32 $0x10400  }
0x56: {  	[tilespmem:s30], [sflag:$0x3] =	stream.indirect_vreg.gather [hbm4b:s1+s19], $0x80, v2, vm0, $0xb8;
	[tilespmem:$0x1C400] =	vst v63  }
0x57: {  	_ = 	snop  }
0x58: {  	[tilespmem:s7], [sflag:$0x3] =	stream.indirect_vreg.gather [hbm4b:s5+s19], $0x80, v2, vm0, $0xb8;
	[tilespmem:$0x1C400] =	vst v63  }
0x59: {  	_ = 	snop  }
0x5a: {  	[tilespmem:s23], [sflag:$0x3] =	stream.indirect_vreg.gather [hbm4b:s6+s19], $0x80, v2, vm0, $0xb8;
	[tilespmem:$0x1C400] =	vst v63  }
0x5b: {  	_ = 	snop  }
0x5c: {  	[tilespmem:s26], [sflag:$0x3] =	stream.indirect_vreg.gather [hbm4b:s8+s19], $0x80, v2, vm0, $0xb8;
	[tilespmem:$0x1C400] =	vst v63  }
0x5d: {  	v2 =	vld.msk [tilespmem:$0x18], $0xff;
	_ =	sdelay $0x4  }
0x5e: {  	v3 =	vshll.u32 v2, $0x3  }
0x5f: {  	v2 =	vand.u32 $0x7, v2;
	v3 =	vand.u32 $0xFFFFFFC0, v3  }
0x60: {  	v2 =	vor.u32 v2, v3  }
0x61: {  	v2 =	vperm.xlane v2, v0;
	_ =	sdelay $0x1  }
0x62: {  	v2 =	vadd.s32 v1, v2;
	_ =	sdelay $0x4  }
0x63: {  	[tilespmem:s12], [sflag:$0x4] =	stream.indirect_vreg.gather [hbm4b:s1+s19], $0x80, v2, vm0, $0xb8;
	[tilespmem:$0x1C400] =	vst v63  }
0x64: {  	_ = 	snop  }
0x65: {  	[tilespmem:s28], [sflag:$0x4] =	stream.indirect_vreg.gather [hbm4b:s5+s19], $0x80, v2, vm0, $0xb8;
	[tilespmem:$0x1C400] =	vst v63  }
0x66: {  	_ = 	snop  }
0x67: {  	[tilespmem:s24], [sflag:$0x4] =	stream.indirect_vreg.gather [hbm4b:s6+s19], $0x80, v2, vm0, $0xb8;
	[tilespmem:$0x1C400] =	vst v63  }
0x68: {  	_ = 	snop  }
0x69: {  	[tilespmem:s31], [sflag:$0x4] =	stream.indirect_vreg.gather [hbm4b:s8+s19], $0x80, v2, vm0, $0xb8;
	[tilespmem:$0x1C400] =	vst v63  }
0x6a: {  	v2 =	vld.msk [tilespmem:$0x20], $0xff;
	_ =	sdelay $0x4  }
0x6b: {  	v3 =	vshll.u32 v2, $0x3  }
0x6c: {  	v2 =	vand.u32 $0x7, v2;
	v3 =	vand.u32 $0xFFFFFFC0, v3  }
0x6d: {  	v2 =	vor.u32 v2, v3  }
0x6e: {  	v2 =	vperm.xlane v2, v0;
	_ =	sdelay $0x1  }
0x6f: {  	v2 =	vadd.s32 v1, v2;
	_ =	sdelay $0x3  }
0x70: {  	s24 =	simm.s32 $0x14400  }
0x71: {  	[tilespmem:s24], [sflag:$0x5] =	stream.indirect_vreg.gather [hbm4b:s1+s19], $0x80, v2, vm0, $0xb8;
	[tilespmem:$0x1C400] =	vst v63  }
0x72: {  	s12 =	simm.s32 $0x14C00  }
0x73: {  	[tilespmem:s12], [sflag:$0x5] =	stream.indirect_vreg.gather [hbm4b:s5+s19], $0x80, v2, vm0, $0xb8;
	[tilespmem:$0x1C400] =	vst v63  }
0x74: {  	s16 =	simm.s32 $0x15400  }
0x75: {  	[tilespmem:s16], [sflag:$0x5] =	stream.indirect_vreg.gather [hbm4b:s6+s19], $0x80, v2, vm0, $0xb8;
	[tilespmem:$0x1C400] =	vst v63  }
0x76: {  	s21 =	simm.s32 $0x15C00  }
0x77: {  	[tilespmem:s21], [sflag:$0x5] =	stream.indirect_vreg.gather [hbm4b:s8+s19], $0x80, v2, vm0, $0xb8;
	[tilespmem:$0x1C400] =	vst v63  }
0x78: {  	v2 =	vld.msk [tilespmem:$0x28], $0xff;
	_ =	sdelay $0x4  }
0x79: {  	v3 =	vshll.u32 v2, $0x3  }
0x7a: {  	v2 =	vand.u32 $0x7, v2;
	v3 =	vand.u32 $0xFFFFFFC0, v3  }
0x7b: {  	v2 =	vor.u32 v2, v3  }
0x7c: {  	v2 =	vperm.xlane v2, v0;
	_ =	sdelay $0x1  }
0x7d: {  	v2 =	vadd.s32 v1, v2;
	_ =	sdelay $0x3  }
0x7e: {  	s31 =	simm.s32 $0x16400  }
0x7f: {  	[tilespmem:s31], [sflag:$0x6] =	stream.indirect_vreg.gather [hbm4b:s1+s19], $0x80, v2, vm0, $0xb8;
	[tilespmem:$0x1C400] =	vst v63  }
0x80: {  	s9 =	simm.s32 $0x16C00  }
0x81: {  	[tilespmem:s9], [sflag:$0x6] =	stream.indirect_vreg.gather [hbm4b:s5+s19], $0x80, v2, vm0, $0xb8;
	[tilespmem:$0x1C400] =	vst v63  }
0x82: {  	s12 =	simm.s32 $0x17400  }
0x83: {  	[tilespmem:s12], [sflag:$0x6] =	stream.indirect_vreg.gather [hbm4b:s6+s19], $0x80, v2, vm0, $0xb8;
	[tilespmem:$0x1C400] =	vst v63  }
0x84: {  	s16 =	simm.s32 $0x17C00  }
0x85: {  	[tilespmem:s16], [sflag:$0x6] =	stream.indirect_vreg.gather [hbm4b:s8+s19], $0x80, v2, vm0, $0xb8;
	[tilespmem:$0x1C400] =	vst v63  }
0x86: {  	v2 =	vld.msk [tilespmem:$0x30], $0xff;
	_ =	sdelay $0x4  }
0x87: {  	v3 =	vshll.u32 v2, $0x3  }
0x88: {  	v2 =	vand.u32 $0x7, v2;
	v3 =	vand.u32 $0xFFFFFFC0, v3  }
0x89: {  	v2 =	vor.u32 v2, v3  }
0x8a: {  	v2 =	vperm.xlane v2, v0;
	_ =	sdelay $0x1  }
0x8b: {  	v2 =	vadd.s32 v1, v2;
	_ =	sdelay $0x3  }
0x8c: {  	s21 =	simm.s32 $0x18400  }
0x8d: {  	[tilespmem:s21], [sflag:$0x7] =	stream.indirect_vreg.gather [hbm4b:s1+s19], $0x80, v2, vm0, $0xb8;
	[tilespmem:$0x1C400] =	vst v63  }
0x8e: {  	s31 =	simm.s32 $0x18C00  }
0x8f: {  	[tilespmem:s31], [sflag:$0x7] =	stream.indirect_vreg.gather [hbm4b:s5+s19], $0x80, v2, vm0, $0xb8;
	[tilespmem:$0x1C400] =	vst v63  }
0x90: {  	s9 =	simm.s32 $0x19400  }
0x91: {  	[tilespmem:s9], [sflag:$0x7] =	stream.indirect_vreg.gather [hbm4b:s6+s19], $0x80, v2, vm0, $0xb8;
	[tilespmem:$0x1C400] =	vst v63  }
0x92: {  	s12 =	simm.s32 $0x19C00  }
0x93: {  	[tilespmem:s12], [sflag:$0x7] =	stream.indirect_vreg.gather [hbm4b:s8+s19], $0x80, v2, vm0, $0xb8;
	[tilespmem:$0x1C400] =	vst v63  }
0x94: {  	v2 =	vld.msk [tilespmem:$0x38], $0xff;
	_ =	sdelay $0x4  }
0x95: {  	v3 =	vshll.u32 v2, $0x3  }
0x96: {  	v2 =	vand.u32 $0x7, v2;
	v3 =	vand.u32 $0xFFFFFFC0, v3  }
0x97: {  	v2 =	vor.u32 v2, v3  }
0x98: {  	v2 =	vperm.xlane v2, v0;
	_ =	sdelay $0x1  }
0x99: {  	v2 =	vadd.s32 v1, v2;
	_ =	sdelay $0x3  }
0x9a: {  	s16 =	simm.s32 $0x1A400  }
0x9b: {  	[tilespmem:s16], [sflag:$0x8] =	stream.indirect_vreg.gather [hbm4b:s1+s19], $0x80, v2, vm0, $0xb8;
	[tilespmem:$0x1C400] =	vst v63  }
0x9c: {  	s21 =	simm.s32 $0x1AC00  }
0x9d: {  	[tilespmem:s21], [sflag:$0x8] =	stream.indirect_vreg.gather [hbm4b:s5+s19], $0x80, v2, vm0, $0xb8;
	[tilespmem:$0x1C400] =	vst v63  }
0x9e: {  	s31 =	simm.s32 $0x1B400  }
0x9f: {  	[tilespmem:s31], [sflag:$0x8] =	stream.indirect_vreg.gather [hbm4b:s6+s19], $0x80, v2, vm0, $0xb8;
	[tilespmem:$0x1C400] =	vst v63  }
0xa0: {  	s9 =	simm.s32 $0x1BC00;
	s12 =	simm.s32 $0x1  }
0xa1: {  	[tilespmem:s9], [sflag:$0x8] =	stream.indirect_vreg.gather [hbm4b:s8+s19], $0x80, v2, vm0, $0xb8;
	[tilespmem:$0x1C400] =	vst v63  }
0xa2: {  	_ =	swait.ge [sflag:s12], $0x2000  }
0xa3: {  	[sflag:s12] =	ssyncset.done $0x0  }
0xa4: {  	s16 =	stileid.u32;
	s9 =	simm.s32 $0x9;
	[sflag:s12] =	ssyncadd.s32 $0xFFFFE000  }
0xa5: {  	[spmem:s10] =	stream.linear.scatter [tilespmem:s4], [sflag:$0x9], $0x2000, $0x38;
	[tilespmem:$0x1C400] =	vst v63  }
0xa6: {  	s12 =	sshll.u32 s16, $0x6;
	_ =	swait.ge [sflag:s9], $0x2000  }
0xa7: {  	s16 =	sor.u32 $0x1C11, s12;
	[sflag:s9] =	ssyncset.done $0x0  }
0xa8: {  	s21 =	rddreg [dreg:$0x7];
	[sflag:s9] =	ssyncadd.s32 $0xFFFFE000;
	s9 =	sshrl.u32 s10, $0x3  }
0xa9: {  	[hbm:s21], [sflag:s16] =	dma.local [spmem:s9], $0x400  }
0xaa: {  	v2 =	vld.msk [tilespmem:$0x40], $0xff;
	_ =	sdelay $0x4  }
0xab: {  	v3 =	vshll.u32 v2, $0x3  }
0xac: {  	v2 =	vand.u32 $0x7, v2;
	v3 =	vand.u32 $0xFFFFFFC0, v3  }
0xad: {  	v2 =	vor.u32 v2, v3  }
0xae: {  	v2 =	vperm.xlane v2, v0;
	_ =	sdelay $0x1  }
0xaf: {  	v2 =	vadd.s32 v1, v2;
	_ =	sdelay $0x4  }
0xb0: {  	[tilespmem:s4], [sflag:$0x1] =	stream.indirect_vreg.gather [hbm4b:s1+s19], $0x80, v2, vm0, $0xb8;
	[tilespmem:$0x1C400] =	vst v63  }
0xb1: {  	_ = 	snop  }
0xb2: {  	[tilespmem:s2], [sflag:$0x1] =	stream.indirect_vreg.gather [hbm4b:s5+s19], $0x80, v2, vm0, $0xb8;
	[tilespmem:$0x1C400] =	vst v63  }
0xb3: {  	_ = 	snop  }
0xb4: {  	[tilespmem:s11], [sflag:$0x1] =	stream.indirect_vreg.gather [hbm4b:s6+s19], $0x80, v2, vm0, $0xb8;
	[tilespmem:$0x1C400] =	vst v63  }
0xb5: {  	s4 =	simm.s32 $0x2  }
0xb6: {  	[tilespmem:s13], [sflag:$0x1] =	stream.indirect_vreg.gather [hbm4b:s8+s19], $0x80, v2, vm0, $0xb8;
	[tilespmem:$0x1C400] =	vst v63  }
0xb7: {  	_ =	swait.ge [sflag:s4], $0x2000  }
0xb8: {  	[sflag:s4] =	ssyncset.done $0x0  }
0xb9: {  	s11 =	simm.s32 $0xA;
	[sflag:s4] =	ssyncadd.s32 $0xFFFFE000  }
0xba: {  	[spmem:s22] =	stream.linear.scatter [tilespmem:s25], [sflag:$0xA], $0x2000, $0x38;
	[tilespmem:$0x1C400] =	vst v63  }
0xbb: {  	_ =	swait.ge [sflag:s11], $0x2000  }
0xbc: {  	s0 =	sor.u32 $0x1C12, s12;
	[sflag:s11] =	ssyncset.done $0x0  }
0xbd: {  	s21 =	sshrl.u32 s22, $0x3;
	s13 =	rddreg [dreg:$0x8];
	[sflag:s11] =	ssyncadd.s32 $0xFFFFE000  }
0xbe: {  	[hbm:s13], [sflag:s0] =	dma.local [spmem:s21], $0x400  }
0xbf: {  	v2 =	vld.msk [tilespmem:$0x48], $0xff;
	_ =	sdelay $0x4  }
0xc0: {  	v3 =	vshll.u32 v2, $0x3  }
0xc1: {  	v2 =	vand.u32 $0x7, v2;
	v3 =	vand.u32 $0xFFFFFFC0, v3  }
0xc2: {  	v2 =	vor.u32 v2, v3  }
0xc3: {  	v2 =	vperm.xlane v2, v0;
	_ =	sdelay $0x1  }
0xc4: {  	v2 =	vadd.s32 v1, v2;
	_ =	sdelay $0x4  }
0xc5: {  	[tilespmem:s25], [sflag:$0x2] =	stream.indirect_vreg.gather [hbm4b:s1+s19], $0x80, v2, vm0, $0xb8;
	[tilespmem:$0x1C400] =	vst v63  }
0xc6: {  	_ = 	snop  }
0xc7: {  	[tilespmem:s15], [sflag:$0x2] =	stream.indirect_vreg.gather [hbm4b:s5+s19], $0x80, v2, vm0, $0xb8;
	[tilespmem:$0x1C400] =	vst v63  }
0xc8: {  	_ = 	snop  }
0xc9: {  	[tilespmem:s17], [sflag:$0x2] =	stream.indirect_vreg.gather [hbm4b:s6+s19], $0x80, v2, vm0, $0xb8;
	[tilespmem:$0x1C400] =	vst v63  }
0xca: {  	s15 =	simm.s32 $0x3  }
0xcb: {  	[tilespmem:s20], [sflag:$0x2] =	stream.indirect_vreg.gather [hbm4b:s8+s19], $0x80, v2, vm0, $0xb8;
	[tilespmem:$0x1C400] =	vst v63  }
0xcc: {  	_ =	swait.ge [sflag:s15], $0x2000  }
0xcd: {  	[sflag:s15] =	ssyncset.done $0x0  }
0xce: {  	s20 =	simm.s32 $0xB;
	s17 =	rddreg [dreg:$0x1f];
	[sflag:s15] =	ssyncadd.s32 $0xFFFFE000  }
0xcf: {  	[spmem:s17] =	stream.linear.scatter [tilespmem:s30], [sflag:$0xB], $0x2000, $0x38;
	[tilespmem:$0x1C400] =	vst v63  }
0xd0: {  	_ =	swait.ge [sflag:s20], $0x2000  }
0xd1: {  	s25 =	sor.u32 $0x1C13, s12;
	s11 =	rddreg [dreg:$0x9]  }
0xd2: {  	s2 =	sshrl.u32 s17, $0x3;
	[sflag:s20] =	ssyncset.done $0x0;
	[smem:$0x7F5] =	sst s25  }
0xd3: {  	[smem:$0x7F6] =	sst s2;
	[sflag:s20] =	ssyncadd.s32 $0xFFFFE000  }
0xd4: {  	[hbm:s11], [sflag:s25] =	dma.local [spmem:s2], $0x400  }
0xd5: {  	v2 =	vld.msk [tilespmem:$0x50], $0xff;
	_ =	sdelay $0x4  }
0xd6: {  	v3 =	vshll.u32 v2, $0x3  }
0xd7: {  	v2 =	vand.u32 $0x7, v2;
	v3 =	vand.u32 $0xFFFFFFC0, v3  }
0xd8: {  	v2 =	vor.u32 v2, v3  }
0xd9: {  	v2 =	vperm.xlane v2, v0;
	_ =	sdelay $0x1  }
0xda: {  	v2 =	vadd.s32 v1, v2;
	_ =	sdelay $0x4  }
0xdb: {  	[tilespmem:s30], [sflag:$0x3] =	stream.indirect_vreg.gather [hbm4b:s1+s19], $0x80, v2, vm0, $0xb8;
	[tilespmem:$0x1C400] =	vst v63  }
0xdc: {  	_ = 	snop  }
0xdd: {  	[tilespmem:s7], [sflag:$0x3] =	stream.indirect_vreg.gather [hbm4b:s5+s19], $0x80, v2, vm0, $0xb8;
	[tilespmem:$0x1C400] =	vst v63  }
0xde: {  	_ = 	snop  }
0xdf: {  	[tilespmem:s23], [sflag:$0x3] =	stream.indirect_vreg.gather [hbm4b:s6+s19], $0x80, v2, vm0, $0xb8;
	[tilespmem:$0x1C400] =	vst v63  }
0xe0: {  	s13 =	simm.s32 $0x4  }
0xe1: {  	[tilespmem:s26], [sflag:$0x3] =	stream.indirect_vreg.gather [hbm4b:s8+s19], $0x80, v2, vm0, $0xb8;
	[tilespmem:$0x1C400] =	vst v63  }
0xe2: {  	_ =	swait.ge [sflag:s13], $0x2000  }
0xe3: {  	[sflag:s13] =	ssyncset.done $0x0  }
0xe4: {  	s31 =	simm.s32 $0x12400;
	s15 =	simm.s32 $0xC;
	[sflag:s13] =	ssyncadd.s32 $0xFFFFE000  }
0xe5: {  	[spmem:s29] =	stream.linear.scatter [tilespmem:s31], [sflag:$0xC], $0x2000, $0x38;
	[tilespmem:$0x1C400] =	vst v63  }
0xe6: {  	_ =	swait.ge [sflag:s15], $0x2000  }
0xe7: {  	s17 =	sor.u32 $0x1C14, s12;
	s23 =	rddreg [dreg:$0xa]  }
0xe8: {  	s20 =	sshrl.u32 s29, $0x3;
	[sflag:s15] =	ssyncset.done $0x0;
	[smem:$0x7F7] =	sst s17  }
0xe9: {  	[smem:$0x7F8] =	sst s20;
	[sflag:s15] =	ssyncadd.s32 $0xFFFFE000  }
0xea: {  	[hbm:s23], [sflag:s17] =	dma.local [spmem:s20], $0x400  }
0xeb: {  	v2 =	vld.msk [tilespmem:$0x58], $0xff;
	_ =	sdelay $0x4  }
0xec: {  	v3 =	vshll.u32 v2, $0x3  }
0xed: {  	v2 =	vand.u32 $0x7, v2;
	v3 =	vand.u32 $0xFFFFFFC0, v3  }
0xee: {  	v2 =	vor.u32 v2, v3  }
0xef: {  	v2 =	vperm.xlane v2, v0;
	_ =	sdelay $0x1  }
0xf0: {  	v2 =	vadd.s32 v1, v2;
	_ =	sdelay $0x4  }
0xf1: {  	[tilespmem:s31], [sflag:$0x4] =	stream.indirect_vreg.gather [hbm4b:s1+s19], $0x80, v2, vm0, $0xb8;
	[tilespmem:$0x1C400] =	vst v63  }
0xf2: {  	_ = 	snop  }
0xf3: {  	[tilespmem:s28], [sflag:$0x4] =	stream.indirect_vreg.gather [hbm4b:s5+s19], $0x80, v2, vm0, $0xb8;
	[tilespmem:$0x1C400] =	vst v63  }
0xf4: {  	s25 =	simm.s32 $0x13400  }
0xf5: {  	[tilespmem:s25], [sflag:$0x4] =	stream.indirect_vreg.gather [hbm4b:s6+s19], $0x80, v2, vm0, $0xb8;
	[tilespmem:$0x1C400] =	vst v63  }
0xf6: {  	s26 =	simm.s32 $0x13C00;
	s28 =	simm.s32 $0x5  }
0xf7: {  	[tilespmem:s26], [sflag:$0x4] =	stream.indirect_vreg.gather [hbm4b:s8+s19], $0x80, v2, vm0, $0xb8;
	[tilespmem:$0x1C400] =	vst v63  }
0xf8: {  	_ =	swait.ge [sflag:s28], $0x2000  }
0xf9: {  	[sflag:s28] =	ssyncset.done $0x0  }
0xfa: {  	s31 =	simm.s32 $0xD;
	s30 =	rddreg [dreg:$0x19];
	[sflag:s28] =	ssyncadd.s32 $0xFFFFE000  }
0xfb: {  	[spmem:s30] =	stream.linear.scatter [tilespmem:s24], [sflag:$0xD], $0x2000, $0x38;
	[tilespmem:$0x1C400] =	vst v63  }
0xfc: {  	_ =	swait.ge [sflag:s31], $0x2000  }
0xfd: {  	s7 =	sor.u32 $0x1C15, s12;
	s13 =	rddreg [dreg:$0xb]  }
0xfe: {  	s11 =	sshrl.u32 s30, $0x3;
	[sflag:s31] =	ssyncset.done $0x0;
	[smem:$0x7F9] =	sst s7  }
0xff: {  	[smem:$0x7FA] =	sst s11;
	[sflag:s31] =	ssyncadd.s32 $0xFFFFE000  }
0x100: {  	[hbm:s13], [sflag:s7] =	dma.local [spmem:s11], $0x400  }
0x101: {  	v2 =	vld.msk [tilespmem:$0x60], $0xff;
	_ =	sdelay $0x4  }
0x102: {  	v3 =	vshll.u32 v2, $0x3  }
0x103: {  	v2 =	vand.u32 $0x7, v2;
	v3 =	vand.u32 $0xFFFFFFC0, v3  }
0x104: {  	v2 =	vor.u32 v2, v3  }
0x105: {  	v2 =	vperm.xlane v2, v0;
	_ =	sdelay $0x1  }
0x106: {  	v2 =	vadd.s32 v1, v2;
	_ =	sdelay $0x4  }
0x107: {  	[tilespmem:s24], [sflag:$0x5] =	stream.indirect_vreg.gather [hbm4b:s1+s19], $0x80, v2, vm0, $0xb8;
	[tilespmem:$0x1C400] =	vst v63  }
0x108: {  	s15 =	simm.s32 $0x14C00  }
0x109: {  	[tilespmem:s15], [sflag:$0x5] =	stream.indirect_vreg.gather [hbm4b:s5+s19], $0x80, v2, vm0, $0xb8;
	[tilespmem:$0x1C400] =	vst v63  }
0x10a: {  	s17 =	simm.s32 $0x15400  }
0x10b: {  	[tilespmem:s17], [sflag:$0x5] =	stream.indirect_vreg.gather [hbm4b:s6+s19], $0x80, v2, vm0, $0xb8;
	[tilespmem:$0x1C400] =	vst v63  }
0x10c: {  	s20 =	simm.s32 $0x15C00;
	s23 =	simm.s32 $0x6  }
0x10d: {  	[tilespmem:s20], [sflag:$0x5] =	stream.indirect_vreg.gather [hbm4b:s8+s19], $0x80, v2, vm0, $0xb8;
	[tilespmem:$0x1C400] =	vst v63  }
0x10e: {  	_ =	swait.ge [sflag:s23], $0x2000  }
0x10f: {  	s25 =	simm.s32 $0x16400;
	[sflag:s23] =	ssyncset.done $0x0  }
0x110: {  	s26 =	simm.s32 $0xE;
	s24 =	rddreg [dreg:$0x18];
	[sflag:s23] =	ssyncadd.s32 $0xFFFFE000  }
0x111: {  	[spmem:s24] =	stream.linear.scatter [tilespmem:s25], [sflag:$0xE], $0x2000, $0x38;
	[tilespmem:$0x1C400] =	vst v63  }
0x112: {  	_ =	swait.ge [sflag:s26], $0x2000  }
0x113: {  	s28 =	sor.u32 $0x1C16, s12;
	s31 =	rddreg [dreg:$0xc]  }
0x114: {  	s30 =	sshrl.u32 s24, $0x3;
	[sflag:s26] =	ssyncset.done $0x0;
	[smem:$0x7FB] =	sst s28  }
0x115: {  	[smem:$0x7FC] =	sst s30;
	[sflag:s26] =	ssyncadd.s32 $0xFFFFE000  }
0x116: {  	[hbm:s31], [sflag:s28] =	dma.local [spmem:s30], $0x400  }
0x117: {  	v2 =	vld.msk [tilespmem:$0x68], $0xff;
	_ =	sdelay $0x4  }
0x118: {  	v3 =	vshll.u32 v2, $0x3  }
0x119: {  	v2 =	vand.u32 $0x7, v2;
	v3 =	vand.u32 $0xFFFFFFC0, v3  }
0x11a: {  	v2 =	vor.u32 v2, v3  }
0x11b: {  	v2 =	vperm.xlane v2, v0;
	_ =	sdelay $0x1  }
0x11c: {  	v2 =	vadd.s32 v1, v2;
	_ =	sdelay $0x4  }
0x11d: {  	[tilespmem:s25], [sflag:$0x6] =	stream.indirect_vreg.gather [hbm4b:s1+s19], $0x80, v2, vm0, $0xb8;
	[tilespmem:$0x1C400] =	vst v63  }
0x11e: {  	s4 =	simm.s32 $0x16C00  }
0x11f: {  	[tilespmem:s4], [sflag:$0x6] =	stream.indirect_vreg.gather [hbm4b:s5+s19], $0x80, v2, vm0, $0xb8;
	[tilespmem:$0x1C400] =	vst v63  }
0x120: {  	s7 =	simm.s32 $0x17400  }
0x121: {  	[tilespmem:s7], [sflag:$0x6] =	stream.indirect_vreg.gather [hbm4b:s6+s19], $0x80, v2, vm0, $0xb8;
	[tilespmem:$0x1C400] =	vst v63  }
0x122: {  	s12 =	simm.s32 $0x7;
	s11 =	simm.s32 $0x17C00  }
0x123: {  	[tilespmem:s11], [sflag:$0x6] =	stream.indirect_vreg.gather [hbm4b:s8+s19], $0x80, v2, vm0, $0xb8;
	[tilespmem:$0x1C400] =	vst v63  }
0x124: {  	_ =	swait.ge [sflag:s12], $0x2000  }
0x125: {  	[sflag:s12] =	ssyncset.done $0x0  }
0x126: {  	[sflag:s12] =	ssyncadd.s32 $0xFFFFE000  }
0x127: {  	_ =	swait.ge [sflag:s14], $0x400  }
0x128: {  	[sflag:s14] =	ssyncset.done $0x0  }
0x129: {  	s13 =	simm.s32 $0x18400;
	s15 =	simm.s32 $0xF;
	[sflag:s14] =	ssyncadd.s32 $0xFFFFFC00  }
0x12a: {  	[spmem:s10] =	stream.linear.scatter [tilespmem:s13], [sflag:$0xF], $0x2000, $0x38;
	[tilespmem:$0x1C400] =	vst v63  }
0x12b: {  	_ =	swait.ge [sflag:s15], $0x2000;
	[dreg:$0x1b] =	wrdreg s16  }
0x12c: {  	[dreg:$0x1c] =	wrdreg s9;
	[sflag:s15] =	ssyncset.done $0x0  }
0x12d: {  	s17 =	rddreg [dreg:$0xd];
	[sflag:s15] =	ssyncadd.s32 $0xFFFFE000  }
0x12e: {  	[hbm:s17], [sflag:s16] =	dma.local [spmem:s9], $0x400  }
0x12f: {  	v2 =	vld.msk [tilespmem:$0x70], $0xff;
	_ =	sdelay $0x4  }
0x130: {  	v3 =	vshll.u32 v2, $0x3  }
0x131: {  	v2 =	vand.u32 $0x7, v2;
	v3 =	vand.u32 $0xFFFFFFC0, v3  }
0x132: {  	v2 =	vor.u32 v2, v3  }
0x133: {  	v2 =	vperm.xlane v2, v0;
	_ =	sdelay $0x1  }
0x134: {  	v2 =	vadd.s32 v1, v2;
	_ =	sdelay $0x4  }
0x135: {  	[tilespmem:s13], [sflag:$0x7] =	stream.indirect_vreg.gather [hbm4b:s1+s19], $0x80, v2, vm0, $0xb8;
	[tilespmem:$0x1C400] =	vst v63  }
0x136: {  	s20 =	simm.s32 $0x18C00  }
0x137: {  	[tilespmem:s20], [sflag:$0x7] =	stream.indirect_vreg.gather [hbm4b:s5+s19], $0x80, v2, vm0, $0xb8;
	[tilespmem:$0x1C400] =	vst v63  }
0x138: {  	s23 =	simm.s32 $0x19400  }
0x139: {  	[tilespmem:s23], [sflag:$0x7] =	stream.indirect_vreg.gather [hbm4b:s6+s19], $0x80, v2, vm0, $0xb8;
	[tilespmem:$0x1C400] =	vst v63  }
0x13a: {  	s24 =	simm.s32 $0x19C00;
	s4 =	simm.s32 $0x8  }
0x13b: {  	[tilespmem:s24], [sflag:$0x7] =	stream.indirect_vreg.gather [hbm4b:s8+s19], $0x80, v2, vm0, $0xb8;
	[tilespmem:$0x1C400] =	vst v63  }
0x13c: {  	_ =	swait.ge [sflag:s4], $0x2000  }
0x13d: {  	[sflag:s4] =	ssyncset.done $0x0  }
0x13e: {  	[sflag:s4] =	ssyncadd.s32 $0xFFFFE000  }
0x13f: {  	_ =	swait.ge [sflag:s18], $0x400  }
0x140: {  	[sflag:s18] =	ssyncset.done $0x0  }
0x141: {  	s25 =	simm.s32 $0x1A400;
	s13 =	simm.s32 $0x10;
	[sflag:s18] =	ssyncadd.s32 $0xFFFFFC00  }
0x142: {  	[spmem:s22] =	stream.linear.scatter [tilespmem:s25], [sflag:$0x10], $0x2000, $0x38;
	[tilespmem:$0x1C400] =	vst v63  }
0x143: {  	_ =	swait.ge [sflag:s13], $0x2000;
	[dreg:$0x1d] =	wrdreg s0  }
0x144: {  	[dreg:$0x1e] =	wrdreg s21;
	[sflag:s13] =	ssyncset.done $0x0  }
0x145: {  	s26 =	rddreg [dreg:$0xe];
	[sflag:s13] =	ssyncadd.s32 $0xFFFFE000  }
0x146: {  	[hbm:s26], [sflag:s0] =	dma.local [spmem:s21], $0x400  }
0x147: {  	v2 =	vld.msk [tilespmem:$0x78], $0xff;
	_ =	sdelay $0x4  }
0x148: {  	v3 =	vshll.u32 v2, $0x3  }
0x149: {  	v2 =	vand.u32 $0x7, v2;
	v3 =	vand.u32 $0xFFFFFFC0, v3  }
0x14a: {  	v2 =	vor.u32 v2, v3  }
0x14b: {  	v2 =	vperm.xlane v2, v0;
	_ =	sdelay $0x1  }
0x14c: {  	v2 =	vadd.s32 v1, v2;
	_ =	sdelay $0x4  }
0x14d: {  	[tilespmem:s25], [sflag:$0x8] =	stream.indirect_vreg.gather [hbm4b:s1+s19], $0x80, v2, vm0, $0xb8;
	[tilespmem:$0x1C400] =	vst v63  }
0x14e: {  	s2 =	simm.s32 $0x15;
	s28 =	simm.s32 $0x1AC00  }
0x14f: {  	[tilespmem:s28], [sflag:$0x8] =	stream.indirect_vreg.gather [hbm4b:s5+s19], $0x80, v2, vm0, $0xb8;
	[tilespmem:$0x1C400] =	vst v63  }
0x150: {  	s29 =	simm.s32 $0xB8;
	s30 =	simm.s32 $0x1B400;
	s31 =	simm.s32 $0x1BC00  }
0x151: {  	[tilespmem:s30], [sflag:$0x8] =	stream.indirect_vreg.gather [hbm4b:s6+s19], $0x80, v2, vm0, $0xb8;
	[tilespmem:$0x1C400] =	vst v63  }
0x152: {  	s20 =	simm.s32 $0x14;
	s21 =	simm.s32 $0x16;
	s25 =	simm.s32 $0x13  }
0x153: {  	[tilespmem:s31], [sflag:$0x8] =	stream.indirect_vreg.gather [hbm4b:s8+s19], $0x80, v2, vm0, $0xb8;
	[tilespmem:$0x1C400] =	vst v63  }
.LBB2_4:
0x154: {  	s0 =	simm.s32 $0x1  }
0x155: {  	_ =	swait.ge [sflag:s0], $0x2000  }
0x156: {  	[sflag:s0] =	ssyncset.done $0x0  }
0x157: {  	[sflag:s0] =	ssyncadd.s32 $0xFFFFE000  }
0x158: {  	_ =	swait.ge [sflag:s14], $0x400  }
0x159: {  	[sflag:s14] =	ssyncset.done $0x0  }
0x15a: {  	s17 =	simm.s32 $0xC400;
	s26 =	simm.s32 $0x9;
	[sflag:s14] =	ssyncadd.s32 $0xFFFFFC00  }
0x15b: {  	[spmem:s10] =	stream.linear.scatter [tilespmem:s17], [sflag:$0x9], $0x2000, $0x38;
	[tilespmem:$0x1C400] =	vst v63  }
0x15c: {  	_ =	swait.ge [sflag:s26], $0x2000  }
0x15d: {  	s12 =	rddreg [dreg:$0x5]  }
0x15e: {  	[sflag:s26] =	ssyncset.done $0x0;
	s9 =	rddreg [dreg:$0x1c];
	s12 =	sadd.s32 s19, s12  }
0x15f: {  	[sflag:s26] =	ssyncadd.s32 $0xFFFFE000;
	s26 =	rddreg [dreg:$0x1b];
	s16 =	sadd.s32 $0x2000, s12  }
0x160: {  	[hbm:s16], [sflag:s26] =	dma.local [spmem:s9], $0x400  }
0x161: {  	v2 =	vld.msk [tilespmem:s29+$0xFFFFFFC8], $0xff;
	_ =	sdelay $0x4  }
0x162: {  	v3 =	vshll.u32 v2, $0x3  }
0x163: {  	v2 =	vand.u32 $0x7, v2;
	v3 =	vand.u32 $0xFFFFFFC0, v3  }
0x164: {  	v2 =	vor.u32 v2, v3  }
0x165: {  	v2 =	vperm.xlane v2, v0;
	_ =	sdelay $0x1  }
0x166: {  	v2 =	vadd.s32 v1, v2;
	_ =	sdelay $0x4  }
0x167: {  	[tilespmem:s17], [sflag:$0x1] =	stream.indirect_vreg.gather [hbm4b:s1+s3], $0x80, v2, vm0, $0xb8;
	[tilespmem:$0x1C400] =	vst v63  }
0x168: {  	s30 =	simm.s32 $0xCC00  }
0x169: {  	[tilespmem:s30], [sflag:$0x1] =	stream.indirect_vreg.gather [hbm4b:s5+s3], $0x80, v2, vm0, $0xb8;
	[tilespmem:$0x1C400] =	vst v63  }
0x16a: {  	s7 =	simm.s32 $0xD400  }
0x16b: {  	[tilespmem:s7], [sflag:$0x1] =	stream.indirect_vreg.gather [hbm4b:s6+s3], $0x80, v2, vm0, $0xb8;
	[tilespmem:$0x1C400] =	vst v63  }
0x16c: {  	s15 =	simm.s32 $0xDC00;
	s16 =	simm.s32 $0x2  }
0x16d: {  	[tilespmem:s15], [sflag:$0x1] =	stream.indirect_vreg.gather [hbm4b:s8+s3], $0x80, v2, vm0, $0xb8;
	[tilespmem:$0x1C400] =	vst v63  }
0x16e: {  	_ =	swait.ge [sflag:s16], $0x2000  }
0x16f: {  	[sflag:s16] =	ssyncset.done $0x0  }
0x170: {  	[sflag:s16] =	ssyncadd.s32 $0xFFFFE000  }
0x171: {  	_ =	swait.ge [sflag:s18], $0x400  }
0x172: {  	[sflag:s18] =	ssyncset.done $0x0  }
0x173: {  	s23 =	simm.s32 $0xE400;
	s17 =	simm.s32 $0xA;
	[sflag:s18] =	ssyncadd.s32 $0xFFFFFC00  }
0x174: {  	[spmem:s22] =	stream.linear.scatter [tilespmem:s23], [sflag:$0xA], $0x2000, $0x38;
	[tilespmem:$0x1C400] =	vst v63  }
0x175: {  	_ =	swait.ge [sflag:s17], $0x2000  }
0x176: {  	[sflag:s17] =	ssyncset.done $0x0;
	s0 =	rddreg [dreg:$0x1d]  }
0x177: {  	s24 =	sadd.s32 $0x2400, s12;
	s15 =	rddreg [dreg:$0x1e];
	[sflag:s17] =	ssyncadd.s32 $0xFFFFE000  }
0x178: {  	[hbm:s24], [sflag:s0] =	dma.local [spmem:s15], $0x400  }
0x179: {  	v2 =	vld.msk [tilespmem:s29+$0xFFFFFFD0], $0xff;
	_ =	sdelay $0x4  }
0x17a: {  	v3 =	vshll.u32 v2, $0x3  }
0x17b: {  	v2 =	vand.u32 $0x7, v2;
	v3 =	vand.u32 $0xFFFFFFC0, v3  }
0x17c: {  	v2 =	vor.u32 v2, v3  }
0x17d: {  	v2 =	vperm.xlane v2, v0;
	_ =	sdelay $0x1  }
0x17e: {  	v2 =	vadd.s32 v1, v2;
	_ =	sdelay $0x4  }
0x17f: {  	[tilespmem:s23], [sflag:$0x2] =	stream.indirect_vreg.gather [hbm4b:s1+s3], $0x80, v2, vm0, $0xb8;
	[tilespmem:$0x1C400] =	vst v63  }
0x180: {  	s7 =	simm.s32 $0xEC00  }
0x181: {  	[tilespmem:s7], [sflag:$0x2] =	stream.indirect_vreg.gather [hbm4b:s5+s3], $0x80, v2, vm0, $0xb8;
	[tilespmem:$0x1C400] =	vst v63  }
0x182: {  	s30 =	simm.s32 $0xF400  }
0x183: {  	[tilespmem:s30], [sflag:$0x2] =	stream.indirect_vreg.gather [hbm4b:s6+s3], $0x80, v2, vm0, $0xb8;
	[tilespmem:$0x1C400] =	vst v63  }
0x184: {  	s16 =	simm.s32 $0xFC00;
	s23 =	simm.s32 $0x3  }
0x185: {  	[tilespmem:s16], [sflag:$0x2] =	stream.indirect_vreg.gather [hbm4b:s8+s3], $0x80, v2, vm0, $0xb8;
	[tilespmem:$0x1C400] =	vst v63  }
0x186: {  	_ =	swait.ge [sflag:s23], $0x2000  }
0x187: {  	[sflag:s23] =	ssyncset.done $0x0  }
0x188: {  	[sflag:s23] =	ssyncadd.s32 $0xFFFFE000  }
0x189: {  	_ =	swait.ge [sflag:s25], $0x400  }
0x18a: {  	s7 =	simm.s32 $0x10400;
	[sflag:s25] =	ssyncset.done $0x0  }
0x18b: {  	s30 =	simm.s32 $0xB;
	s24 =	rddreg [dreg:$0x1f];
	[sflag:s25] =	ssyncadd.s32 $0xFFFFFC00  }
0x18c: {  	[spmem:s24] =	stream.linear.scatter [tilespmem:s7], [sflag:$0xB], $0x2000, $0x38;
	[tilespmem:$0x1C400] =	vst v63  }
0x18d: {  	_ =	swait.ge [sflag:s30], $0x2000  }
0x18e: {  	[sflag:s30] =	ssyncset.done $0x0;
	s24 =	sld [smem:$0x7F6]  }
0x18f: {  	[sflag:s30] =	ssyncadd.s32 $0xFFFFE000;
	s30 =	sld [smem:$0x7F5];
	_ =	sdelay $0x1  }
0x190: {  	s23 =	sadd.s32 $0x2800, s12  }
0x191: {  	[hbm:s23], [sflag:s30] =	dma.local [spmem:s24], $0x400  }
0x192: {  	v2 =	vld.msk [tilespmem:s29+$0xFFFFFFD8], $0xff;
	_ =	sdelay $0x4  }
0x193: {  	v3 =	vshll.u32 v2, $0x3  }
0x194: {  	v2 =	vand.u32 $0x7, v2;
	v3 =	vand.u32 $0xFFFFFFC0, v3  }
0x195: {  	v2 =	vor.u32 v2, v3  }
0x196: {  	v2 =	vperm.xlane v2, v0;
	_ =	sdelay $0x1  }
0x197: {  	v2 =	vadd.s32 v1, v2;
	_ =	sdelay $0x4  }
0x198: {  	[tilespmem:s7], [sflag:$0x3] =	stream.indirect_vreg.gather [hbm4b:s1+s3], $0x80, v2, vm0, $0xb8;
	[tilespmem:$0x1C400] =	vst v63  }
0x199: {  	s16 =	simm.s32 $0x10C00  }
0x19a: {  	[tilespmem:s16], [sflag:$0x3] =	stream.indirect_vreg.gather [hbm4b:s5+s3], $0x80, v2, vm0, $0xb8;
	[tilespmem:$0x1C400] =	vst v63  }
0x19b: {  	s24 =	simm.s32 $0x11400  }
0x19c: {  	[tilespmem:s24], [sflag:$0x3] =	stream.indirect_vreg.gather [hbm4b:s6+s3], $0x80, v2, vm0, $0xb8;
	[tilespmem:$0x1C400] =	vst v63  }
0x19d: {  	s30 =	simm.s32 $0x11C00;
	s16 =	simm.s32 $0x4  }
0x19e: {  	[tilespmem:s30], [sflag:$0x3] =	stream.indirect_vreg.gather [hbm4b:s8+s3], $0x80, v2, vm0, $0xb8;
	[tilespmem:$0x1C400] =	vst v63  }
0x19f: {  	_ =	swait.ge [sflag:s16], $0x2000  }
0x1a0: {  	[sflag:s16] =	ssyncset.done $0x0  }
0x1a1: {  	[sflag:s16] =	ssyncadd.s32 $0xFFFFE000  }
0x1a2: {  	_ =	swait.ge [sflag:s20], $0x400  }
0x1a3: {  	s24 =	sld [smem:$0x7FD]  }
0x1a4: {  	[sflag:s20] =	ssyncset.done $0x0  }
0x1a5: {  	s7 =	simm.s32 $0x12400;
	s30 =	simm.s32 $0xC;
	[sflag:s20] =	ssyncadd.s32 $0xFFFFFC00  }
0x1a6: {  	[spmem:s24] =	stream.linear.scatter [tilespmem:s7], [sflag:$0xC], $0x2000, $0x38;
	[tilespmem:$0x1C400] =	vst v63  }
0x1a7: {  	_ =	swait.ge [sflag:s30], $0x2000  }
0x1a8: {  	[sflag:s30] =	ssyncset.done $0x0;
	s28 =	sld [smem:$0x7F8]  }
0x1a9: {  	[sflag:s30] =	ssyncadd.s32 $0xFFFFE000;
	s30 =	sld [smem:$0x7F7];
	_ =	sdelay $0x1  }
0x1aa: {  	s24 =	sadd.s32 $0x2C00, s12  }
0x1ab: {  	[hbm:s24], [sflag:s30] =	dma.local [spmem:s28], $0x400  }
0x1ac: {  	v2 =	vld.msk [tilespmem:s29+$0xFFFFFFE0], $0xff;
	_ =	sdelay $0x4  }
0x1ad: {  	v3 =	vshll.u32 v2, $0x3  }
0x1ae: {  	v2 =	vand.u32 $0x7, v2;
	v3 =	vand.u32 $0xFFFFFFC0, v3  }
0x1af: {  	v2 =	vor.u32 v2, v3  }
0x1b0: {  	v2 =	vperm.xlane v2, v0;
	_ =	sdelay $0x1  }
0x1b1: {  	v2 =	vadd.s32 v1, v2;
	_ =	sdelay $0x4  }
0x1b2: {  	[tilespmem:s7], [sflag:$0x4] =	stream.indirect_vreg.gather [hbm4b:s1+s3], $0x80, v2, vm0, $0xb8;
	[tilespmem:$0x1C400] =	vst v63  }
0x1b3: {  	s16 =	simm.s32 $0x12C00  }
0x1b4: {  	[tilespmem:s16], [sflag:$0x4] =	stream.indirect_vreg.gather [hbm4b:s5+s3], $0x80, v2, vm0, $0xb8;
	[tilespmem:$0x1C400] =	vst v63  }
0x1b5: {  	s24 =	simm.s32 $0x13400  }
0x1b6: {  	[tilespmem:s24], [sflag:$0x4] =	stream.indirect_vreg.gather [hbm4b:s6+s3], $0x80, v2, vm0, $0xb8;
	[tilespmem:$0x1C400] =	vst v63  }
0x1b7: {  	s30 =	simm.s32 $0x13C00;
	s16 =	simm.s32 $0x5  }
0x1b8: {  	[tilespmem:s30], [sflag:$0x4] =	stream.indirect_vreg.gather [hbm4b:s8+s3], $0x80, v2, vm0, $0xb8;
	[tilespmem:$0x1C400] =	vst v63  }
0x1b9: {  	_ =	swait.ge [sflag:s16], $0x2000  }
0x1ba: {  	[sflag:s16] =	ssyncset.done $0x0  }
0x1bb: {  	[sflag:s16] =	ssyncadd.s32 $0xFFFFE000  }
0x1bc: {  	_ =	swait.ge [sflag:s2], $0x400  }
0x1bd: {  	s28 =	simm.s32 $0x14400;
	[sflag:s2] =	ssyncset.done $0x0  }
0x1be: {  	s30 =	simm.s32 $0xD;
	s24 =	rddreg [dreg:$0x19];
	[sflag:s2] =	ssyncadd.s32 $0xFFFFFC00  }
0x1bf: {  	[spmem:s24] =	stream.linear.scatter [tilespmem:s28], [sflag:$0xD], $0x2000, $0x38;
	[tilespmem:$0x1C400] =	vst v63  }
0x1c0: {  	_ =	swait.ge [sflag:s30], $0x2000  }
0x1c1: {  	[sflag:s30] =	ssyncset.done $0x0;
	s24 =	sld [smem:$0x7F9]  }
0x1c2: {  	[sflag:s30] =	ssyncadd.s32 $0xFFFFE000;
	s30 =	sld [smem:$0x7FA];
	_ =	sdelay $0x1  }
0x1c3: {  	s7 =	sadd.s32 $0x3000, s12  }
0x1c4: {  	[hbm:s7], [sflag:s24] =	dma.local [spmem:s30], $0x400  }
0x1c5: {  	v2 =	vld.msk [tilespmem:s29+$0xFFFFFFE8], $0xff;
	_ =	sdelay $0x4  }
0x1c6: {  	v3 =	vshll.u32 v2, $0x3  }
0x1c7: {  	v2 =	vand.u32 $0x7, v2;
	v3 =	vand.u32 $0xFFFFFFC0, v3  }
0x1c8: {  	v2 =	vor.u32 v2, v3  }
0x1c9: {  	v2 =	vperm.xlane v2, v0;
	_ =	sdelay $0x1  }
0x1ca: {  	v2 =	vadd.s32 v1, v2;
	_ =	sdelay $0x4  }
0x1cb: {  	[tilespmem:s28], [sflag:$0x5] =	stream.indirect_vreg.gather [hbm4b:s1+s3], $0x80, v2, vm0, $0xb8;
	[tilespmem:$0x1C400] =	vst v63  }
0x1cc: {  	s30 =	simm.s32 $0x14C00  }
0x1cd: {  	[tilespmem:s30], [sflag:$0x5] =	stream.indirect_vreg.gather [hbm4b:s5+s3], $0x80, v2, vm0, $0xb8;
	[tilespmem:$0x1C400] =	vst v63  }
0x1ce: {  	s24 =	simm.s32 $0x15400  }
0x1cf: {  	[tilespmem:s24], [sflag:$0x5] =	stream.indirect_vreg.gather [hbm4b:s6+s3], $0x80, v2, vm0, $0xb8;
	[tilespmem:$0x1C400] =	vst v63  }
0x1d0: {  	s30 =	simm.s32 $0x15C00;
	s24 =	simm.s32 $0x6  }
0x1d1: {  	[tilespmem:s30], [sflag:$0x5] =	stream.indirect_vreg.gather [hbm4b:s8+s3], $0x80, v2, vm0, $0xb8;
	[tilespmem:$0x1C400] =	vst v63  }
0x1d2: {  	_ =	swait.ge [sflag:s24], $0x2000  }
0x1d3: {  	[sflag:s24] =	ssyncset.done $0x0  }
0x1d4: {  	[sflag:s24] =	ssyncadd.s32 $0xFFFFE000  }
0x1d5: {  	_ =	swait.ge [sflag:s21], $0x400  }
0x1d6: {  	[sflag:s21] =	ssyncset.done $0x0  }
0x1d7: {  	s24 =	simm.s32 $0x16400;
	s30 =	rddreg [dreg:$0x18];
	[sflag:s21] =	ssyncadd.s32 $0xFFFFFC00  }
0x1d8: {  	[spmem:s30] =	stream.linear.scatter [tilespmem:s24], [sflag:$0xE], $0x2000, $0x38;
	[tilespmem:$0x1C400] =	vst v63  }
0x1d9: {  	s30 =	simm.s32 $0xE  }
0x1da: {  	_ =	swait.ge [sflag:s30], $0x2000  }
0x1db: {  	[sflag:s30] =	ssyncset.done $0x0;
	s28 =	sld [smem:$0x7FB]  }
0x1dc: {  	[sflag:s30] =	ssyncadd.s32 $0xFFFFE000;
	s30 =	sld [smem:$0x7FC];
	_ =	sdelay $0x1  }
0x1dd: {  	s16 =	sadd.s32 $0x3400, s12  }
0x1de: {  	[hbm:s16], [sflag:s28] =	dma.local [spmem:s30], $0x400  }
0x1df: {  	v2 =	vld.msk [tilespmem:s29+$0xFFFFFFF0], $0xff;
	_ =	sdelay $0x4  }
0x1e0: {  	v3 =	vshll.u32 v2, $0x3  }
0x1e1: {  	v2 =	vand.u32 $0x7, v2;
	v3 =	vand.u32 $0xFFFFFFC0, v3  }
0x1e2: {  	v2 =	vor.u32 v2, v3  }
0x1e3: {  	v2 =	vperm.xlane v2, v0;
	_ =	sdelay $0x1  }
0x1e4: {  	v2 =	vadd.s32 v1, v2;
	_ =	sdelay $0x4  }
0x1e5: {  	[tilespmem:s24], [sflag:$0x6] =	stream.indirect_vreg.gather [hbm4b:s1+s3], $0x80, v2, vm0, $0xb8;
	[tilespmem:$0x1C400] =	vst v63  }
0x1e6: {  	s30 =	simm.s32 $0x16C00  }
0x1e7: {  	[tilespmem:s30], [sflag:$0x6] =	stream.indirect_vreg.gather [hbm4b:s5+s3], $0x80, v2, vm0, $0xb8;
	[tilespmem:$0x1C400] =	vst v63  }
0x1e8: {  	s24 =	simm.s32 $0x17400  }
0x1e9: {  	[tilespmem:s24], [sflag:$0x6] =	stream.indirect_vreg.gather [hbm4b:s6+s3], $0x80, v2, vm0, $0xb8;
	[tilespmem:$0x1C400] =	vst v63  }
0x1ea: {  	s30 =	simm.s32 $0x17C00;
	s24 =	simm.s32 $0x7  }
0x1eb: {  	[tilespmem:s30], [sflag:$0x6] =	stream.indirect_vreg.gather [hbm4b:s8+s3], $0x80, v2, vm0, $0xb8;
	[tilespmem:$0x1C400] =	vst v63  }
0x1ec: {  	_ =	swait.ge [sflag:s24], $0x2000  }
0x1ed: {  	[sflag:s24] =	ssyncset.done $0x0  }
0x1ee: {  	[sflag:s24] =	ssyncadd.s32 $0xFFFFE000  }
0x1ef: {  	_ =	swait.ge [sflag:s14], $0x400  }
0x1f0: {  	[sflag:s14] =	ssyncset.done $0x0  }
0x1f1: {  	s30 =	simm.s32 $0xF;
	s24 =	simm.s32 $0x18400;
	[sflag:s14] =	ssyncadd.s32 $0xFFFFFC00  }
0x1f2: {  	[spmem:s10] =	stream.linear.scatter [tilespmem:s24], [sflag:$0xF], $0x2000, $0x38;
	[tilespmem:$0x1C400] =	vst v63  }
0x1f3: {  	_ =	swait.ge [sflag:s30], $0x2000  }
0x1f4: {  	[sflag:s30] =	ssyncset.done $0x0  }
0x1f5: {  	[sflag:s30] =	ssyncadd.s32 $0xFFFFE000;
	s30 =	sadd.s32 $0x3800, s12  }
0x1f6: {  	[hbm:s30], [sflag:s26] =	dma.local [spmem:s9], $0x400  }
0x1f7: {  	v2 =	vld.msk [tilespmem:s29+$0xFFFFFFF8], $0xff;
	_ =	sdelay $0x4  }
0x1f8: {  	v3 =	vshll.u32 v2, $0x3  }
0x1f9: {  	v2 =	vand.u32 $0x7, v2;
	v3 =	vand.u32 $0xFFFFFFC0, v3  }
0x1fa: {  	v2 =	vor.u32 v2, v3  }
0x1fb: {  	v2 =	vperm.xlane v2, v0;
	_ =	sdelay $0x1  }
0x1fc: {  	v2 =	vadd.s32 v1, v2;
	_ =	sdelay $0x4  }
0x1fd: {  	[tilespmem:s24], [sflag:$0x7] =	stream.indirect_vreg.gather [hbm4b:s1+s3], $0x80, v2, vm0, $0xb8;
	[tilespmem:$0x1C400] =	vst v63  }
0x1fe: {  	s24 =	simm.s32 $0x18C00  }
0x1ff: {  	[tilespmem:s24], [sflag:$0x7] =	stream.indirect_vreg.gather [hbm4b:s5+s3], $0x80, v2, vm0, $0xb8;
	[tilespmem:$0x1C400] =	vst v63  }
0x200: {  	s26 =	simm.s32 $0x19400  }
0x201: {  	[tilespmem:s26], [sflag:$0x7] =	stream.indirect_vreg.gather [hbm4b:s6+s3], $0x80, v2, vm0, $0xb8;
	[tilespmem:$0x1C400] =	vst v63  }
0x202: {  	s30 =	simm.s32 $0x19C00  }
0x203: {  	[tilespmem:s30], [sflag:$0x7] =	stream.indirect_vreg.gather [hbm4b:s8+s3], $0x80, v2, vm0, $0xb8;
	[tilespmem:$0x1C400] =	vst v63  }
0x204: {  	_ =	swait.ge [sflag:s4], $0x2000  }
0x205: {  	[sflag:s4] =	ssyncset.done $0x0  }
0x206: {  	[sflag:s4] =	ssyncadd.s32 $0xFFFFE000  }
0x207: {  	_ =	swait.ge [sflag:s18], $0x400  }
0x208: {  	[sflag:s18] =	ssyncset.done $0x0  }
0x209: {  	s9 =	simm.s32 $0x1A400;
	[sflag:s18] =	ssyncadd.s32 $0xFFFFFC00  }
0x20a: {  	[spmem:s22] =	stream.linear.scatter [tilespmem:s9], [sflag:$0x10], $0x2000, $0x38;
	[tilespmem:$0x1C400] =	vst v63  }
0x20b: {  	_ =	swait.ge [sflag:s13], $0x2000  }
0x20c: {  	[sflag:s13] =	ssyncset.done $0x0  }
0x20d: {  	s12 =	sadd.s32 $0x3C00, s12;
	[sflag:s13] =	ssyncadd.s32 $0xFFFFE000  }
0x20e: {  	[hbm:s12], [sflag:s0] =	dma.local [spmem:s15], $0x400  }
0x20f: {  	v2 =	vld.msk [tilespmem:s29+$0x0], $0xff;
	_ =	sdelay $0x4  }
0x210: {  	v3 =	vshll.u32 v2, $0x3  }
0x211: {  	v2 =	vand.u32 $0x7, v2;
	v3 =	vand.u32 $0xFFFFFFC0, v3  }
0x212: {  	v2 =	vor.u32 v2, v3  }
0x213: {  	v2 =	vperm.xlane v2, v0;
	_ =	sdelay $0x1  }
0x214: {  	v2 =	vadd.s32 v1, v2;
	_ =	sdelay $0x3  }
0x215: {  	s11 =	simm.s32 $0xC400;
	s31 =	simm.s32 $0x12400;
	p0 =	sne.s32 s19, $0x1A000  }
0x216: {  	[tilespmem:s9], [sflag:$0x8] =	stream.indirect_vreg.gather [hbm4b:s1+s3], $0x80, v2, vm0, $0xb8;
	[tilespmem:$0x1C400] =	vst v63  }
0x217: {  	s19 =	sadd.s32 $0x2000, s19;
	s17 =	simm.s32 $0xE400;
	s15 =	simm.s32 $0x1AC00  }
0x218: {  	[tilespmem:s15], [sflag:$0x8] =	stream.indirect_vreg.gather [hbm4b:s5+s3], $0x80, v2, vm0, $0xb8;
	[tilespmem:$0x1C400] =	vst v63  }
.Ltmp1:
0x219: {  	s23 =	simm.s32 $0x10400;
	s7 =	simm.s32 $0x14400;
	(pc) =	sbr.rel @p0 .LBB2_4-.Ltmp1, $4  }
0x21a: {  	s28 =	simm.s32 $0x16400;
	s16 =	simm.s32 $0x18400;
	s26 =	simm.s32 $0x1B400  }
0x21b: {  	[tilespmem:s26], [sflag:$0x8] =	stream.indirect_vreg.gather [hbm4b:s6+s3], $0x80, v2, vm0, $0xb8;
	[tilespmem:$0x1C400] =	vst v63  }
0x21c: {  	s24 =	simm.s32 $0x1A400;
	s30 =	simm.s32 $0x1BC00;
	s29 =	sadd.s32 $0x40, s29  }
0x21d: {  	[tilespmem:s30], [sflag:$0x8] =	stream.indirect_vreg.gather [hbm4b:s8+s3], $0x80, v2, vm0, $0xb8;
	[tilespmem:$0x1C400] =	vst v63  }
0x21e: {  	s0 =	simm.s32 $0x1  }
0x21f: {  	_ =	swait.ge [sflag:s0], $0x2000  }
0x220: {  	[sflag:s0] =	ssyncset.done $0x0  }
0x221: {  	[sflag:s0] =	ssyncadd.s32 $0xFFFFE000  }
0x222: {  	_ =	swait.ge [sflag:s14], $0x400  }
0x223: {  	[sflag:s14] =	ssyncset.done $0x0  }
0x224: {  	s12 =	simm.s32 $0x9;
	[sflag:s14] =	ssyncadd.s32 $0xFFFFFC00  }
0x225: {  	[spmem:s10] =	stream.linear.scatter [tilespmem:s11], [sflag:$0x9], $0x2000, $0x38;
	[tilespmem:$0x1C400] =	vst v63  }
0x226: {  	_ =	swait.ge [sflag:s12], $0x2000  }
0x227: {  	s19 =	rddreg [dreg:$0x1b]  }
0x228: {  	[sflag:s12] =	ssyncset.done $0x0;
	s9 =	rddreg [dreg:$0x1c]  }
0x229: {  	s15 =	simm.s32 $0x2;
	[sflag:s12] =	ssyncadd.s32 $0xFFFFE000;
	s12 =	rddreg [dreg:$0xf]  }
0x22a: {  	[hbm:s12], [sflag:s19] =	dma.local [spmem:s9], $0x400  }
0x22b: {  	_ =	swait.ge [sflag:s15], $0x2000  }
0x22c: {  	[sflag:s15] =	ssyncset.done $0x0  }
0x22d: {  	[sflag:s15] =	ssyncadd.s32 $0xFFFFE000  }
0x22e: {  	_ =	swait.ge [sflag:s18], $0x400  }
0x22f: {  	[sflag:s18] =	ssyncset.done $0x0  }
0x230: {  	[sflag:s18] =	ssyncadd.s32 $0xFFFFFC00  }
0x231: {  	[spmem:s22] =	stream.linear.scatter [tilespmem:s17], [sflag:$0xA], $0x2000, $0x38;
	[tilespmem:$0x1C400] =	vst v63  }
0x232: {  	s17 =	simm.s32 $0xA  }
0x233: {  	_ =	swait.ge [sflag:s17], $0x2000  }
0x234: {  	s26 =	rddreg [dreg:$0x10]  }
0x235: {  	[sflag:s17] =	ssyncset.done $0x0;
	s0 =	rddreg [dreg:$0x1d]  }
0x236: {  	s30 =	simm.s32 $0x3;
	s15 =	rddreg [dreg:$0x1e];
	[sflag:s17] =	ssyncadd.s32 $0xFFFFE000  }
0x237: {  	[hbm:s26], [sflag:s0] =	dma.local [spmem:s15], $0x400  }
0x238: {  	_ =	swait.ge [sflag:s30], $0x2000  }
0x239: {  	[sflag:s30] =	ssyncset.done $0x0  }
0x23a: {  	[sflag:s30] =	ssyncadd.s32 $0xFFFFE000  }
0x23b: {  	_ =	swait.ge [sflag:s25], $0x400  }
0x23c: {  	[sflag:s25] =	ssyncset.done $0x0  }
0x23d: {  	s12 =	simm.s32 $0xB;
	s26 =	rddreg [dreg:$0x1f];
	[sflag:s25] =	ssyncadd.s32 $0xFFFFFC00  }
0x23e: {  	[spmem:s26] =	stream.linear.scatter [tilespmem:s23], [sflag:$0xB], $0x2000, $0x38;
	[tilespmem:$0x1C400] =	vst v63  }
0x23f: {  	_ =	swait.ge [sflag:s12], $0x2000  }
0x240: {  	s23 =	sld [smem:$0x7F5]  }
0x241: {  	s26 =	sld [smem:$0x7F6]  }
0x242: {  	[sflag:s12] =	ssyncset.done $0x0  }
0x243: {  	s30 =	simm.s32 $0x4;
	s17 =	rddreg [dreg:$0x11];
	[sflag:s12] =	ssyncadd.s32 $0xFFFFE000  }
0x244: {  	[hbm:s17], [sflag:s23] =	dma.local [spmem:s26], $0x400  }
0x245: {  	_ =	swait.ge [sflag:s30], $0x2000  }
0x246: {  	[sflag:s30] =	ssyncset.done $0x0  }
0x247: {  	[sflag:s30] =	ssyncadd.s32 $0xFFFFE000  }
0x248: {  	_ =	swait.ge [sflag:s20], $0x400  }
0x249: {  	s29 =	sld [smem:$0x7FD]  }
0x24a: {  	[sflag:s20] =	ssyncset.done $0x0  }
0x24b: {  	s12 =	simm.s32 $0xC;
	[sflag:s20] =	ssyncadd.s32 $0xFFFFFC00  }
0x24c: {  	[spmem:s29] =	stream.linear.scatter [tilespmem:s31], [sflag:$0xC], $0x2000, $0x38;
	[tilespmem:$0x1C400] =	vst v63  }
0x24d: {  	_ =	swait.ge [sflag:s12], $0x2000  }
0x24e: {  	s23 =	sld [smem:$0x7F7]  }
0x24f: {  	s26 =	sld [smem:$0x7F8]  }
0x250: {  	[sflag:s12] =	ssyncset.done $0x0  }
0x251: {  	s30 =	simm.s32 $0x5;
	s17 =	rddreg [dreg:$0x13];
	[sflag:s12] =	ssyncadd.s32 $0xFFFFE000  }
0x252: {  	[hbm:s17], [sflag:s23] =	dma.local [spmem:s26], $0x400  }
0x253: {  	_ =	swait.ge [sflag:s30], $0x2000  }
0x254: {  	[sflag:s30] =	ssyncset.done $0x0  }
0x255: {  	[sflag:s30] =	ssyncadd.s32 $0xFFFFE000  }
0x256: {  	_ =	swait.ge [sflag:s2], $0x400  }
0x257: {  	[sflag:s2] =	ssyncset.done $0x0  }
0x258: {  	s17 =	simm.s32 $0xD;
	s11 =	rddreg [dreg:$0x19];
	[sflag:s2] =	ssyncadd.s32 $0xFFFFFC00  }
0x259: {  	[spmem:s11] =	stream.linear.scatter [tilespmem:s7], [sflag:$0xD], $0x2000, $0x38;
	[tilespmem:$0x1C400] =	vst v63  }
0x25a: {  	_ =	swait.ge [sflag:s17], $0x2000  }
0x25b: {  	s26 =	sld [smem:$0x7F9]  }
0x25c: {  	s30 =	sld [smem:$0x7FA]  }
0x25d: {  	[sflag:s17] =	ssyncset.done $0x0  }
0x25e: {  	s12 =	simm.s32 $0x6;
	s23 =	rddreg [dreg:$0x14];
	[sflag:s17] =	ssyncadd.s32 $0xFFFFE000  }
0x25f: {  	[hbm:s23], [sflag:s26] =	dma.local [spmem:s30], $0x400  }
0x260: {  	_ =	swait.ge [sflag:s12], $0x2000  }
0x261: {  	[sflag:s12] =	ssyncset.done $0x0  }
0x262: {  	[sflag:s12] =	ssyncadd.s32 $0xFFFFE000  }
0x263: {  	_ =	swait.ge [sflag:s21], $0x400  }
0x264: {  	[sflag:s21] =	ssyncset.done $0x0  }
0x265: {  	s23 =	simm.s32 $0xE;
	s17 =	rddreg [dreg:$0x18];
	[sflag:s21] =	ssyncadd.s32 $0xFFFFFC00  }
0x266: {  	[spmem:s17] =	stream.linear.scatter [tilespmem:s28], [sflag:$0xE], $0x2000, $0x38;
	[tilespmem:$0x1C400] =	vst v63  }
0x267: {  	_ =	swait.ge [sflag:s23], $0x2000  }
0x268: {  	s30 =	sld [smem:$0x7FB]  }
0x269: {  	s7 =	sld [smem:$0x7FC]  }
0x26a: {  	[sflag:s23] =	ssyncset.done $0x0  }
0x26b: {  	s12 =	simm.s32 $0x7;
	s26 =	rddreg [dreg:$0x15];
	[sflag:s23] =	ssyncadd.s32 $0xFFFFE000  }
0x26c: {  	[hbm:s26], [sflag:s30] =	dma.local [spmem:s7], $0x400  }
0x26d: {  	_ =	swait.ge [sflag:s12], $0x2000  }
0x26e: {  	[sflag:s12] =	ssyncset.done $0x0  }
0x26f: {  	[sflag:s12] =	ssyncadd.s32 $0xFFFFE000  }
0x270: {  	_ =	swait.ge [sflag:s14], $0x400  }
0x271: {  	[sflag:s14] =	ssyncset.done $0x0  }
0x272: {  	s17 =	simm.s32 $0xF;
	[sflag:s14] =	ssyncadd.s32 $0xFFFFFC00  }
0x273: {  	[spmem:s10] =	stream.linear.scatter [tilespmem:s16], [sflag:$0xF], $0x2000, $0x38;
	[tilespmem:$0x1C400] =	vst v63  }
0x274: {  	_ =	swait.ge [sflag:s17], $0x2000  }
0x275: {  	[sflag:s17] =	ssyncset.done $0x0  }
0x276: {  	s23 =	rddreg [dreg:$0x16];
	[sflag:s17] =	ssyncadd.s32 $0xFFFFE000  }
0x277: {  	[hbm:s23], [sflag:s19] =	dma.local [spmem:s9], $0x400  }
0x278: {  	_ =	swait.ge [sflag:s4], $0x2000  }
0x279: {  	[sflag:s4] =	ssyncset.done $0x0  }
0x27a: {  	[sflag:s4] =	ssyncadd.s32 $0xFFFFE000  }
0x27b: {  	_ =	swait.ge [sflag:s18], $0x400  }
0x27c: {  	[sflag:s18] =	ssyncset.done $0x0  }
0x27d: {  	[sflag:s18] =	ssyncadd.s32 $0xFFFFFC00  }
0x27e: {  	[spmem:s22] =	stream.linear.scatter [tilespmem:s24], [sflag:$0x10], $0x2000, $0x38;
	[tilespmem:$0x1C400] =	vst v63  }
0x27f: {  	_ =	swait.ge [sflag:s13], $0x2000  }
0x280: {  	[sflag:s13] =	ssyncset.done $0x0  }
0x281: {  	s24 =	rddreg [dreg:$0x17];
	[sflag:s13] =	ssyncadd.s32 $0xFFFFE000  }
0x282: {  	[hbm:s24], [sflag:s0] =	dma.local [spmem:s15], $0x400  }
0x283: {  	_ =	swait.ge [sflag:s14], $0x400  }
0x284: {  	[sflag:s14] =	ssyncset.done $0x0  }
0x285: {  	[sflag:s14] =	ssyncadd.s32 $0xFFFFFC00  }
0x286: {  	_ =	swait.ge [sflag:s18], $0x400  }
0x287: {  	[sflag:s18] =	ssyncset.done $0x0  }
0x288: {  	[sflag:s18] =	ssyncadd.s32 $0xFFFFFC00  }
0x289: {  	_ =	swait.ge [sflag:s25], $0x400  }
0x28a: {  	[sflag:s25] =	ssyncset.done $0x0  }
0x28b: {  	[sflag:s25] =	ssyncadd.s32 $0xFFFFFC00  }
0x28c: {  	_ =	swait.ge [sflag:s20], $0x400  }
0x28d: {  	[sflag:s20] =	ssyncset.done $0x0  }
0x28e: {  	[sflag:s20] =	ssyncadd.s32 $0xFFFFFC00  }
0x28f: {  	_ =	swait.ge [sflag:s2], $0x400  }
0x290: {  	[sflag:s2] =	ssyncset.done $0x0  }
0x291: {  	[sflag:s2] =	ssyncadd.s32 $0xFFFFFC00  }
0x292: {  	_ =	swait.ge [sflag:s21], $0x400  }
0x293: {  	s26 =	rddreg [dreg:$0x1a]  }
0x294: {  	s30 =	rddreg [dreg:$0x12];
	s4 =	sadd.s32 $0x1, s26  }
0x295: {  	s31 =	simm.s32 $0x13C00;
	p0 =	sne.s32 s4, s30  }
.Ltmp2:
0x296: {  	s11 =	simm.s32 $0xD400;
	s28 =	simm.s32 $0x12C00;
	(pc) =	sbr.rel @p0 .LBB2_1-.Ltmp2, $4  }
0x297: {  	s7 =	simm.s32 $0x10C00;
	s12 =	simm.s32 $0x12400;
	s17 =	simm.s32 $0xF400  }
0x298: {  	s23 =	simm.s32 $0x11400;
	s13 =	simm.s32 $0xDC00;
	s15 =	simm.s32 $0xEC00  }
0x299: {  	s24 =	simm.s32 $0x13400;
	s20 =	simm.s32 $0xFC00;
	[sflag:s21] =	ssyncset.done $0x0  }
0x29a: {  	s2 =	simm.s32 $0xCC00;
	[sflag:s21] =	ssyncadd.s32 $0xFFFFFC00;
	s26 =	simm.s32 $0x11C00  }
0x29b: {  	_ =	sfence.sel $0x180000  }
0x29c: {  	[bflag:$0x0] =	sbarrier.arrive $0xFFFF  }
0x29d: {  	_ =	strace $0x90000047  }
0x29e: {  	s0 =	stileid.u32;
	[bflag:$0x2] =	sbarrier.arrive $0xFFFF  }
0x29f: {  	p0 =	sne.s32 s0, $0x0;
	s0 =	rddreg [dreg:$0x4]  }
0x2a0: {  	s0 =	sadd.s32 @!p0 $0x100000, s0  }
0x2a1: {  	[sflag:s0] =	ssyncadd.tile.s32 @!p0 $0x1;
	_ =	shalt  }
.Lfunc_end2:
_tile_overlayer_lowered:
.L_overlay_start_2:
0x2a2: {  	(tag) =	ssettag $0x2  }
0x2a3: {  	s0 =	rddreg [dreg:$0x0];
	s2 =	stileid.u32  }
0x2a4: {  	s1 =	rddreg [dreg:$0x1];
	p0 =	sne.s32 s2, $0x0  }
0x2a5: {  	s3 =	rddreg [dreg:$0x2];
	[bflag:$0x3] =	sbarrier.arrive $0xFFFF;
	s2 =	simm.s32 @!p0 $0x1C17  }
0x2a6: {  	[timem:s3], [sflag:s2] =	dma.local @!p0 [hbm:s0], s1  }
0x2a7: {  	s0 =	simm.s32 @!p0 $0x17  }
0x2a8: {  	_ =	swait.ge @!p0 [sflag:s0], s1  }
0x2a9: {  	s1 =	ssub.s32 @!p0 $0x0, s1;
	[sflag:s0] =	ssyncset.done @!p0 $0x0  }
0x2aa: {  	[sflag:s0] =	ssyncadd.s32 @!p0 s1  }
0x2ab: {  	[bflag:$0x3] =	sbarrier.arrive $0xFFFF  }
0x2ac: {  	_ =	shalt  }

</sc_bundles>
